<compile_context>
chip_gen: v7x
topology: tpu7x:2x2x1
jax: 0.10.2.dev20260603
libtpu: 0.0.44.dev20260713+nightly
codegen_flags: <defaults>
</compile_context>

<pallas_src>
import functools

import jax
import jax.numpy as jnp
from jax import lax
from jax.experimental import pallas as pl
from jax.experimental.pallas import tpu as pltpu
from jax.experimental.pallas import tpu_sc as plsc

N = 10000
E = 160000
AF = 256
NF = 16
H = 2 * AF

NC = 2
NS = 16
NW = NC * NS
EW = E // NW
CHUNK = 40
NCHUNK = EW // CHUNK
Z_PAD = 10240
ROWS_PER_TILE = Z_PAD // NS


def _proj_body(a_ref, w1_ref, w2_ref, o1_ref, o2_ref):
    a = a_ref[...]
    o1_ref[...] = jnp.dot(a, w1_ref[...], preferred_element_type=jnp.float32)
    o2_ref[...] = jnp.dot(a, w2_ref[...], preferred_element_type=jnp.float32)


def _project(a, w1, w2):
    bn = 1000
    return pl.pallas_call(
        _proj_body,
        grid=(N // bn,),
        in_specs=[
            pl.BlockSpec((bn, AF), lambda i: (i, 0)),
            pl.BlockSpec((AF, H), lambda i: (0, 0)),
            pl.BlockSpec((AF, H), lambda i: (0, 0)),
        ],
        out_specs=[
            pl.BlockSpec((bn, H), lambda i: (i, 0)),
            pl.BlockSpec((bn, H), lambda i: (i, 0)),
        ],
        out_shape=[
            jax.ShapeDtypeStruct((N, H), jnp.float32),
            jax.ShapeDtypeStruct((N, H), jnp.float32),
        ],
    )(a, w1, w2)


NBUF_G = 2
NRND_G = NCHUNK // NBUF_G


def _gather_body(p1_hbm, p2_hbm, row_hbm, col_hbm, g1_hbm, g2_hbm,
                 *bufs_and_sems):
    idx1 = bufs_and_sems[0:NBUF_G]
    idx2 = bufs_and_sems[NBUF_G:2 * NBUF_G]
    buf1 = bufs_and_sems[2 * NBUF_G:3 * NBUF_G]
    buf2 = bufs_and_sems[3 * NBUF_G:4 * NBUF_G]
    semi = bufs_and_sems[4 * NBUF_G:5 * NBUF_G]
    semg = bufs_and_sems[5 * NBUF_G:6 * NBUF_G]
    semw = bufs_and_sems[6 * NBUF_G:7 * NBUF_G]
    cid = lax.axis_index("c")
    sid = lax.axis_index("s")
    wid = sid * NC + cid
    base0 = wid * EW

    def issue_idx(i, b):
        base = base0 + i * CHUNK
        pltpu.async_copy(row_hbm.at[pl.ds(base, CHUNK)], idx1[b], semi[b])
        pltpu.async_copy(col_hbm.at[pl.ds(base, CHUNK)], idx2[b], semi[b])

    def wait_idx(i, b):
        base = base0 + i * CHUNK
        pltpu.make_async_copy(row_hbm.at[pl.ds(base, CHUNK)], idx1[b],
                              semi[b]).wait()
        pltpu.make_async_copy(col_hbm.at[pl.ds(base, CHUNK)], idx2[b],
                              semi[b]).wait()

    def wait_wb(i, b):
        base = base0 + i * CHUNK
        pltpu.make_async_copy(buf1[b], g1_hbm.at[pl.ds(base, CHUNK)],
                              semw[b]).wait()
        pltpu.make_async_copy(buf2[b], g2_hbm.at[pl.ds(base, CHUNK)],
                              semw[b]).wait()

    for b in range(NBUF_G):
        issue_idx(b, b)

    @pl.loop(0, NRND_G)
    def _(g):
        for b in range(NBUF_G):
            i = g * NBUF_G + b
            wait_idx(i, b)

            @pl.when(g > 0)
            def _():
                wait_wb(i - NBUF_G, b)
            pltpu.async_copy(p1_hbm.at[idx1[b]], buf1[b], semg[b])
            pltpu.async_copy(p2_hbm.at[idx2[b]], buf2[b], semg[b])

        for b in range(NBUF_G):
            i = g * NBUF_G + b
            pltpu.make_async_copy(p1_hbm.at[idx1[b]], buf1[b], semg[b]).wait()
            pltpu.make_async_copy(p2_hbm.at[idx2[b]], buf2[b], semg[b]).wait()
            base = base0 + i * CHUNK
            pltpu.async_copy(buf1[b], g1_hbm.at[pl.ds(base, CHUNK)], semw[b])
            pltpu.async_copy(buf2[b], g2_hbm.at[pl.ds(base, CHUNK)], semw[b])

            @pl.when(i + NBUF_G < NBUF_G * NRND_G)
            def _():
                issue_idx(i + NBUF_G, b)

    for b in range(NBUF_G):
        wait_wb(NBUF_G * NRND_G - NBUF_G + b, b)

    i = NBUF_G * NRND_G
    issue_idx(i, 0)
    wait_idx(i, 0)
    d1 = pltpu.async_copy(p1_hbm.at[idx1[0]], buf1[0], semg[0])
    d2 = pltpu.async_copy(p2_hbm.at[idx2[0]], buf2[0], semg[0])
    d1.wait()
    d2.wait()
    base = base0 + i * CHUNK
    pltpu.sync_copy(buf1[0], g1_hbm.at[pl.ds(base, CHUNK)])
    pltpu.sync_copy(buf2[0], g2_hbm.at[pl.ds(base, CHUNK)])


def _edge_gather(p1, p2, row, col):
    mesh = plsc.VectorSubcoreMesh(core_axis_name="c", subcore_axis_name="s")
    return pl.kernel(
        _gather_body,
        out_type=[
            jax.ShapeDtypeStruct((E, H), jnp.float32),
            jax.ShapeDtypeStruct((E, H), jnp.float32),
        ],
        mesh=mesh,
        scratch_types=(
            [pltpu.VMEM((CHUNK,), jnp.int32) for _ in range(2 * NBUF_G)] +
            [pltpu.VMEM((CHUNK, H), jnp.float32) for _ in range(2 * NBUF_G)] +
            [pltpu.SemaphoreType.DMA for _ in range(3 * NBUF_G)]
        ),
    )(p1, p2, row, col)


def _fuse_body(g1_ref, g2_ref, nbr_ref, w3_ref, b_ref, x_ref, s_ref, q_ref):
    x = g1_ref[...] + g2_ref[...]
    x = x + jnp.dot(nbr_ref[...], w3_ref[...], preferred_element_type=jnp.float32)
    x = x + b_ref[...]
    x_ref[...] = x

    @pl.when(pl.program_id(0) == 0)
    def _():
        s_ref[...] = jnp.zeros_like(s_ref)
        q_ref[...] = jnp.zeros_like(q_ref)

    s_ref[...] += jnp.sum(x, axis=0, keepdims=True)
    q_ref[...] += jnp.sum(x * x, axis=0, keepdims=True)


def _fuse_stats(g1, g2, nbr, w3, b):
    be = 1000
    return pl.pallas_call(
        _fuse_body,
        grid=(E // be,),
        in_specs=[
            pl.BlockSpec((be, H), lambda i: (i, 0)),
            pl.BlockSpec((be, H), lambda i: (i, 0)),
            pl.BlockSpec((be, NF), lambda i: (i, 0)),
            pl.BlockSpec((NF, H), lambda i: (0, 0)),
            pl.BlockSpec((1, H), lambda i: (0, 0)),
        ],
        out_specs=[
            pl.BlockSpec((be, H), lambda i: (i, 0)),
            pl.BlockSpec((1, H), lambda i: (0, 0)),
            pl.BlockSpec((1, H), lambda i: (0, 0)),
        ],
        out_shape=[
            jax.ShapeDtypeStruct((E, H), jnp.float32),
            jax.ShapeDtypeStruct((1, H), jnp.float32),
            jax.ShapeDtypeStruct((1, H), jnp.float32),
        ],
    )(g1, g2, nbr, w3, b)


def _softplus(x):
    return jnp.maximum(x, 0.0) + jnp.log1p(jnp.exp(-jnp.abs(x)))


def _apply_body(x_ref, s_ref, q_ref, gm_ref, bt_ref, y0_ref, y1_ref):
    mean = s_ref[...] / E
    var = q_ref[...] / E - mean * mean
    scale = gm_ref[...] * lax.rsqrt(var + 1e-5)
    shift = bt_ref[...] - mean * scale
    xb = x_ref[...] * scale + shift
    filt = jax.nn.sigmoid(xb[:, :AF])
    core = _softplus(xb[:, AF:])
    y = filt * core
    y0_ref[...] = y[:, :AF // 2]
    y1_ref[...] = y[:, AF // 2:]


def _apply_act(x, s, q, gamma1, beta1):
    be = 1000
    return pl.pallas_call(
        _apply_body,
        grid=(E // be,),
        in_specs=[
            pl.BlockSpec((be, H), lambda i: (i, 0)),
            pl.BlockSpec((1, H), lambda i: (0, 0)),
            pl.BlockSpec((1, H), lambda i: (0, 0)),
            pl.BlockSpec((1, H), lambda i: (0, 0)),
            pl.BlockSpec((1, H), lambda i: (0, 0)),
        ],
        out_specs=[
            pl.BlockSpec((be, AF // 2), lambda i: (i, 0)),
            pl.BlockSpec((be, AF // 2), lambda i: (i, 0)),
        ],
        out_shape=[
            jax.ShapeDtypeStruct((E, AF // 2), jnp.float32),
            jax.ShapeDtypeStruct((E, AF // 2), jnp.float32),
        ],
    )(x, s, q, gamma1, beta1)


CH_S = 64
NCH_S = E // CH_S
NBUF_S = 5


def _scatter_body(y0_hbm, y1_hbm, col_hbm, zeros_hbm, z_hbm, acc_sh,
                  *bufs_and_sems):
    idxb = bufs_and_sems[0:NBUF_S]
    ybuf = bufs_and_sems[NBUF_S:2 * NBUF_S]
    semi = bufs_and_sems[2 * NBUF_S:3 * NBUF_S]
    semy = bufs_and_sems[3 * NBUF_S:4 * NBUF_S]
    sems = bufs_and_sems[4 * NBUF_S:5 * NBUF_S]
    cid = lax.axis_index("c")
    sid = lax.axis_index("s")
    pltpu.sync_copy(zeros_hbm, acc_sh.at[pl.ds(sid * ROWS_PER_TILE, ROWS_PER_TILE)])
    plsc.subcore_barrier()

    def run(y_hbm):
        def issue_loads(i, b):
            pltpu.async_copy(col_hbm.at[pl.ds(i * CH_S, CH_S)], idxb[b], semi[b])
            pltpu.async_copy(y_hbm.at[pl.ds(i * CH_S, CH_S)], ybuf[b], semy[b])

        def wait_loads(i, b):
            pltpu.make_async_copy(
                col_hbm.at[pl.ds(i * CH_S, CH_S)], idxb[b], semi[b]).wait()
            pltpu.make_async_copy(
                y_hbm.at[pl.ds(i * CH_S, CH_S)], ybuf[b], semy[b]).wait()

        for b in range(NBUF_S):
            issue_loads(b, b)

        @pl.loop(0, NCH_S // NBUF_S)
        def _(g):
            for b in range(NBUF_S):
                i = g * NBUF_S + b

                @pl.when(g > 0)
                def _():
                    pltpu.make_async_copy(ybuf[b], acc_sh.at[idxb[b]],
                                          sems[b]).wait()
                    issue_loads(i, b)

            for b in range(NBUF_S):
                i = g * NBUF_S + b
                wait_loads(i, b)
                pltpu.async_copy(ybuf[b], acc_sh.at[idxb[b]], sems[b], add=True)

        for b in range(NBUF_S):
            pltpu.make_async_copy(ybuf[b], acc_sh.at[idxb[b]], sems[b]).wait()

    @pl.when((sid == 0) & (cid == 0))
    def _():
        run(y0_hbm)

    @pl.when((sid == 0) & (cid == 1))
    def _():
        run(y1_hbm)

    plsc.subcore_barrier()
    pltpu.sync_copy(
        acc_sh.at[pl.ds(sid * ROWS_PER_TILE, ROWS_PER_TILE)],
        z_hbm.at[pl.ds(sid * ROWS_PER_TILE, ROWS_PER_TILE),
                 pl.ds(cid * (AF // NC), AF // NC)],
    )


def _segment_sum(y0, y1, col):
    mesh = plsc.VectorSubcoreMesh(core_axis_name="c", subcore_axis_name="s")
    zeros = jnp.zeros((ROWS_PER_TILE, AF // NC), jnp.float32)
    return pl.kernel(
        _scatter_body,
        out_type=jax.ShapeDtypeStruct((Z_PAD, AF), jnp.float32),
        mesh=mesh,
        scratch_types=(
            [pltpu.VMEM_SHARED((Z_PAD, AF // NC), jnp.float32)] +
            [pltpu.VMEM((CH_S,), jnp.int32) for _ in range(NBUF_S)] +
            [pltpu.VMEM((CH_S, AF // NC), jnp.float32) for _ in range(NBUF_S)] +
            [pltpu.SemaphoreType.DMA for _ in range(3 * NBUF_S)]
        ),
    )(y0, y1, col, zeros)


def _zstat_body(z_ref, s_ref, q_ref):
    z = z_ref[...]

    @pl.when(pl.program_id(0) == 0)
    def _():
        s_ref[...] = jnp.zeros_like(s_ref)
        q_ref[...] = jnp.zeros_like(q_ref)

    s_ref[...] += jnp.sum(z, axis=0, keepdims=True)
    q_ref[...] += jnp.sum(z * z, axis=0, keepdims=True)


def _z_stats(z):
    bn = 1000
    return pl.pallas_call(
        _zstat_body,
        grid=(N // bn,),
        in_specs=[pl.BlockSpec((bn, AF), lambda i: (i, 0))],
        out_specs=[
            pl.BlockSpec((1, AF), lambda i: (0, 0)),
            pl.BlockSpec((1, AF), lambda i: (0, 0)),
        ],
        out_shape=[
            jax.ShapeDtypeStruct((1, AF), jnp.float32),
            jax.ShapeDtypeStruct((1, AF), jnp.float32),
        ],
    )(z)


def _final_body(a_ref, z_ref, s_ref, q_ref, gm_ref, bt_ref, o_ref):
    mean = s_ref[...] / N
    var = q_ref[...] / N - mean * mean
    scale = gm_ref[...] * lax.rsqrt(var + 1e-5)
    shift = bt_ref[...] - mean * scale
    o_ref[...] = _softplus(a_ref[...] + z_ref[...] * scale + shift)


def _finalize(a, z, s, q, gamma2, beta2):
    bn = 1000
    return pl.pallas_call(
        _final_body,
        grid=(N // bn,),
        in_specs=[
            pl.BlockSpec((bn, AF), lambda i: (i, 0)),
            pl.BlockSpec((bn, AF), lambda i: (i, 0)),
            pl.BlockSpec((1, AF), lambda i: (0, 0)),
            pl.BlockSpec((1, AF), lambda i: (0, 0)),
            pl.BlockSpec((1, AF), lambda i: (0, 0)),
            pl.BlockSpec((1, AF), lambda i: (0, 0)),
        ],
        out_specs=pl.BlockSpec((bn, AF), lambda i: (i, 0)),
        out_shape=jax.ShapeDtypeStruct((N, AF), jnp.float32),
    )(a, z, s, q, gamma2, beta2)


def kernel(atom_in_fea, nbr_fea, nbr_fea_idx, batch, W, b, gamma1, beta1,
           gamma2, beta2):
    del batch
    w1 = W[:AF, :]
    w2 = W[AF:2 * AF, :]
    w3 = W[2 * AF:, :]
    row = nbr_fea_idx[0]
    col = nbr_fea_idx[1]

    p1, p2 = _project(atom_in_fea, w1, w2)
    g1, g2 = _edge_gather(p1, p2, row, col)
    x, s1, q1 = _fuse_stats(g1, g2, nbr_fea, w3, b.reshape(1, H))
    y0, y1 = _apply_act(x, s1, q1, gamma1.reshape(1, H), beta1.reshape(1, H))
    z = _segment_sum(y0, y1, col)[:N]
    s2, q2 = _z_stats(z)
    out = _finalize(atom_in_fea, z, s2, q2, gamma2.reshape(1, AF),
                    beta2.reshape(1, AF))
    return out

# --- scband reference (transcript-rebuilt; emitter-appended) ---
"""Pipeline reference for scband-conv-layer-77421080477906 (READ-ONLY COPY).

The authoritative reference and input builder live on the scoring server;
editing this copy changes nothing except your own understanding.
"""

import jax, jax.numpy as jnp
import numpy as np

N = 10000
E = 160000
AF = 256
NF = 16


def setup_inputs(seed: int = 0) -> dict:
    key = jax.random.key(seed)
    k1, k2, k3, k4 = jax.random.split(key, 4)
    atom_in_fea = jax.random.normal(k1, (N, AF), dtype=jnp.float32)
    nbr_fea = jax.random.normal(k2, (E, NF), dtype=jnp.float32)
    nbr_fea_idx = jax.random.randint(k3, (2, E), 0, N)
    batch = jnp.zeros((N,), dtype=jnp.int32)
    # parameters: fc_full Linear(2*AF+NF -> 2*AF), BN1(2*AF), BN2(AF)
    W = jax.random.normal(k4, (2 * AF + NF, 2 * AF), dtype=jnp.float32) * 0.02
    b = jnp.zeros((2 * AF,), dtype=jnp.float32)
    gamma1 = jnp.ones((2 * AF,), dtype=jnp.float32)
    beta1 = jnp.zeros((2 * AF,), dtype=jnp.float32)
    gamma2 = jnp.ones((AF,), dtype=jnp.float32)
    beta2 = jnp.zeros((AF,), dtype=jnp.float32)
    return {"atom_in_fea": atom_in_fea, "nbr_fea": nbr_fea, "nbr_fea_idx": nbr_fea_idx,
            "batch": batch, "W": W, "b": b, "gamma1": gamma1, "beta1": beta1,
            "gamma2": gamma2, "beta2": beta2}


def _batch_norm(x, gamma, beta, eps=1e-5):
    mean = jnp.mean(x, axis=0)
    var = jnp.var(x, axis=0)
    return (x - mean) / jnp.sqrt(var + eps) * gamma + beta


def reference(atom_in_fea, nbr_fea, nbr_fea_idx, batch, W, b, gamma1, beta1, gamma2, beta2):
    row = nbr_fea_idx[0]
    col = nbr_fea_idx[1]
    atom_self_fea = atom_in_fea[row]
    atom_nbr_fea = atom_in_fea[col]
    total_nbr_fea = jnp.concatenate([atom_self_fea, atom_nbr_fea, nbr_fea], axis=-1)
    total_gated_fea = total_nbr_fea @ W + b
    total_gated_fea = _batch_norm(total_gated_fea, gamma1, beta1)
    nbr_filter, nbr_core = jnp.split(total_gated_fea, 2, axis=-1)
    nbr_filter = jax.nn.sigmoid(nbr_filter)
    nbr_core = jax.nn.softplus(nbr_core)
    nbr_summed = jax.ops.segment_sum(nbr_filter * nbr_core, col, num_segments=atom_in_fea.shape[0])
    nbr_summed = _batch_norm(nbr_summed, gamma2, beta2)
    out = jax.nn.softplus(atom_in_fea + nbr_summed)
    return out

if __name__ == "__main__":
    import jax
    _d = setup_inputs()
    print(jax.jit(kernel)(*tuple(_d.values())))

</pallas_src>

<mosaic_0001>
#map = affine_map<(d0, d1) -> (0, 0)>
#map1 = affine_map<(d0, d1) -> (0)>
module attributes {stable_mosaic.version = 14 : i64} {
  func.func @_gather_body(%arg0: i32, %arg1: i32, %arg2: memref<10000x512xf32, #tpu.memory_space<hbm>>, %arg3: memref<10000x512xf32, #tpu.memory_space<hbm>>, %arg4: memref<160000xi32, #tpu.memory_space<hbm>>, %arg5: memref<160000xi32, #tpu.memory_space<hbm>>, %arg6: memref<160000x512xf32, #tpu.memory_space<hbm>>, %arg7: memref<160000x512xf32, #tpu.memory_space<hbm>>, %arg8: memref<40xi32, #tpu.memory_space<vmem>>, %arg9: memref<40xi32, #tpu.memory_space<vmem>>, %arg10: memref<40xi32, #tpu.memory_space<vmem>>, %arg11: memref<40xi32, #tpu.memory_space<vmem>>, %arg12: memref<40x512xf32, #tpu.memory_space<vmem>>, %arg13: memref<40x512xf32, #tpu.memory_space<vmem>>, %arg14: memref<40x512xf32, #tpu.memory_space<vmem>>, %arg15: memref<40x512xf32, #tpu.memory_space<vmem>>, %arg16: memref<!tpu.dma_semaphore, #tpu.memory_space<semaphore_mem>>, %arg17: memref<!tpu.dma_semaphore, #tpu.memory_space<semaphore_mem>>, %arg18: memref<!tpu.dma_semaphore, #tpu.memory_space<semaphore_mem>>, %arg19: memref<!tpu.dma_semaphore, #tpu.memory_space<semaphore_mem>>, %arg20: memref<!tpu.dma_semaphore, #tpu.memory_space<semaphore_mem>>, %arg21: memref<!tpu.dma_semaphore, #tpu.memory_space<semaphore_mem>>) attributes {dimension_semantics = [#tpu.dimension_semantics<core_parallel>, #tpu.dimension_semantics<subcore_parallel>], iteration_bounds = array<i64: 2, 16>, scalar_prefetch = 0 : i64, scratch_operands = 14 : i64, tpu.core_type = #tpu.core_type<sc_vector_subcore>, window_params = [{transform_indices = #map}, {transform_indices = #map}, {transform_indices = #map1}, {transform_indices = #map1}, {transform_indices = #map}, {transform_indices = #map}]} {
    %mul3A = arith.constant 2 : i32
    %mul3A_0 = arith.muli %arg1, %mul3A : i32
    %add3A = arith.addi %mul3A_0, %arg0 : i32
    %mul3A_1 = arith.constant 5000 : i32
    %mul3A_2 = arith.muli %add3A, %mul3A_1 : i32
    %add3A_3 = arith.constant 0 : i32
    %add3A_4 = arith.addi %mul3A_2, %add3A_3 : i32
    %dma_start3A = tpu.memref_slice %arg4[%add3A_4] : memref<160000xi32, #tpu.memory_space<hbm>> -> memref<40xi32, #tpu.memory_space<hbm>>
    %dma_start3A_5 = tpu.memref_slice %arg4[%add3A_4] : memref<160000xi32, #tpu.memory_space<hbm>> -> memref<40xi32, #tpu.memory_space<hbm>>
    tpu.enqueue_dma source(%dma_start3A_5 : memref<40xi32, #tpu.memory_space<hbm>>) target(%arg8 : memref<40xi32, #tpu.memory_space<vmem>>) target_semaphore(%arg16 : memref<!tpu.dma_semaphore, #tpu.memory_space<semaphore_mem>>)
    %dma_start3A_6 = tpu.memref_slice %arg5[%add3A_4] : memref<160000xi32, #tpu.memory_space<hbm>> -> memref<40xi32, #tpu.memory_space<hbm>>
    %dma_start3A_7 = tpu.memref_slice %arg5[%add3A_4] : memref<160000xi32, #tpu.memory_space<hbm>> -> memref<40xi32, #tpu.memory_space<hbm>>
    tpu.enqueue_dma source(%dma_start3A_7 : memref<40xi32, #tpu.memory_space<hbm>>) target(%arg10 : memref<40xi32, #tpu.memory_space<vmem>>) target_semaphore(%arg16 : memref<!tpu.dma_semaphore, #tpu.memory_space<semaphore_mem>>)
    %add3A_8 = arith.constant 40 : i32
    %add3A_9 = arith.addi %mul3A_2, %add3A_8 : i32
    %dma_start3A_10 = tpu.memref_slice %arg4[%add3A_9] : memref<160000xi32, #tpu.memory_space<hbm>> -> memref<40xi32, #tpu.memory_space<hbm>>
    %dma_start3A_11 = tpu.memref_slice %arg4[%add3A_9] : memref<160000xi32, #tpu.memory_space<hbm>> -> memref<40xi32, #tpu.memory_space<hbm>>
    tpu.enqueue_dma source(%dma_start3A_11 : memref<40xi32, #tpu.memory_space<hbm>>) target(%arg9 : memref<40xi32, #tpu.memory_space<vmem>>) target_semaphore(%arg17 : memref<!tpu.dma_semaphore, #tpu.memory_space<semaphore_mem>>)
    %dma_start3A_12 = tpu.memref_slice %arg5[%add3A_9] : memref<160000xi32, #tpu.memory_space<hbm>> -> memref<40xi32, #tpu.memory_space<hbm>>
    %dma_start3A_13 = tpu.memref_slice %arg5[%add3A_9] : memref<160000xi32, #tpu.memory_space<hbm>> -> memref<40xi32, #tpu.memory_space<hbm>>
    tpu.enqueue_dma source(%dma_start3A_13 : memref<40xi32, #tpu.memory_space<hbm>>) target(%arg11 : memref<40xi32, #tpu.memory_space<vmem>>) target_semaphore(%arg17 : memref<!tpu.dma_semaphore, #tpu.memory_space<semaphore_mem>>)
    %scan3A = arith.constant 0 : i32
    %scan3A_14 = arith.constant 62 : i32
    %scan3A_15 = arith.addi %scan3A, %scan3A_14 : i32
    %scan3A_16 = arith.constant 1 : i32
    scf.for %scan3A_63 = %scan3A to %scan3A_15 step %scan3A_16  : i32 {
      %mul3A_64 = arith.constant 1 : i32
      %mul3A_65 = arith.muli %scan3A_63, %mul3A_64 : i32
      %add3A_66 = arith.constant 0 : i32
      %add3A_67 = arith.addi %add3A_66, %mul3A_65 : i32
      %mul3A_68 = arith.constant 2 : i32
      %mul3A_69 = arith.muli %add3A_67, %mul3A_68 : i32
      %add3A_70 = arith.constant 0 : i32
      %add3A_71 = arith.addi %mul3A_69, %add3A_70 : i32
      %mul3A_72 = arith.constant 40 : i32
      %mul3A_73 = arith.muli %add3A_71, %mul3A_72 : i32
      %add3A_74 = arith.addi %mul3A_2, %mul3A_73 : i32
      %dma_wait3A_75 = tpu.memref_slice %arg4[%add3A_74] : memref<160000xi32, #tpu.memory_space<hbm>> -> memref<40xi32, #tpu.memory_space<hbm>>
      %dma_wait3A_76 = tpu.memref_slice %arg4[%add3A_74] : memref<160000xi32, #tpu.memory_space<hbm>> -> memref<40xi32, #tpu.memory_space<hbm>>
      tpu.wait_dma2 semaphore(%arg16 : memref<!tpu.dma_semaphore, #tpu.memory_space<semaphore_mem>>) src(%dma_wait3A_76 : memref<40xi32, #tpu.memory_space<hbm>>) dst(%arg8 : memref<40xi32, #tpu.memory_space<vmem>>)
      %dma_wait3A_77 = tpu.memref_slice %arg5[%add3A_74] : memref<160000xi32, #tpu.memory_space<hbm>> -> memref<40xi32, #tpu.memory_space<hbm>>
      %dma_wait3A_78 = tpu.memref_slice %arg5[%add3A_74] : memref<160000xi32, #tpu.memory_space<hbm>> -> memref<40xi32, #tpu.memory_space<hbm>>
      tpu.wait_dma2 semaphore(%arg16 : memref<!tpu.dma_semaphore, #tpu.memory_space<semaphore_mem>>) src(%dma_wait3A_78 : memref<40xi32, #tpu.memory_space<hbm>>) dst(%arg10 : memref<40xi32, #tpu.memory_space<vmem>>)
      %gt3A = arith.constant 0 : i32
      %gt3A_79 = arith.cmpi sgt, %add3A_67, %gt3A : i32
      %convert_element_type3A = arith.extui %gt3A_79 : i1 to i32
      %cond3A = arith.constant 0 : i32
      %cond3A_80 = arith.cmpi ne, %convert_element_type3A, %cond3A : i32
      scf.if %cond3A_80 {
        %sub3A = arith.constant 2 : i32
        %sub3A_164 = arith.subi %add3A_71, %sub3A : i32
        %mul3A_165 = arith.constant 40 : i32
        %mul3A_166 = arith.muli %sub3A_164, %mul3A_165 : i32
        %add3A_167 = arith.addi %mul3A_2, %mul3A_166 : i32
        %dma_wait3A_168 = arith.constant 0 : i32
        %dma_wait3A_169 = tpu.memref_slice %arg6[%add3A_167, %dma_wait3A_168] : memref<160000x512xf32, #tpu.memory_space<hbm>> -> memref<40x512xf32, #tpu.memory_space<hbm>>
        %dma_wait3A_170 = arith.constant 0 : i32
        %dma_wait3A_171 = tpu.memref_slice %arg6[%add3A_167, %dma_wait3A_170] : memref<160000x512xf32, #tpu.memory_space<hbm>> -> memref<40x512xf32, #tpu.memory_space<hbm>>
        tpu.wait_dma2 semaphore(%arg20 : memref<!tpu.dma_semaphore, #tpu.memory_space<semaphore_mem>>) src(%arg12 : memref<40x512xf32, #tpu.memory_space<vmem>>) dst(%dma_wait3A_171 : memref<40x512xf32, #tpu.memory_space<hbm>>)
        %dma_wait3A_172 = arith.constant 0 : i32
        %dma_wait3A_173 = tpu.memref_slice %arg7[%add3A_167, %dma_wait3A_172] : memref<160000x512xf32, #tpu.memory_space<hbm>> -> memref<40x512xf32, #tpu.memory_space<hbm>>
        %dma_wait3A_174 = arith.constant 0 : i32
        %dma_wait3A_175 = tpu.memref_slice %arg7[%add3A_167, %dma_wait3A_174] : memref<160000x512xf32, #tpu.memory_space<hbm>> -> memref<40x512xf32, #tpu.memory_space<hbm>>
        tpu.wait_dma2 semaphore(%arg20 : memref<!tpu.dma_semaphore, #tpu.memory_space<semaphore_mem>>) src(%arg14 : memref<40x512xf32, #tpu.memory_space<vmem>>) dst(%dma_wait3A_175 : memref<40x512xf32, #tpu.memory_space<hbm>>)
      } else {
      }
      %dma_start3A_81 = arith.constant 0 : i32
      %dma_start3A_82 = arith.constant 0 : i32
      %dma_start3A_83 = tpu.memref_slice %arg2[%dma_start3A_81, %dma_start3A_82] : memref<10000x512xf32, #tpu.memory_space<hbm>> -> memref<10000x512xf32, #tpu.memory_space<hbm>>
      tpu.enqueue_indirect_dma source(%dma_start3A_83 : memref<10000x512xf32, #tpu.memory_space<hbm>>) target(%arg12 : memref<40x512xf32, #tpu.memory_space<vmem>>) offsets(%arg8 : memref<40xi32, #tpu.memory_space<vmem>>) semaphore(%arg18 : memref<!tpu.dma_semaphore, #tpu.memory_space<semaphore_mem>>)
      %dma_start3A_84 = arith.constant 0 : i32
      %dma_start3A_85 = arith.constant 0 : i32
      %dma_start3A_86 = tpu.memref_slice %arg3[%dma_start3A_84, %dma_start3A_85] : memref<10000x512xf32, #tpu.memory_space<hbm>> -> memref<10000x512xf32, #tpu.memory_space<hbm>>
      tpu.enqueue_indirect_dma source(%dma_start3A_86 : memref<10000x512xf32, #tpu.memory_space<hbm>>) target(%arg14 : memref<40x512xf32, #tpu.memory_space<vmem>>) offsets(%arg10 : memref<40xi32, #tpu.memory_space<vmem>>) semaphore(%arg18 : memref<!tpu.dma_semaphore, #tpu.memory_space<semaphore_mem>>)
      %mul3A_87 = arith.constant 2 : i32
      %mul3A_88 = arith.muli %add3A_67, %mul3A_87 : i32
      %add3A_89 = arith.constant 1 : i32
      %add3A_90 = arith.addi %mul3A_88, %add3A_89 : i32
      %mul3A_91 = arith.constant 40 : i32
      %mul3A_92 = arith.muli %add3A_90, %mul3A_91 : i32
      %add3A_93 = arith.addi %mul3A_2, %mul3A_92 : i32
      %dma_wait3A_94 = tpu.memref_slice %arg4[%add3A_93] : memref<160000xi32, #tpu.memory_space<hbm>> -> memref<40xi32, #tpu.memory_space<hbm>>
      %dma_wait3A_95 = tpu.memref_slice %arg4[%add3A_93] : memref<160000xi32, #tpu.memory_space<hbm>> -> memref<40xi32, #tpu.memory_space<hbm>>
      tpu.wait_dma2 semaphore(%arg17 : memref<!tpu.dma_semaphore, #tpu.memory_space<semaphore_mem>>) src(%dma_wait3A_95 : memref<40xi32, #tpu.memory_space<hbm>>) dst(%arg9 : memref<40xi32, #tpu.memory_space<vmem>>)
      %dma_wait3A_96 = tpu.memref_slice %arg5[%add3A_93] : memref<160000xi32, #tpu.memory_space<hbm>> -> memref<40xi32, #tpu.memory_space<hbm>>
      %dma_wait3A_97 = tpu.memref_slice %arg5[%add3A_93] : memref<160000xi32, #tpu.memory_space<hbm>> -> memref<40xi32, #tpu.memory_space<hbm>>
      tpu.wait_dma2 semaphore(%arg17 : memref<!tpu.dma_semaphore, #tpu.memory_space<semaphore_mem>>) src(%dma_wait3A_97 : memref<40xi32, #tpu.memory_space<hbm>>) dst(%arg11 : memref<40xi32, #tpu.memory_space<vmem>>)
      %gt3A_98 = arith.constant 0 : i32
      %gt3A_99 = arith.cmpi sgt, %add3A_67, %gt3A_98 : i32
      %convert_element_type3A_100 = arith.extui %gt3A_99 : i1 to i32
      %cond3A_101 = arith.constant 0 : i32
      %cond3A_102 = arith.cmpi ne, %convert_element_type3A_100, %cond3A_101 : i32
      scf.if %cond3A_102 {
        %sub3A = arith.constant 2 : i32
        %sub3A_164 = arith.subi %add3A_90, %sub3A : i32
        %mul3A_165 = arith.constant 40 : i32
        %mul3A_166 = arith.muli %sub3A_164, %mul3A_165 : i32
        %add3A_167 = arith.addi %mul3A_2, %mul3A_166 : i32
        %dma_wait3A_168 = arith.constant 0 : i32
        %dma_wait3A_169 = tpu.memref_slice %arg6[%add3A_167, %dma_wait3A_168] : memref<160000x512xf32, #tpu.memory_space<hbm>> -> memref<40x512xf32, #tpu.memory_space<hbm>>
        %dma_wait3A_170 = arith.constant 0 : i32
        %dma_wait3A_171 = tpu.memref_slice %arg6[%add3A_167, %dma_wait3A_170] : memref<160000x512xf32, #tpu.memory_space<hbm>> -> memref<40x512xf32, #tpu.memory_space<hbm>>
        tpu.wait_dma2 semaphore(%arg21 : memref<!tpu.dma_semaphore, #tpu.memory_space<semaphore_mem>>) src(%arg13 : memref<40x512xf32, #tpu.memory_space<vmem>>) dst(%dma_wait3A_171 : memref<40x512xf32, #tpu.memory_space<hbm>>)
        %dma_wait3A_172 = arith.constant 0 : i32
        %dma_wait3A_173 = tpu.memref_slice %arg7[%add3A_167, %dma_wait3A_172] : memref<160000x512xf32, #tpu.memory_space<hbm>> -> memref<40x512xf32, #tpu.memory_space<hbm>>
        %dma_wait3A_174 = arith.constant 0 : i32
        %dma_wait3A_175 = tpu.memref_slice %arg7[%add3A_167, %dma_wait3A_174] : memref<160000x512xf32, #tpu.memory_space<hbm>> -> memref<40x512xf32, #tpu.memory_space<hbm>>
        tpu.wait_dma2 semaphore(%arg21 : memref<!tpu.dma_semaphore, #tpu.memory_space<semaphore_mem>>) src(%arg15 : memref<40x512xf32, #tpu.memory_space<vmem>>) dst(%dma_wait3A_175 : memref<40x512xf32, #tpu.memory_space<hbm>>)
      } else {
      }
      %dma_start3A_103 = arith.constant 0 : i32
      %dma_start3A_104 = arith.constant 0 : i32
      %dma_start3A_105 = tpu.memref_slice %arg2[%dma_start3A_103, %dma_start3A_104] : memref<10000x512xf32, #tpu.memory_space<hbm>> -> memref<10000x512xf32, #tpu.memory_space<hbm>>
      tpu.enqueue_indirect_dma source(%dma_start3A_105 : memref<10000x512xf32, #tpu.memory_space<hbm>>) target(%arg13 : memref<40x512xf32, #tpu.memory_space<vmem>>) offsets(%arg9 : memref<40xi32, #tpu.memory_space<vmem>>) semaphore(%arg19 : memref<!tpu.dma_semaphore, #tpu.memory_space<semaphore_mem>>)
      %dma_start3A_106 = arith.constant 0 : i32
      %dma_start3A_107 = arith.constant 0 : i32
      %dma_start3A_108 = tpu.memref_slice %arg3[%dma_start3A_106, %dma_start3A_107] : memref<10000x512xf32, #tpu.memory_space<hbm>> -> memref<10000x512xf32, #tpu.memory_space<hbm>>
      tpu.enqueue_indirect_dma source(%dma_start3A_108 : memref<10000x512xf32, #tpu.memory_space<hbm>>) target(%arg15 : memref<40x512xf32, #tpu.memory_space<vmem>>) offsets(%arg11 : memref<40xi32, #tpu.memory_space<vmem>>) semaphore(%arg19 : memref<!tpu.dma_semaphore, #tpu.memory_space<semaphore_mem>>)
      %mul3A_109 = arith.constant 2 : i32
      %mul3A_110 = arith.muli %add3A_67, %mul3A_109 : i32
      %add3A_111 = arith.constant 0 : i32
      %add3A_112 = arith.addi %mul3A_110, %add3A_111 : i32
      %dma_wait3A_113 = arith.constant 0 : i32
      %dma_wait3A_114 = arith.constant 0 : i32
      %dma_wait3A_115 = tpu.memref_slice %arg2[%dma_wait3A_113, %dma_wait3A_114] : memref<10000x512xf32, #tpu.memory_space<hbm>> -> memref<10000x512xf32, #tpu.memory_space<hbm>>
      tpu.wait_indirect_dma semaphore(%arg18 : memref<!tpu.dma_semaphore, #tpu.memory_space<semaphore_mem>>) src(%dma_wait3A_115 : memref<10000x512xf32, #tpu.memory_space<hbm>>) dst(%arg12 : memref<40x512xf32, #tpu.memory_space<vmem>>)
      %dma_wait3A_116 = arith.constant 0 : i32
      %dma_wait3A_117 = arith.constant 0 : i32
      %dma_wait3A_118 = tpu.memref_slice %arg3[%dma_wait3A_116, %dma_wait3A_117] : memref<10000x512xf32, #tpu.memory_space<hbm>> -> memref<10000x512xf32, #tpu.memory_space<hbm>>
      tpu.wait_indirect_dma semaphore(%arg18 : memref<!tpu.dma_semaphore, #tpu.memory_space<semaphore_mem>>) src(%dma_wait3A_118 : memref<10000x512xf32, #tpu.memory_space<hbm>>) dst(%arg14 : memref<40x512xf32, #tpu.memory_space<vmem>>)
      %mul3A_119 = arith.constant 40 : i32
      %mul3A_120 = arith.muli %add3A_112, %mul3A_119 : i32
      %add3A_121 = arith.addi %mul3A_2, %mul3A_120 : i32
      %dma_start3A_122 = arith.constant 0 : i32
      %dma_start3A_123 = tpu.memref_slice %arg6[%add3A_121, %dma_start3A_122] : memref<160000x512xf32, #tpu.memory_space<hbm>> -> memref<40x512xf32, #tpu.memory_space<hbm>>
      %dma_start3A_124 = arith.constant 0 : i32
      %dma_start3A_125 = tpu.memref_slice %arg6[%add3A_121, %dma_start3A_124] : memref<160000x512xf32, #tpu.memory_space<hbm>> -> memref<40x512xf32, #tpu.memory_space<hbm>>
      tpu.enqueue_dma source(%arg12 : memref<40x512xf32, #tpu.memory_space<vmem>>) target(%dma_start3A_125 : memref<40x512xf32, #tpu.memory_space<hbm>>) target_semaphore(%arg20 : memref<!tpu.dma_semaphore, #tpu.memory_space<semaphore_mem>>)
      %dma_start3A_126 = arith.constant 0 : i32
      %dma_start3A_127 = tpu.memref_slice %arg7[%add3A_121, %dma_start3A_126] : memref<160000x512xf32, #tpu.memory_space<hbm>> -> memref<40x512xf32, #tpu.memory_space<hbm>>
      %dma_start3A_128 = arith.constant 0 : i32
      %dma_start3A_129 = tpu.memref_slice %arg7[%add3A_121, %dma_start3A_128] : memref<160000x512xf32, #tpu.memory_space<hbm>> -> memref<40x512xf32, #tpu.memory_space<hbm>>
      tpu.enqueue_dma source(%arg14 : memref<40x512xf32, #tpu.memory_space<vmem>>) target(%dma_start3A_129 : memref<40x512xf32, #tpu.memory_space<hbm>>) target_semaphore(%arg20 : memref<!tpu.dma_semaphore, #tpu.memory_space<semaphore_mem>>)
      %add3A_130 = arith.constant 2 : i32
      %add3A_131 = arith.addi %add3A_112, %add3A_130 : i32
      %lt3A = arith.constant 124 : i32
      %lt3A_132 = arith.cmpi slt, %add3A_131, %lt3A : i32
      %convert_element_type3A_133 = arith.extui %lt3A_132 : i1 to i32
      %cond3A_134 = arith.constant 0 : i32
      %cond3A_135 = arith.cmpi ne, %convert_element_type3A_133, %cond3A_134 : i32
      scf.if %cond3A_135 {
        %add3A_164 = arith.constant 2 : i32
        %add3A_165 = arith.addi %add3A_112, %add3A_164 : i32
        %mul3A_166 = arith.constant 40 : i32
        %mul3A_167 = arith.muli %add3A_165, %mul3A_166 : i32
        %add3A_168 = arith.addi %mul3A_2, %mul3A_167 : i32
        %dma_start3A_169 = tpu.memref_slice %arg4[%add3A_168] : memref<160000xi32, #tpu.memory_space<hbm>> -> memref<40xi32, #tpu.memory_space<hbm>>
        %dma_start3A_170 = tpu.memref_slice %arg4[%add3A_168] : memref<160000xi32, #tpu.memory_space<hbm>> -> memref<40xi32, #tpu.memory_space<hbm>>
        tpu.enqueue_dma source(%dma_start3A_170 : memref<40xi32, #tpu.memory_space<hbm>>) target(%arg8 : memref<40xi32, #tpu.memory_space<vmem>>) target_semaphore(%arg16 : memref<!tpu.dma_semaphore, #tpu.memory_space<semaphore_mem>>)
        %dma_start3A_171 = tpu.memref_slice %arg5[%add3A_168] : memref<160000xi32, #tpu.memory_space<hbm>> -> memref<40xi32, #tpu.memory_space<hbm>>
        %dma_start3A_172 = tpu.memref_slice %arg5[%add3A_168] : memref<160000xi32, #tpu.memory_space<hbm>> -> memref<40xi32, #tpu.memory_space<hbm>>
        tpu.enqueue_dma source(%dma_start3A_172 : memref<40xi32, #tpu.memory_space<hbm>>) target(%arg10 : memref<40xi32, #tpu.memory_space<vmem>>) target_semaphore(%arg16 : memref<!tpu.dma_semaphore, #tpu.memory_space<semaphore_mem>>)
      } else {
      }
      %mul3A_136 = arith.constant 2 : i32
      %mul3A_137 = arith.muli %add3A_67, %mul3A_136 : i32
      %add3A_138 = arith.constant 1 : i32
      %add3A_139 = arith.addi %mul3A_137, %add3A_138 : i32
      %dma_wait3A_140 = arith.constant 0 : i32
      %dma_wait3A_141 = arith.constant 0 : i32
      %dma_wait3A_142 = tpu.memref_slice %arg2[%dma_wait3A_140, %dma_wait3A_141] : memref<10000x512xf32, #tpu.memory_space<hbm>> -> memref<10000x512xf32, #tpu.memory_space<hbm>>
      tpu.wait_indirect_dma semaphore(%arg19 : memref<!tpu.dma_semaphore, #tpu.memory_space<semaphore_mem>>) src(%dma_wait3A_142 : memref<10000x512xf32, #tpu.memory_space<hbm>>) dst(%arg13 : memref<40x512xf32, #tpu.memory_space<vmem>>)
      %dma_wait3A_143 = arith.constant 0 : i32
      %dma_wait3A_144 = arith.constant 0 : i32
      %dma_wait3A_145 = tpu.memref_slice %arg3[%dma_wait3A_143, %dma_wait3A_144] : memref<10000x512xf32, #tpu.memory_space<hbm>> -> memref<10000x512xf32, #tpu.memory_space<hbm>>
      tpu.wait_indirect_dma semaphore(%arg19 : memref<!tpu.dma_semaphore, #tpu.memory_space<semaphore_mem>>) src(%dma_wait3A_145 : memref<10000x512xf32, #tpu.memory_space<hbm>>) dst(%arg15 : memref<40x512xf32, #tpu.memory_space<vmem>>)
      %mul3A_146 = arith.constant 40 : i32
      %mul3A_147 = arith.muli %add3A_139, %mul3A_146 : i32
      %add3A_148 = arith.addi %mul3A_2, %mul3A_147 : i32
      %dma_start3A_149 = arith.constant 0 : i32
      %dma_start3A_150 = tpu.memref_slice %arg6[%add3A_148, %dma_start3A_149] : memref<160000x512xf32, #tpu.memory_space<hbm>> -> memref<40x512xf32, #tpu.memory_space<hbm>>
      %dma_start3A_151 = arith.constant 0 : i32
      %dma_start3A_152 = tpu.memref_slice %arg6[%add3A_148, %dma_start3A_151] : memref<160000x512xf32, #tpu.memory_space<hbm>> -> memref<40x512xf32, #tpu.memory_space<hbm>>
      tpu.enqueue_dma source(%arg13 : memref<40x512xf32, #tpu.memory_space<vmem>>) target(%dma_start3A_152 : memref<40x512xf32, #tpu.memory_space<hbm>>) target_semaphore(%arg21 : memref<!tpu.dma_semaphore, #tpu.memory_space<semaphore_mem>>)
      %dma_start3A_153 = arith.constant 0 : i32
      %dma_start3A_154 = tpu.memref_slice %arg7[%add3A_148, %dma_start3A_153] : memref<160000x512xf32, #tpu.memory_space<hbm>> -> memref<40x512xf32, #tpu.memory_space<hbm>>
      %dma_start3A_155 = arith.constant 0 : i32
      %dma_start3A_156 = tpu.memref_slice %arg7[%add3A_148, %dma_start3A_155] : memref<160000x512xf32, #tpu.memory_space<hbm>> -> memref<40x512xf32, #tpu.memory_space<hbm>>
      tpu.enqueue_dma source(%arg15 : memref<40x512xf32, #tpu.memory_space<vmem>>) target(%dma_start3A_156 : memref<40x512xf32, #tpu.memory_space<hbm>>) target_semaphore(%arg21 : memref<!tpu.dma_semaphore, #tpu.memory_space<semaphore_mem>>)
      %add3A_157 = arith.constant 2 : i32
      %add3A_158 = arith.addi %add3A_139, %add3A_157 : i32
      %lt3A_159 = arith.constant 124 : i32
      %lt3A_160 = arith.cmpi slt, %add3A_158, %lt3A_159 : i32
      %convert_element_type3A_161 = arith.extui %lt3A_160 : i1 to i32
      %cond3A_162 = arith.constant 0 : i32
      %cond3A_163 = arith.cmpi ne, %convert_element_type3A_161, %cond3A_162 : i32
      scf.if %cond3A_163 {
        %add3A_164 = arith.constant 2 : i32
        %add3A_165 = arith.addi %add3A_139, %add3A_164 : i32
        %mul3A_166 = arith.constant 40 : i32
        %mul3A_167 = arith.muli %add3A_165, %mul3A_166 : i32
        %add3A_168 = arith.addi %mul3A_2, %mul3A_167 : i32
        %dma_start3A_169 = tpu.memref_slice %arg4[%add3A_168] : memref<160000xi32, #tpu.memory_space<hbm>> -> memref<40xi32, #tpu.memory_space<hbm>>
        %dma_start3A_170 = tpu.memref_slice %arg4[%add3A_168] : memref<160000xi32, #tpu.memory_space<hbm>> -> memref<40xi32, #tpu.memory_space<hbm>>
        tpu.enqueue_dma source(%dma_start3A_170 : memref<40xi32, #tpu.memory_space<hbm>>) target(%arg9 : memref<40xi32, #tpu.memory_space<vmem>>) target_semaphore(%arg17 : memref<!tpu.dma_semaphore, #tpu.memory_space<semaphore_mem>>)
        %dma_start3A_171 = tpu.memref_slice %arg5[%add3A_168] : memref<160000xi32, #tpu.memory_space<hbm>> -> memref<40xi32, #tpu.memory_space<hbm>>
        %dma_start3A_172 = tpu.memref_slice %arg5[%add3A_168] : memref<160000xi32, #tpu.memory_space<hbm>> -> memref<40xi32, #tpu.memory_space<hbm>>
        tpu.enqueue_dma source(%dma_start3A_172 : memref<40xi32, #tpu.memory_space<hbm>>) target(%arg11 : memref<40xi32, #tpu.memory_space<vmem>>) target_semaphore(%arg17 : memref<!tpu.dma_semaphore, #tpu.memory_space<semaphore_mem>>)
      } else {
      }
    }
    %scan3A_17 = arith.constant 62 : i32
    %add3A_18 = arith.constant 4880 : i32
    %add3A_19 = arith.addi %mul3A_2, %add3A_18 : i32
    %dma_wait3A = arith.constant 0 : i32
    %dma_wait3A_20 = tpu.memref_slice %arg6[%add3A_19, %dma_wait3A] : memref<160000x512xf32, #tpu.memory_space<hbm>> -> memref<40x512xf32, #tpu.memory_space<hbm>>
    %dma_wait3A_21 = arith.constant 0 : i32
    %dma_wait3A_22 = tpu.memref_slice %arg6[%add3A_19, %dma_wait3A_21] : memref<160000x512xf32, #tpu.memory_space<hbm>> -> memref<40x512xf32, #tpu.memory_space<hbm>>
    tpu.wait_dma2 semaphore(%arg20 : memref<!tpu.dma_semaphore, #tpu.memory_space<semaphore_mem>>) src(%arg12 : memref<40x512xf32, #tpu.memory_space<vmem>>) dst(%dma_wait3A_22 : memref<40x512xf32, #tpu.memory_space<hbm>>)
    %dma_wait3A_23 = arith.constant 0 : i32
    %dma_wait3A_24 = tpu.memref_slice %arg7[%add3A_19, %dma_wait3A_23] : memref<160000x512xf32, #tpu.memory_space<hbm>> -> memref<40x512xf32, #tpu.memory_space<hbm>>
    %dma_wait3A_25 = arith.constant 0 : i32
    %dma_wait3A_26 = tpu.memref_slice %arg7[%add3A_19, %dma_wait3A_25] : memref<160000x512xf32, #tpu.memory_space<hbm>> -> memref<40x512xf32, #tpu.memory_space<hbm>>
    tpu.wait_dma2 semaphore(%arg20 : memref<!tpu.dma_semaphore, #tpu.memory_space<semaphore_mem>>) src(%arg14 : memref<40x512xf32, #tpu.memory_space<vmem>>) dst(%dma_wait3A_26 : memref<40x512xf32, #tpu.memory_space<hbm>>)
    %add3A_27 = arith.constant 4920 : i32
    %add3A_28 = arith.addi %mul3A_2, %add3A_27 : i32
    %dma_wait3A_29 = arith.constant 0 : i32
    %dma_wait3A_30 = tpu.memref_slice %arg6[%add3A_28, %dma_wait3A_29] : memref<160000x512xf32, #tpu.memory_space<hbm>> -> memref<40x512xf32, #tpu.memory_space<hbm>>
    %dma_wait3A_31 = arith.constant 0 : i32
    %dma_wait3A_32 = tpu.memref_slice %arg6[%add3A_28, %dma_wait3A_31] : memref<160000x512xf32, #tpu.memory_space<hbm>> -> memref<40x512xf32, #tpu.memory_space<hbm>>
    tpu.wait_dma2 semaphore(%arg21 : memref<!tpu.dma_semaphore, #tpu.memory_space<semaphore_mem>>) src(%arg13 : memref<40x512xf32, #tpu.memory_space<vmem>>) dst(%dma_wait3A_32 : memref<40x512xf32, #tpu.memory_space<hbm>>)
    %dma_wait3A_33 = arith.constant 0 : i32
    %dma_wait3A_34 = tpu.memref_slice %arg7[%add3A_28, %dma_wait3A_33] : memref<160000x512xf32, #tpu.memory_space<hbm>> -> memref<40x512xf32, #tpu.memory_space<hbm>>
    %dma_wait3A_35 = arith.constant 0 : i32
    %dma_wait3A_36 = tpu.memref_slice %arg7[%add3A_28, %dma_wait3A_35] : memref<160000x512xf32, #tpu.memory_space<hbm>> -> memref<40x512xf32, #tpu.memory_space<hbm>>
    tpu.wait_dma2 semaphore(%arg21 : memref<!tpu.dma_semaphore, #tpu.memory_space<semaphore_mem>>) src(%arg15 : memref<40x512xf32, #tpu.memory_space<vmem>>) dst(%dma_wait3A_36 : memref<40x512xf32, #tpu.memory_space<hbm>>)
    %add3A_37 = arith.constant 4960 : i32
    %add3A_38 = arith.addi %mul3A_2, %add3A_37 : i32
    %dma_start3A_39 = tpu.memref_slice %arg4[%add3A_38] : memref<160000xi32, #tpu.memory_space<hbm>> -> memref<40xi32, #tpu.memory_space<hbm>>
    %dma_start3A_40 = tpu.memref_slice %arg4[%add3A_38] : memref<160000xi32, #tpu.memory_space<hbm>> -> memref<40xi32, #tpu.memory_space<hbm>>
    tpu.enqueue_dma source(%dma_start3A_40 : memref<40xi32, #tpu.memory_space<hbm>>) target(%arg8 : memref<40xi32, #tpu.memory_space<vmem>>) target_semaphore(%arg16 : memref<!tpu.dma_semaphore, #tpu.memory_space<semaphore_mem>>)
    %dma_start3A_41 = tpu.memref_slice %arg5[%add3A_38] : memref<160000xi32, #tpu.memory_space<hbm>> -> memref<40xi32, #tpu.memory_space<hbm>>
    %dma_start3A_42 = tpu.memref_slice %arg5[%add3A_38] : memref<160000xi32, #tpu.memory_space<hbm>> -> memref<40xi32, #tpu.memory_space<hbm>>
    tpu.enqueue_dma source(%dma_start3A_42 : memref<40xi32, #tpu.memory_space<hbm>>) target(%arg10 : memref<40xi32, #tpu.memory_space<vmem>>) target_semaphore(%arg16 : memref<!tpu.dma_semaphore, #tpu.memory_space<semaphore_mem>>)
    %add3A_43 = arith.constant 4960 : i32
    %add3A_44 = arith.addi %mul3A_2, %add3A_43 : i32
    %dma_wait3A_45 = tpu.memref_slice %arg4[%add3A_44] : memref<160000xi32, #tpu.memory_space<hbm>> -> memref<40xi32, #tpu.memory_space<hbm>>
    %dma_wait3A_46 = tpu.memref_slice %arg4[%add3A_44] : memref<160000xi32, #tpu.memory_space<hbm>> -> memref<40xi32, #tpu.memory_space<hbm>>
    tpu.wait_dma2 semaphore(%arg16 : memref<!tpu.dma_semaphore, #tpu.memory_space<semaphore_mem>>) src(%dma_wait3A_46 : memref<40xi32, #tpu.memory_space<hbm>>) dst(%arg8 : memref<40xi32, #tpu.memory_space<vmem>>)
    %dma_wait3A_47 = tpu.memref_slice %arg5[%add3A_44] : memref<160000xi32, #tpu.memory_space<hbm>> -> memref<40xi32, #tpu.memory_space<hbm>>
    %dma_wait3A_48 = tpu.memref_slice %arg5[%add3A_44] : memref<160000xi32, #tpu.memory_space<hbm>> -> memref<40xi32, #tpu.memory_space<hbm>>
    tpu.wait_dma2 semaphore(%arg16 : memref<!tpu.dma_semaphore, #tpu.memory_space<semaphore_mem>>) src(%dma_wait3A_48 : memref<40xi32, #tpu.memory_space<hbm>>) dst(%arg10 : memref<40xi32, #tpu.memory_space<vmem>>)
    %dma_start3A_49 = arith.constant 0 : i32
    %dma_start3A_50 = arith.constant 0 : i32
    %dma_start3A_51 = tpu.memref_slice %arg2[%dma_start3A_49, %dma_start3A_50] : memref<10000x512xf32, #tpu.memory_space<hbm>> -> memref<10000x512xf32, #tpu.memory_space<hbm>>
    tpu.enqueue_indirect_dma source(%dma_start3A_51 : memref<10000x512xf32, #tpu.memory_space<hbm>>) target(%arg12 : memref<40x512xf32, #tpu.memory_space<vmem>>) offsets(%arg8 : memref<40xi32, #tpu.memory_space<vmem>>) semaphore(%arg18 : memref<!tpu.dma_semaphore, #tpu.memory_space<semaphore_mem>>)
    %dma_start3A_52 = arith.constant 0 : i32
    %dma_start3A_53 = arith.constant 0 : i32
    %dma_start3A_54 = tpu.memref_slice %arg3[%dma_start3A_52, %dma_start3A_53] : memref<10000x512xf32, #tpu.memory_space<hbm>> -> memref<10000x512xf32, #tpu.memory_space<hbm>>
    tpu.enqueue_indirect_dma source(%dma_start3A_54 : memref<10000x512xf32, #tpu.memory_space<hbm>>) target(%arg14 : memref<40x512xf32, #tpu.memory_space<vmem>>) offsets(%arg10 : memref<40xi32, #tpu.memory_space<vmem>>) semaphore(%arg18 : memref<!tpu.dma_semaphore, #tpu.memory_space<semaphore_mem>>)
    %dma_wait3A_55 = arith.constant 0 : i32
    %dma_wait3A_56 = arith.constant 0 : i32
    %dma_wait3A_57 = tpu.memref_slice %arg2[%dma_wait3A_55, %dma_wait3A_56] : memref<10000x512xf32, #tpu.memory_space<hbm>> -> memref<10000x512xf32, #tpu.memory_space<hbm>>
    tpu.wait_indirect_dma semaphore(%arg18 : memref<!tpu.dma_semaphore, #tpu.memory_space<semaphore_mem>>) src(%dma_wait3A_57 : memref<10000x512xf32, #tpu.memory_space<hbm>>) dst(%arg12 : memref<40x512xf32, #tpu.memory_space<vmem>>)
    %dma_wait3A_58 = arith.constant 0 : i32
    %dma_wait3A_59 = arith.constant 0 : i32
    %dma_wait3A_60 = tpu.memref_slice %arg3[%dma_wait3A_58, %dma_wait3A_59] : memref<10000x512xf32, #tpu.memory_space<hbm>> -> memref<10000x512xf32, #tpu.memory_space<hbm>>
    tpu.wait_indirect_dma semaphore(%arg18 : memref<!tpu.dma_semaphore, #tpu.memory_space<semaphore_mem>>) src(%dma_wait3A_60 : memref<10000x512xf32, #tpu.memory_space<hbm>>) dst(%arg14 : memref<40x512xf32, #tpu.memory_space<vmem>>)
    %add3A_61 = arith.constant 4960 : i32
    %add3A_62 = arith.addi %mul3A_2, %add3A_61 : i32
    "tpu.region"() ({
      %run_scoped3A = tpu.sem_alloc : memref<!tpu.dma_semaphore, #tpu.memory_space<semaphore_mem>>
      %dma_start3A_63 = arith.constant 0 : i32
      %dma_start3A_64 = tpu.memref_slice %arg6[%add3A_62, %dma_start3A_63] : memref<160000x512xf32, #tpu.memory_space<hbm>> -> memref<40x512xf32, #tpu.memory_space<hbm>>
      %dma_start3A_65 = arith.constant 0 : i32
      %dma_start3A_66 = tpu.memref_slice %arg6[%add3A_62, %dma_start3A_65] : memref<160000x512xf32, #tpu.memory_space<hbm>> -> memref<40x512xf32, #tpu.memory_space<hbm>>
      tpu.enqueue_dma source(%arg12 : memref<40x512xf32, #tpu.memory_space<vmem>>) target(%dma_start3A_66 : memref<40x512xf32, #tpu.memory_space<hbm>>) target_semaphore(%run_scoped3A : memref<!tpu.dma_semaphore, #tpu.memory_space<semaphore_mem>>)
      %dma_wait3A_67 = arith.constant 0 : i32
      %dma_wait3A_68 = tpu.memref_slice %arg6[%add3A_62, %dma_wait3A_67] : memref<160000x512xf32, #tpu.memory_space<hbm>> -> memref<40x512xf32, #tpu.memory_space<hbm>>
      %dma_wait3A_69 = arith.constant 0 : i32
      %dma_wait3A_70 = tpu.memref_slice %arg6[%add3A_62, %dma_wait3A_69] : memref<160000x512xf32, #tpu.memory_space<hbm>> -> memref<40x512xf32, #tpu.memory_space<hbm>>
      tpu.wait_dma2 semaphore(%run_scoped3A : memref<!tpu.dma_semaphore, #tpu.memory_space<semaphore_mem>>) src(%arg12 : memref<40x512xf32, #tpu.memory_space<vmem>>) dst(%dma_wait3A_70 : memref<40x512xf32, #tpu.memory_space<hbm>>)
      tpu.yield
    }) : () -> ()
    "tpu.region"() ({
      %run_scoped3A = tpu.sem_alloc : memref<!tpu.dma_semaphore, #tpu.memory_space<semaphore_mem>>
      %dma_start3A_63 = arith.constant 0 : i32
      %dma_start3A_64 = tpu.memref_slice %arg7[%add3A_62, %dma_start3A_63] : memref<160000x512xf32, #tpu.memory_space<hbm>> -> memref<40x512xf32, #tpu.memory_space<hbm>>
      %dma_start3A_65 = arith.constant 0 : i32
      %dma_start3A_66 = tpu.memref_slice %arg7[%add3A_62, %dma_start3A_65] : memref<160000x512xf32, #tpu.memory_space<hbm>> -> memref<40x512xf32, #tpu.memory_space<hbm>>
      tpu.enqueue_dma source(%arg14 : memref<40x512xf32, #tpu.memory_space<vmem>>) target(%dma_start3A_66 : memref<40x512xf32, #tpu.memory_space<hbm>>) target_semaphore(%run_scoped3A : memref<!tpu.dma_semaphore, #tpu.memory_space<semaphore_mem>>)
      %dma_wait3A_67 = arith.constant 0 : i32
      %dma_wait3A_68 = tpu.memref_slice %arg7[%add3A_62, %dma_wait3A_67] : memref<160000x512xf32, #tpu.memory_space<hbm>> -> memref<40x512xf32, #tpu.memory_space<hbm>>
      %dma_wait3A_69 = arith.constant 0 : i32
      %dma_wait3A_70 = tpu.memref_slice %arg7[%add3A_62, %dma_wait3A_69] : memref<160000x512xf32, #tpu.memory_space<hbm>> -> memref<40x512xf32, #tpu.memory_space<hbm>>
      tpu.wait_dma2 semaphore(%run_scoped3A : memref<!tpu.dma_semaphore, #tpu.memory_space<semaphore_mem>>) src(%arg14 : memref<40x512xf32, #tpu.memory_space<vmem>>) dst(%dma_wait3A_70 : memref<40x512xf32, #tpu.memory_space<hbm>>)
      tpu.yield
    }) : () -> ()
    return
  }
}

#map = affine_map<(d0, d1) -> (0, 0)>
#map1 = affine_map<(d0, d1) -> (0)>
module attributes {stable_mosaic.version = 14 : i64} {
  func.func @_scatter_body(%arg0: i32, %arg1: i32, %arg2: memref<160000x128xf32, #tpu.memory_space<hbm>>, %arg3: memref<160000x128xf32, #tpu.memory_space<hbm>>, %arg4: memref<160000xi32, #tpu.memory_space<hbm>>, %arg5: memref<640x128xf32, #tpu.memory_space<hbm>>, %arg6: memref<10240x256xf32, #tpu.memory_space<hbm>>, %arg7: memref<10240x128xf32, #tpu.memory_space<vmem_shared>>, %arg8: memref<64xi32, #tpu.memory_space<vmem>>, %arg9: memref<64xi32, #tpu.memory_space<vmem>>, %arg10: memref<64xi32, #tpu.memory_space<vmem>>, %arg11: memref<64xi32, #tpu.memory_space<vmem>>, %arg12: memref<64xi32, #tpu.memory_space<vmem>>, %arg13: memref<64x128xf32, #tpu.memory_space<vmem>>, %arg14: memref<64x128xf32, #tpu.memory_space<vmem>>, %arg15: memref<64x128xf32, #tpu.memory_space<vmem>>, %arg16: memref<64x128xf32, #tpu.memory_space<vmem>>, %arg17: memref<64x128xf32, #tpu.memory_space<vmem>>, %arg18: memref<!tpu.dma_semaphore, #tpu.memory_space<semaphore_mem>>, %arg19: memref<!tpu.dma_semaphore, #tpu.memory_space<semaphore_mem>>, %arg20: memref<!tpu.dma_semaphore, #tpu.memory_space<semaphore_mem>>, %arg21: memref<!tpu.dma_semaphore, #tpu.memory_space<semaphore_mem>>, %arg22: memref<!tpu.dma_semaphore, #tpu.memory_space<semaphore_mem>>, %arg23: memref<!tpu.dma_semaphore, #tpu.memory_space<semaphore_mem>>, %arg24: memref<!tpu.dma_semaphore, #tpu.memory_space<semaphore_mem>>, %arg25: memref<!tpu.dma_semaphore, #tpu.memory_space<semaphore_mem>>, %arg26: memref<!tpu.dma_semaphore, #tpu.memory_space<semaphore_mem>>, %arg27: memref<!tpu.dma_semaphore, #tpu.memory_space<semaphore_mem>>, %arg28: memref<!tpu.dma_semaphore, #tpu.memory_space<semaphore_mem>>, %arg29: memref<!tpu.dma_semaphore, #tpu.memory_space<semaphore_mem>>, %arg30: memref<!tpu.dma_semaphore, #tpu.memory_space<semaphore_mem>>, %arg31: memref<!tpu.dma_semaphore, #tpu.memory_space<semaphore_mem>>, %arg32: memref<!tpu.dma_semaphore, #tpu.memory_space<semaphore_mem>>) attributes {dimension_semantics = [#tpu.dimension_semantics<core_parallel>, #tpu.dimension_semantics<subcore_parallel>], iteration_bounds = array<i64: 2, 16>, scalar_prefetch = 0 : i64, scratch_operands = 26 : i64, tpu.core_type = #tpu.core_type<sc_vector_subcore>, window_params = [{transform_indices = #map}, {transform_indices = #map}, {transform_indices = #map1}, {transform_indices = #map}, {transform_indices = #map}]} {
    %mul3A = arith.constant 640 : i32
    %mul3A_0 = arith.muli %arg1, %mul3A : i32
    "tpu.region"() ({
      %run_scoped3A = tpu.sem_alloc : memref<!tpu.dma_semaphore, #tpu.memory_space<semaphore_mem>>
      %dma_start3A = arith.constant 0 : i32
      %dma_start3A_20 = tpu.memref_slice %arg7[%mul3A_0, %dma_start3A] : memref<10240x128xf32, #tpu.memory_space<vmem_shared>> -> memref<640x128xf32, #tpu.memory_space<vmem_shared>>
      tpu.enqueue_dma source(%arg5 : memref<640x128xf32, #tpu.memory_space<hbm>>) target(%dma_start3A_20 : memref<640x128xf32, #tpu.memory_space<vmem_shared>>) target_semaphore(%run_scoped3A : memref<!tpu.dma_semaphore, #tpu.memory_space<semaphore_mem>>)
      %dma_wait3A = arith.constant 0 : i32
      %dma_wait3A_21 = tpu.memref_slice %arg7[%mul3A_0, %dma_wait3A] : memref<10240x128xf32, #tpu.memory_space<vmem_shared>> -> memref<640x128xf32, #tpu.memory_space<vmem_shared>>
      tpu.wait_dma2 semaphore(%run_scoped3A : memref<!tpu.dma_semaphore, #tpu.memory_space<semaphore_mem>>) src(%arg5 : memref<640x128xf32, #tpu.memory_space<hbm>>) dst(%dma_wait3A_21 : memref<640x128xf32, #tpu.memory_space<vmem_shared>>)
      tpu.yield
    }) : () -> ()
    %barrier3A = arith.constant 0 : index
    tpu.barrier barrier_id(%barrier3A)
    %eq3A = arith.constant 0 : i32
    %eq3A_1 = arith.cmpi eq, %arg1, %eq3A : i32
    %eq3A_2 = arith.constant 0 : i32
    %eq3A_3 = arith.cmpi eq, %arg0, %eq3A_2 : i32
    %and3A = arith.andi %eq3A_1, %eq3A_3 : i1
    %convert_element_type3A = arith.extui %and3A : i1 to i32
    %cond3A = arith.constant 0 : i32
    %cond3A_4 = arith.cmpi ne, %convert_element_type3A, %cond3A : i32
    scf.if %cond3A_4 {
      %dma_start3A = arith.constant 0 : i32
      %dma_start3A_20 = tpu.memref_slice %arg4[%dma_start3A] : memref<160000xi32, #tpu.memory_space<hbm>> -> memref<64xi32, #tpu.memory_space<hbm>>
      %dma_start3A_21 = arith.constant 0 : i32
      %dma_start3A_22 = tpu.memref_slice %arg4[%dma_start3A_21] : memref<160000xi32, #tpu.memory_space<hbm>> -> memref<64xi32, #tpu.memory_space<hbm>>
      tpu.enqueue_dma source(%dma_start3A_22 : memref<64xi32, #tpu.memory_space<hbm>>) target(%arg8 : memref<64xi32, #tpu.memory_space<vmem>>) target_semaphore(%arg18 : memref<!tpu.dma_semaphore, #tpu.memory_space<semaphore_mem>>)
      %dma_start3A_23 = arith.constant 0 : i32
      %dma_start3A_24 = arith.constant 0 : i32
      %dma_start3A_25 = tpu.memref_slice %arg2[%dma_start3A_23, %dma_start3A_24] : memref<160000x128xf32, #tpu.memory_space<hbm>> -> memref<64x128xf32, #tpu.memory_space<hbm>>
      %dma_start3A_26 = arith.constant 0 : i32
      %dma_start3A_27 = arith.constant 0 : i32
      %dma_start3A_28 = tpu.memref_slice %arg2[%dma_start3A_26, %dma_start3A_27] : memref<160000x128xf32, #tpu.memory_space<hbm>> -> memref<64x128xf32, #tpu.memory_space<hbm>>
      tpu.enqueue_dma source(%dma_start3A_28 : memref<64x128xf32, #tpu.memory_space<hbm>>) target(%arg13 : memref<64x128xf32, #tpu.memory_space<vmem>>) target_semaphore(%arg23 : memref<!tpu.dma_semaphore, #tpu.memory_space<semaphore_mem>>)
      %dma_start3A_29 = arith.constant 64 : i32
      %dma_start3A_30 = tpu.memref_slice %arg4[%dma_start3A_29] : memref<160000xi32, #tpu.memory_space<hbm>> -> memref<64xi32, #tpu.memory_space<hbm>>
      %dma_start3A_31 = arith.constant 64 : i32
      %dma_start3A_32 = tpu.memref_slice %arg4[%dma_start3A_31] : memref<160000xi32, #tpu.memory_space<hbm>> -> memref<64xi32, #tpu.memory_space<hbm>>
      tpu.enqueue_dma source(%dma_start3A_32 : memref<64xi32, #tpu.memory_space<hbm>>) target(%arg9 : memref<64xi32, #tpu.memory_space<vmem>>) target_semaphore(%arg19 : memref<!tpu.dma_semaphore, #tpu.memory_space<semaphore_mem>>)
      %dma_start3A_33 = arith.constant 64 : i32
      %dma_start3A_34 = arith.constant 0 : i32
      %dma_start3A_35 = tpu.memref_slice %arg2[%dma_start3A_33, %dma_start3A_34] : memref<160000x128xf32, #tpu.memory_space<hbm>> -> memref<64x128xf32, #tpu.memory_space<hbm>>
      %dma_start3A_36 = arith.constant 64 : i32
      %dma_start3A_37 = arith.constant 0 : i32
      %dma_start3A_38 = tpu.memref_slice %arg2[%dma_start3A_36, %dma_start3A_37] : memref<160000x128xf32, #tpu.memory_space<hbm>> -> memref<64x128xf32, #tpu.memory_space<hbm>>
      tpu.enqueue_dma source(%dma_start3A_38 : memref<64x128xf32, #tpu.memory_space<hbm>>) target(%arg14 : memref<64x128xf32, #tpu.memory_space<vmem>>) target_semaphore(%arg24 : memref<!tpu.dma_semaphore, #tpu.memory_space<semaphore_mem>>)
      %dma_start3A_39 = arith.constant 128 : i32
      %dma_start3A_40 = tpu.memref_slice %arg4[%dma_start3A_39] : memref<160000xi32, #tpu.memory_space<hbm>> -> memref<64xi32, #tpu.memory_space<hbm>>
      %dma_start3A_41 = arith.constant 128 : i32
      %dma_start3A_42 = tpu.memref_slice %arg4[%dma_start3A_41] : memref<160000xi32, #tpu.memory_space<hbm>> -> memref<64xi32, #tpu.memory_space<hbm>>
      tpu.enqueue_dma source(%dma_start3A_42 : memref<64xi32, #tpu.memory_space<hbm>>) target(%arg10 : memref<64xi32, #tpu.memory_space<vmem>>) target_semaphore(%arg20 : memref<!tpu.dma_semaphore, #tpu.memory_space<semaphore_mem>>)
      %dma_start3A_43 = arith.constant 128 : i32
      %dma_start3A_44 = arith.constant 0 : i32
      %dma_start3A_45 = tpu.memref_slice %arg2[%dma_start3A_43, %dma_start3A_44] : memref<160000x128xf32, #tpu.memory_space<hbm>> -> memref<64x128xf32, #tpu.memory_space<hbm>>
      %dma_start3A_46 = arith.constant 128 : i32
      %dma_start3A_47 = arith.constant 0 : i32
      %dma_start3A_48 = tpu.memref_slice %arg2[%dma_start3A_46, %dma_start3A_47] : memref<160000x128xf32, #tpu.memory_space<hbm>> -> memref<64x128xf32, #tpu.memory_space<hbm>>
      tpu.enqueue_dma source(%dma_start3A_48 : memref<64x128xf32, #tpu.memory_space<hbm>>) target(%arg15 : memref<64x128xf32, #tpu.memory_space<vmem>>) target_semaphore(%arg25 : memref<!tpu.dma_semaphore, #tpu.memory_space<semaphore_mem>>)
      %dma_start3A_49 = arith.constant 192 : i32
      %dma_start3A_50 = tpu.memref_slice %arg4[%dma_start3A_49] : memref<160000xi32, #tpu.memory_space<hbm>> -> memref<64xi32, #tpu.memory_space<hbm>>
      %dma_start3A_51 = arith.constant 192 : i32
      %dma_start3A_52 = tpu.memref_slice %arg4[%dma_start3A_51] : memref<160000xi32, #tpu.memory_space<hbm>> -> memref<64xi32, #tpu.memory_space<hbm>>
      tpu.enqueue_dma source(%dma_start3A_52 : memref<64xi32, #tpu.memory_space<hbm>>) target(%arg11 : memref<64xi32, #tpu.memory_space<vmem>>) target_semaphore(%arg21 : memref<!tpu.dma_semaphore, #tpu.memory_space<semaphore_mem>>)
      %dma_start3A_53 = arith.constant 192 : i32
      %dma_start3A_54 = arith.constant 0 : i32
      %dma_start3A_55 = tpu.memref_slice %arg2[%dma_start3A_53, %dma_start3A_54] : memref<160000x128xf32, #tpu.memory_space<hbm>> -> memref<64x128xf32, #tpu.memory_space<hbm>>
      %dma_start3A_56 = arith.constant 192 : i32
      %dma_start3A_57 = arith.constant 0 : i32
      %dma_start3A_58 = tpu.memref_slice %arg2[%dma_start3A_56, %dma_start3A_57] : memref<160000x128xf32, #tpu.memory_space<hbm>> -> memref<64x128xf32, #tpu.memory_space<hbm>>
      tpu.enqueue_dma source(%dma_start3A_58 : memref<64x128xf32, #tpu.memory_space<hbm>>) target(%arg16 : memref<64x128xf32, #tpu.memory_space<vmem>>) target_semaphore(%arg26 : memref<!tpu.dma_semaphore, #tpu.memory_space<semaphore_mem>>)
      %dma_start3A_59 = arith.constant 256 : i32
      %dma_start3A_60 = tpu.memref_slice %arg4[%dma_start3A_59] : memref<160000xi32, #tpu.memory_space<hbm>> -> memref<64xi32, #tpu.memory_space<hbm>>
      %dma_start3A_61 = arith.constant 256 : i32
      %dma_start3A_62 = tpu.memref_slice %arg4[%dma_start3A_61] : memref<160000xi32, #tpu.memory_space<hbm>> -> memref<64xi32, #tpu.memory_space<hbm>>
      tpu.enqueue_dma source(%dma_start3A_62 : memref<64xi32, #tpu.memory_space<hbm>>) target(%arg12 : memref<64xi32, #tpu.memory_space<vmem>>) target_semaphore(%arg22 : memref<!tpu.dma_semaphore, #tpu.memory_space<semaphore_mem>>)
      %dma_start3A_63 = arith.constant 256 : i32
      %dma_start3A_64 = arith.constant 0 : i32
      %dma_start3A_65 = tpu.memref_slice %arg2[%dma_start3A_63, %dma_start3A_64] : memref<160000x128xf32, #tpu.memory_space<hbm>> -> memref<64x128xf32, #tpu.memory_space<hbm>>
      %dma_start3A_66 = arith.constant 256 : i32
      %dma_start3A_67 = arith.constant 0 : i32
      %dma_start3A_68 = tpu.memref_slice %arg2[%dma_start3A_66, %dma_start3A_67] : memref<160000x128xf32, #tpu.memory_space<hbm>> -> memref<64x128xf32, #tpu.memory_space<hbm>>
      tpu.enqueue_dma source(%dma_start3A_68 : memref<64x128xf32, #tpu.memory_space<hbm>>) target(%arg17 : memref<64x128xf32, #tpu.memory_space<vmem>>) target_semaphore(%arg27 : memref<!tpu.dma_semaphore, #tpu.memory_space<semaphore_mem>>)
      %scan3A = arith.constant 0 : i32
      %scan3A_69 = arith.constant 500 : i32
      %scan3A_70 = arith.addi %scan3A, %scan3A_69 : i32
      %scan3A_71 = arith.constant 1 : i32
      scf.for %scan3A_87 = %scan3A to %scan3A_70 step %scan3A_71  : i32 {
        %mul3A_88 = arith.constant 1 : i32
        %mul3A_89 = arith.muli %scan3A_87, %mul3A_88 : i32
        %add3A = arith.constant 0 : i32
        %add3A_90 = arith.addi %add3A, %mul3A_89 : i32
        %mul3A_91 = arith.constant 5 : i32
        %mul3A_92 = arith.muli %add3A_90, %mul3A_91 : i32
        %add3A_93 = arith.constant 0 : i32
        %add3A_94 = arith.addi %mul3A_92, %add3A_93 : i32
        %gt3A = arith.constant 0 : i32
        %gt3A_95 = arith.cmpi sgt, %add3A_90, %gt3A : i32
        %convert_element_type3A_96 = arith.extui %gt3A_95 : i1 to i32
        %cond3A_97 = arith.constant 0 : i32
        %cond3A_98 = arith.cmpi ne, %convert_element_type3A_96, %cond3A_97 : i32
        scf.if %cond3A_98 {
          %dma_wait3A_220 = arith.constant 0 : i32
          %dma_wait3A_221 = arith.constant 0 : i32
          %dma_wait3A_222 = tpu.memref_slice %arg7[%dma_wait3A_220, %dma_wait3A_221] : memref<10240x128xf32, #tpu.memory_space<vmem_shared>> -> memref<10240x128xf32, #tpu.memory_space<vmem_shared>>
          tpu.wait_indirect_dma semaphore(%arg28 : memref<!tpu.dma_semaphore, #tpu.memory_space<semaphore_mem>>) src(%arg13 : memref<64x128xf32, #tpu.memory_space<vmem>>) dst(%dma_wait3A_222 : memref<10240x128xf32, #tpu.memory_space<vmem_shared>>)
          %mul3A_223 = arith.constant 64 : i32
          %mul3A_224 = arith.muli %add3A_94, %mul3A_223 : i32
          %dma_start3A_225 = tpu.memref_slice %arg4[%mul3A_224] : memref<160000xi32, #tpu.memory_space<hbm>> -> memref<64xi32, #tpu.memory_space<hbm>>
          %dma_start3A_226 = tpu.memref_slice %arg4[%mul3A_224] : memref<160000xi32, #tpu.memory_space<hbm>> -> memref<64xi32, #tpu.memory_space<hbm>>
          tpu.enqueue_dma source(%dma_start3A_226 : memref<64xi32, #tpu.memory_space<hbm>>) target(%arg8 : memref<64xi32, #tpu.memory_space<vmem>>) target_semaphore(%arg18 : memref<!tpu.dma_semaphore, #tpu.memory_space<semaphore_mem>>)
          %mul3A_227 = arith.constant 64 : i32
          %mul3A_228 = arith.muli %add3A_94, %mul3A_227 : i32
          %dma_start3A_229 = arith.constant 0 : i32
          %dma_start3A_230 = tpu.memref_slice %arg2[%mul3A_228, %dma_start3A_229] : memref<160000x128xf32, #tpu.memory_space<hbm>> -> memref<64x128xf32, #tpu.memory_space<hbm>>
          %dma_start3A_231 = arith.constant 0 : i32
          %dma_start3A_232 = tpu.memref_slice %arg2[%mul3A_228, %dma_start3A_231] : memref<160000x128xf32, #tpu.memory_space<hbm>> -> memref<64x128xf32, #tpu.memory_space<hbm>>
          tpu.enqueue_dma source(%dma_start3A_232 : memref<64x128xf32, #tpu.memory_space<hbm>>) target(%arg13 : memref<64x128xf32, #tpu.memory_space<vmem>>) target_semaphore(%arg23 : memref<!tpu.dma_semaphore, #tpu.memory_space<semaphore_mem>>)
        } else {
        }
        %mul3A_99 = arith.constant 5 : i32
        %mul3A_100 = arith.muli %add3A_90, %mul3A_99 : i32
        %add3A_101 = arith.constant 1 : i32
        %add3A_102 = arith.addi %mul3A_100, %add3A_101 : i32
        %gt3A_103 = arith.constant 0 : i32
        %gt3A_104 = arith.cmpi sgt, %add3A_90, %gt3A_103 : i32
        %convert_element_type3A_105 = arith.extui %gt3A_104 : i1 to i32
        %cond3A_106 = arith.constant 0 : i32
        %cond3A_107 = arith.cmpi ne, %convert_element_type3A_105, %cond3A_106 : i32
        scf.if %cond3A_107 {
          %dma_wait3A_220 = arith.constant 0 : i32
          %dma_wait3A_221 = arith.constant 0 : i32
          %dma_wait3A_222 = tpu.memref_slice %arg7[%dma_wait3A_220, %dma_wait3A_221] : memref<10240x128xf32, #tpu.memory_space<vmem_shared>> -> memref<10240x128xf32, #tpu.memory_space<vmem_shared>>
          tpu.wait_indirect_dma semaphore(%arg29 : memref<!tpu.dma_semaphore, #tpu.memory_space<semaphore_mem>>) src(%arg14 : memref<64x128xf32, #tpu.memory_space<vmem>>) dst(%dma_wait3A_222 : memref<10240x128xf32, #tpu.memory_space<vmem_shared>>)
          %mul3A_223 = arith.constant 64 : i32
          %mul3A_224 = arith.muli %add3A_102, %mul3A_223 : i32
          %dma_start3A_225 = tpu.memref_slice %arg4[%mul3A_224] : memref<160000xi32, #tpu.memory_space<hbm>> -> memref<64xi32, #tpu.memory_space<hbm>>
          %dma_start3A_226 = tpu.memref_slice %arg4[%mul3A_224] : memref<160000xi32, #tpu.memory_space<hbm>> -> memref<64xi32, #tpu.memory_space<hbm>>
          tpu.enqueue_dma source(%dma_start3A_226 : memref<64xi32, #tpu.memory_space<hbm>>) target(%arg9 : memref<64xi32, #tpu.memory_space<vmem>>) target_semaphore(%arg19 : memref<!tpu.dma_semaphore, #tpu.memory_space<semaphore_mem>>)
          %mul3A_227 = arith.constant 64 : i32
          %mul3A_228 = arith.muli %add3A_102, %mul3A_227 : i32
          %dma_start3A_229 = arith.constant 0 : i32
          %dma_start3A_230 = tpu.memref_slice %arg2[%mul3A_228, %dma_start3A_229] : memref<160000x128xf32, #tpu.memory_space<hbm>> -> memref<64x128xf32, #tpu.memory_space<hbm>>
          %dma_start3A_231 = arith.constant 0 : i32
          %dma_start3A_232 = tpu.memref_slice %arg2[%mul3A_228, %dma_start3A_231] : memref<160000x128xf32, #tpu.memory_space<hbm>> -> memref<64x128xf32, #tpu.memory_space<hbm>>
          tpu.enqueue_dma source(%dma_start3A_232 : memref<64x128xf32, #tpu.memory_space<hbm>>) target(%arg14 : memref<64x128xf32, #tpu.memory_space<vmem>>) target_semaphore(%arg24 : memref<!tpu.dma_semaphore, #tpu.memory_space<semaphore_mem>>)
        } else {
        }
        %mul3A_108 = arith.constant 5 : i32
        %mul3A_109 = arith.muli %add3A_90, %mul3A_108 : i32
        %add3A_110 = arith.constant 2 : i32
        %add3A_111 = arith.addi %mul3A_109, %add3A_110 : i32
        %gt3A_112 = arith.constant 0 : i32
        %gt3A_113 = arith.cmpi sgt, %add3A_90, %gt3A_112 : i32
        %convert_element_type3A_114 = arith.extui %gt3A_113 : i1 to i32
        %cond3A_115 = arith.constant 0 : i32
        %cond3A_116 = arith.cmpi ne, %convert_element_type3A_114, %cond3A_115 : i32
        scf.if %cond3A_116 {
          %dma_wait3A_220 = arith.constant 0 : i32
          %dma_wait3A_221 = arith.constant 0 : i32
          %dma_wait3A_222 = tpu.memref_slice %arg7[%dma_wait3A_220, %dma_wait3A_221] : memref<10240x128xf32, #tpu.memory_space<vmem_shared>> -> memref<10240x128xf32, #tpu.memory_space<vmem_shared>>
          tpu.wait_indirect_dma semaphore(%arg30 : memref<!tpu.dma_semaphore, #tpu.memory_space<semaphore_mem>>) src(%arg15 : memref<64x128xf32, #tpu.memory_space<vmem>>) dst(%dma_wait3A_222 : memref<10240x128xf32, #tpu.memory_space<vmem_shared>>)
          %mul3A_223 = arith.constant 64 : i32
          %mul3A_224 = arith.muli %add3A_111, %mul3A_223 : i32
          %dma_start3A_225 = tpu.memref_slice %arg4[%mul3A_224] : memref<160000xi32, #tpu.memory_space<hbm>> -> memref<64xi32, #tpu.memory_space<hbm>>
          %dma_start3A_226 = tpu.memref_slice %arg4[%mul3A_224] : memref<160000xi32, #tpu.memory_space<hbm>> -> memref<64xi32, #tpu.memory_space<hbm>>
          tpu.enqueue_dma source(%dma_start3A_226 : memref<64xi32, #tpu.memory_space<hbm>>) target(%arg10 : memref<64xi32, #tpu.memory_space<vmem>>) target_semaphore(%arg20 : memref<!tpu.dma_semaphore, #tpu.memory_space<semaphore_mem>>)
          %mul3A_227 = arith.constant 64 : i32
          %mul3A_228 = arith.muli %add3A_111, %mul3A_227 : i32
          %dma_start3A_229 = arith.constant 0 : i32
          %dma_start3A_230 = tpu.memref_slice %arg2[%mul3A_228, %dma_start3A_229] : memref<160000x128xf32, #tpu.memory_space<hbm>> -> memref<64x128xf32, #tpu.memory_space<hbm>>
          %dma_start3A_231 = arith.constant 0 : i32
          %dma_start3A_232 = tpu.memref_slice %arg2[%mul3A_228, %dma_start3A_231] : memref<160000x128xf32, #tpu.memory_space<hbm>> -> memref<64x128xf32, #tpu.memory_space<hbm>>
          tpu.enqueue_dma source(%dma_start3A_232 : memref<64x128xf32, #tpu.memory_space<hbm>>) target(%arg15 : memref<64x128xf32, #tpu.memory_space<vmem>>) target_semaphore(%arg25 : memref<!tpu.dma_semaphore, #tpu.memory_space<semaphore_mem>>)
        } else {
        }
        %mul3A_117 = arith.constant 5 : i32
        %mul3A_118 = arith.muli %add3A_90, %mul3A_117 : i32
        %add3A_119 = arith.constant 3 : i32
        %add3A_120 = arith.addi %mul3A_118, %add3A_119 : i32
        %gt3A_121 = arith.constant 0 : i32
        %gt3A_122 = arith.cmpi sgt, %add3A_90, %gt3A_121 : i32
        %convert_element_type3A_123 = arith.extui %gt3A_122 : i1 to i32
        %cond3A_124 = arith.constant 0 : i32
        %cond3A_125 = arith.cmpi ne, %convert_element_type3A_123, %cond3A_124 : i32
        scf.if %cond3A_125 {
          %dma_wait3A_220 = arith.constant 0 : i32
          %dma_wait3A_221 = arith.constant 0 : i32
          %dma_wait3A_222 = tpu.memref_slice %arg7[%dma_wait3A_220, %dma_wait3A_221] : memref<10240x128xf32, #tpu.memory_space<vmem_shared>> -> memref<10240x128xf32, #tpu.memory_space<vmem_shared>>
          tpu.wait_indirect_dma semaphore(%arg31 : memref<!tpu.dma_semaphore, #tpu.memory_space<semaphore_mem>>) src(%arg16 : memref<64x128xf32, #tpu.memory_space<vmem>>) dst(%dma_wait3A_222 : memref<10240x128xf32, #tpu.memory_space<vmem_shared>>)
          %mul3A_223 = arith.constant 64 : i32
          %mul3A_224 = arith.muli %add3A_120, %mul3A_223 : i32
          %dma_start3A_225 = tpu.memref_slice %arg4[%mul3A_224] : memref<160000xi32, #tpu.memory_space<hbm>> -> memref<64xi32, #tpu.memory_space<hbm>>
          %dma_start3A_226 = tpu.memref_slice %arg4[%mul3A_224] : memref<160000xi32, #tpu.memory_space<hbm>> -> memref<64xi32, #tpu.memory_space<hbm>>
          tpu.enqueue_dma source(%dma_start3A_226 : memref<64xi32, #tpu.memory_space<hbm>>) target(%arg11 : memref<64xi32, #tpu.memory_space<vmem>>) target_semaphore(%arg21 : memref<!tpu.dma_semaphore, #tpu.memory_space<semaphore_mem>>)
          %mul3A_227 = arith.constant 64 : i32
          %mul3A_228 = arith.muli %add3A_120, %mul3A_227 : i32
          %dma_start3A_229 = arith.constant 0 : i32
          %dma_start3A_230 = tpu.memref_slice %arg2[%mul3A_228, %dma_start3A_229] : memref<160000x128xf32, #tpu.memory_space<hbm>> -> memref<64x128xf32, #tpu.memory_space<hbm>>
          %dma_start3A_231 = arith.constant 0 : i32
          %dma_start3A_232 = tpu.memref_slice %arg2[%mul3A_228, %dma_start3A_231] : memref<160000x128xf32, #tpu.memory_space<hbm>> -> memref<64x128xf32, #tpu.memory_space<hbm>>
          tpu.enqueue_dma source(%dma_start3A_232 : memref<64x128xf32, #tpu.memory_space<hbm>>) target(%arg16 : memref<64x128xf32, #tpu.memory_space<vmem>>) target_semaphore(%arg26 : memref<!tpu.dma_semaphore, #tpu.memory_space<semaphore_mem>>)
        } else {
        }
        %mul3A_126 = arith.constant 5 : i32
        %mul3A_127 = arith.muli %add3A_90, %mul3A_126 : i32
        %add3A_128 = arith.constant 4 : i32
        %add3A_129 = arith.addi %mul3A_127, %add3A_128 : i32
        %gt3A_130 = arith.constant 0 : i32
        %gt3A_131 = arith.cmpi sgt, %add3A_90, %gt3A_130 : i32
        %convert_element_type3A_132 = arith.extui %gt3A_131 : i1 to i32
        %cond3A_133 = arith.constant 0 : i32
        %cond3A_134 = arith.cmpi ne, %convert_element_type3A_132, %cond3A_133 : i32
        scf.if %cond3A_134 {
          %dma_wait3A_220 = arith.constant 0 : i32
          %dma_wait3A_221 = arith.constant 0 : i32
          %dma_wait3A_222 = tpu.memref_slice %arg7[%dma_wait3A_220, %dma_wait3A_221] : memref<10240x128xf32, #tpu.memory_space<vmem_shared>> -> memref<10240x128xf32, #tpu.memory_space<vmem_shared>>
          tpu.wait_indirect_dma semaphore(%arg32 : memref<!tpu.dma_semaphore, #tpu.memory_space<semaphore_mem>>) src(%arg17 : memref<64x128xf32, #tpu.memory_space<vmem>>) dst(%dma_wait3A_222 : memref<10240x128xf32, #tpu.memory_space<vmem_shared>>)
          %mul3A_223 = arith.constant 64 : i32
          %mul3A_224 = arith.muli %add3A_129, %mul3A_223 : i32
          %dma_start3A_225 = tpu.memref_slice %arg4[%mul3A_224] : memref<160000xi32, #tpu.memory_space<hbm>> -> memref<64xi32, #tpu.memory_space<hbm>>
          %dma_start3A_226 = tpu.memref_slice %arg4[%mul3A_224] : memref<160000xi32, #tpu.memory_space<hbm>> -> memref<64xi32, #tpu.memory_space<hbm>>
          tpu.enqueue_dma source(%dma_start3A_226 : memref<64xi32, #tpu.memory_space<hbm>>) target(%arg12 : memref<64xi32, #tpu.memory_space<vmem>>) target_semaphore(%arg22 : memref<!tpu.dma_semaphore, #tpu.memory_space<semaphore_mem>>)
          %mul3A_227 = arith.constant 64 : i32
          %mul3A_228 = arith.muli %add3A_129, %mul3A_227 : i32
          %dma_start3A_229 = arith.constant 0 : i32
          %dma_start3A_230 = tpu.memref_slice %arg2[%mul3A_228, %dma_start3A_229] : memref<160000x128xf32, #tpu.memory_space<hbm>> -> memref<64x128xf32, #tpu.memory_space<hbm>>
          %dma_start3A_231 = arith.constant 0 : i32
          %dma_start3A_232 = tpu.memref_slice %arg2[%mul3A_228, %dma_start3A_231] : memref<160000x128xf32, #tpu.memory_space<hbm>> -> memref<64x128xf32, #tpu.memory_space<hbm>>
          tpu.enqueue_dma source(%dma_start3A_232 : memref<64x128xf32, #tpu.memory_space<hbm>>) target(%arg17 : memref<64x128xf32, #tpu.memory_space<vmem>>) target_semaphore(%arg27 : memref<!tpu.dma_semaphore, #tpu.memory_space<semaphore_mem>>)
        } else {
        }
        %mul3A_135 = arith.constant 5 : i32
        %mul3A_136 = arith.muli %add3A_90, %mul3A_135 : i32
        %add3A_137 = arith.constant 0 : i32
        %add3A_138 = arith.addi %mul3A_136, %add3A_137 : i32
        %mul3A_139 = arith.constant 64 : i32
        %mul3A_140 = arith.muli %add3A_138, %mul3A_139 : i32
        %dma_wait3A_141 = tpu.memref_slice %arg4[%mul3A_140] : memref<160000xi32, #tpu.memory_space<hbm>> -> memref<64xi32, #tpu.memory_space<hbm>>
        %dma_wait3A_142 = tpu.memref_slice %arg4[%mul3A_140] : memref<160000xi32, #tpu.memory_space<hbm>> -> memref<64xi32, #tpu.memory_space<hbm>>
        tpu.wait_dma2 semaphore(%arg18 : memref<!tpu.dma_semaphore, #tpu.memory_space<semaphore_mem>>) src(%dma_wait3A_142 : memref<64xi32, #tpu.memory_space<hbm>>) dst(%arg8 : memref<64xi32, #tpu.memory_space<vmem>>)
        %mul3A_143 = arith.constant 64 : i32
        %mul3A_144 = arith.muli %add3A_138, %mul3A_143 : i32
        %dma_wait3A_145 = arith.constant 0 : i32
        %dma_wait3A_146 = tpu.memref_slice %arg2[%mul3A_144, %dma_wait3A_145] : memref<160000x128xf32, #tpu.memory_space<hbm>> -> memref<64x128xf32, #tpu.memory_space<hbm>>
        %dma_wait3A_147 = arith.constant 0 : i32
        %dma_wait3A_148 = tpu.memref_slice %arg2[%mul3A_144, %dma_wait3A_147] : memref<160000x128xf32, #tpu.memory_space<hbm>> -> memref<64x128xf32, #tpu.memory_space<hbm>>
        tpu.wait_dma2 semaphore(%arg23 : memref<!tpu.dma_semaphore, #tpu.memory_space<semaphore_mem>>) src(%dma_wait3A_148 : memref<64x128xf32, #tpu.memory_space<hbm>>) dst(%arg13 : memref<64x128xf32, #tpu.memory_space<vmem>>)
        %dma_start3A_149 = arith.constant 0 : i32
        %dma_start3A_150 = arith.constant 0 : i32
        %dma_start3A_151 = tpu.memref_slice %arg7[%dma_start3A_149, %dma_start3A_150] : memref<10240x128xf32, #tpu.memory_space<vmem_shared>> -> memref<10240x128xf32, #tpu.memory_space<vmem_shared>>
        tpu.enqueue_indirect_dma source(%arg13 : memref<64x128xf32, #tpu.memory_space<vmem>>) target(%dma_start3A_151 : memref<10240x128xf32, #tpu.memory_space<vmem_shared>>) offsets(%arg8 : memref<64xi32, #tpu.memory_space<vmem>>) semaphore(%arg28 : memref<!tpu.dma_semaphore, #tpu.memory_space<semaphore_mem>>) {add = true}
        %mul3A_152 = arith.constant 5 : i32
        %mul3A_153 = arith.muli %add3A_90, %mul3A_152 : i32
        %add3A_154 = arith.constant 1 : i32
        %add3A_155 = arith.addi %mul3A_153, %add3A_154 : i32
        %mul3A_156 = arith.constant 64 : i32
        %mul3A_157 = arith.muli %add3A_155, %mul3A_156 : i32
        %dma_wait3A_158 = tpu.memref_slice %arg4[%mul3A_157] : memref<160000xi32, #tpu.memory_space<hbm>> -> memref<64xi32, #tpu.memory_space<hbm>>
        %dma_wait3A_159 = tpu.memref_slice %arg4[%mul3A_157] : memref<160000xi32, #tpu.memory_space<hbm>> -> memref<64xi32, #tpu.memory_space<hbm>>
        tpu.wait_dma2 semaphore(%arg19 : memref<!tpu.dma_semaphore, #tpu.memory_space<semaphore_mem>>) src(%dma_wait3A_159 : memref<64xi32, #tpu.memory_space<hbm>>) dst(%arg9 : memref<64xi32, #tpu.memory_space<vmem>>)
        %mul3A_160 = arith.constant 64 : i32
        %mul3A_161 = arith.muli %add3A_155, %mul3A_160 : i32
        %dma_wait3A_162 = arith.constant 0 : i32
        %dma_wait3A_163 = tpu.memref_slice %arg2[%mul3A_161, %dma_wait3A_162] : memref<160000x128xf32, #tpu.memory_space<hbm>> -> memref<64x128xf32, #tpu.memory_space<hbm>>
        %dma_wait3A_164 = arith.constant 0 : i32
        %dma_wait3A_165 = tpu.memref_slice %arg2[%mul3A_161, %dma_wait3A_164] : memref<160000x128xf32, #tpu.memory_space<hbm>> -> memref<64x128xf32, #tpu.memory_space<hbm>>
        tpu.wait_dma2 semaphore(%arg24 : memref<!tpu.dma_semaphore, #tpu.memory_space<semaphore_mem>>) src(%dma_wait3A_165 : memref<64x128xf32, #tpu.memory_space<hbm>>) dst(%arg14 : memref<64x128xf32, #tpu.memory_space<vmem>>)
        %dma_start3A_166 = arith.constant 0 : i32
        %dma_start3A_167 = arith.constant 0 : i32
        %dma_start3A_168 = tpu.memref_slice %arg7[%dma_start3A_166, %dma_start3A_167] : memref<10240x128xf32, #tpu.memory_space<vmem_shared>> -> memref<10240x128xf32, #tpu.memory_space<vmem_shared>>
        tpu.enqueue_indirect_dma source(%arg14 : memref<64x128xf32, #tpu.memory_space<vmem>>) target(%dma_start3A_168 : memref<10240x128xf32, #tpu.memory_space<vmem_shared>>) offsets(%arg9 : memref<64xi32, #tpu.memory_space<vmem>>) semaphore(%arg29 : memref<!tpu.dma_semaphore, #tpu.memory_space<semaphore_mem>>) {add = true}
        %mul3A_169 = arith.constant 5 : i32
        %mul3A_170 = arith.muli %add3A_90, %mul3A_169 : i32
        %add3A_171 = arith.constant 2 : i32
        %add3A_172 = arith.addi %mul3A_170, %add3A_171 : i32
        %mul3A_173 = arith.constant 64 : i32
        %mul3A_174 = arith.muli %add3A_172, %mul3A_173 : i32
        %dma_wait3A_175 = tpu.memref_slice %arg4[%mul3A_174] : memref<160000xi32, #tpu.memory_space<hbm>> -> memref<64xi32, #tpu.memory_space<hbm>>
        %dma_wait3A_176 = tpu.memref_slice %arg4[%mul3A_174] : memref<160000xi32, #tpu.memory_space<hbm>> -> memref<64xi32, #tpu.memory_space<hbm>>
        tpu.wait_dma2 semaphore(%arg20 : memref<!tpu.dma_semaphore, #tpu.memory_space<semaphore_mem>>) src(%dma_wait3A_176 : memref<64xi32, #tpu.memory_space<hbm>>) dst(%arg10 : memref<64xi32, #tpu.memory_space<vmem>>)
        %mul3A_177 = arith.constant 64 : i32
        %mul3A_178 = arith.muli %add3A_172, %mul3A_177 : i32
        %dma_wait3A_179 = arith.constant 0 : i32
        %dma_wait3A_180 = tpu.memref_slice %arg2[%mul3A_178, %dma_wait3A_179] : memref<160000x128xf32, #tpu.memory_space<hbm>> -> memref<64x128xf32, #tpu.memory_space<hbm>>
        %dma_wait3A_181 = arith.constant 0 : i32
        %dma_wait3A_182 = tpu.memref_slice %arg2[%mul3A_178, %dma_wait3A_181] : memref<160000x128xf32, #tpu.memory_space<hbm>> -> memref<64x128xf32, #tpu.memory_space<hbm>>
        tpu.wait_dma2 semaphore(%arg25 : memref<!tpu.dma_semaphore, #tpu.memory_space<semaphore_mem>>) src(%dma_wait3A_182 : memref<64x128xf32, #tpu.memory_space<hbm>>) dst(%arg15 : memref<64x128xf32, #tpu.memory_space<vmem>>)
        %dma_start3A_183 = arith.constant 0 : i32
        %dma_start3A_184 = arith.constant 0 : i32
        %dma_start3A_185 = tpu.memref_slice %arg7[%dma_start3A_183, %dma_start3A_184] : memref<10240x128xf32, #tpu.memory_space<vmem_shared>> -> memref<10240x128xf32, #tpu.memory_space<vmem_shared>>
        tpu.enqueue_indirect_dma source(%arg15 : memref<64x128xf32, #tpu.memory_space<vmem>>) target(%dma_start3A_185 : memref<10240x128xf32, #tpu.memory_space<vmem_shared>>) offsets(%arg10 : memref<64xi32, #tpu.memory_space<vmem>>) semaphore(%arg30 : memref<!tpu.dma_semaphore, #tpu.memory_space<semaphore_mem>>) {add = true}
        %mul3A_186 = arith.constant 5 : i32
        %mul3A_187 = arith.muli %add3A_90, %mul3A_186 : i32
        %add3A_188 = arith.constant 3 : i32
        %add3A_189 = arith.addi %mul3A_187, %add3A_188 : i32
        %mul3A_190 = arith.constant 64 : i32
        %mul3A_191 = arith.muli %add3A_189, %mul3A_190 : i32
        %dma_wait3A_192 = tpu.memref_slice %arg4[%mul3A_191] : memref<160000xi32, #tpu.memory_space<hbm>> -> memref<64xi32, #tpu.memory_space<hbm>>
        %dma_wait3A_193 = tpu.memref_slice %arg4[%mul3A_191] : memref<160000xi32, #tpu.memory_space<hbm>> -> memref<64xi32, #tpu.memory_space<hbm>>
        tpu.wait_dma2 semaphore(%arg21 : memref<!tpu.dma_semaphore, #tpu.memory_space<semaphore_mem>>) src(%dma_wait3A_193 : memref<64xi32, #tpu.memory_space<hbm>>) dst(%arg11 : memref<64xi32, #tpu.memory_space<vmem>>)
        %mul3A_194 = arith.constant 64 : i32
        %mul3A_195 = arith.muli %add3A_189, %mul3A_194 : i32
        %dma_wait3A_196 = arith.constant 0 : i32
        %dma_wait3A_197 = tpu.memref_slice %arg2[%mul3A_195, %dma_wait3A_196] : memref<160000x128xf32, #tpu.memory_space<hbm>> -> memref<64x128xf32, #tpu.memory_space<hbm>>
        %dma_wait3A_198 = arith.constant 0 : i32
        %dma_wait3A_199 = tpu.memref_slice %arg2[%mul3A_195, %dma_wait3A_198] : memref<160000x128xf32, #tpu.memory_space<hbm>> -> memref<64x128xf32, #tpu.memory_space<hbm>>
        tpu.wait_dma2 semaphore(%arg26 : memref<!tpu.dma_semaphore, #tpu.memory_space<semaphore_mem>>) src(%dma_wait3A_199 : memref<64x128xf32, #tpu.memory_space<hbm>>) dst(%arg16 : memref<64x128xf32, #tpu.memory_space<vmem>>)
        %dma_start3A_200 = arith.constant 0 : i32
        %dma_start3A_201 = arith.constant 0 : i32
        %dma_start3A_202 = tpu.memref_slice %arg7[%dma_start3A_200, %dma_start3A_201] : memref<10240x128xf32, #tpu.memory_space<vmem_shared>> -> memref<10240x128xf32, #tpu.memory_space<vmem_shared>>
        tpu.enqueue_indirect_dma source(%arg16 : memref<64x128xf32, #tpu.memory_space<vmem>>) target(%dma_start3A_202 : memref<10240x128xf32, #tpu.memory_space<vmem_shared>>) offsets(%arg11 : memref<64xi32, #tpu.memory_space<vmem>>) semaphore(%arg31 : memref<!tpu.dma_semaphore, #tpu.memory_space<semaphore_mem>>) {add = true}
        %mul3A_203 = arith.constant 5 : i32
        %mul3A_204 = arith.muli %add3A_90, %mul3A_203 : i32
        %add3A_205 = arith.constant 4 : i32
        %add3A_206 = arith.addi %mul3A_204, %add3A_205 : i32
        %mul3A_207 = arith.constant 64 : i32
        %mul3A_208 = arith.muli %add3A_206, %mul3A_207 : i32
        %dma_wait3A_209 = tpu.memref_slice %arg4[%mul3A_208] : memref<160000xi32, #tpu.memory_space<hbm>> -> memref<64xi32, #tpu.memory_space<hbm>>
        %dma_wait3A_210 = tpu.memref_slice %arg4[%mul3A_208] : memref<160000xi32, #tpu.memory_space<hbm>> -> memref<64xi32, #tpu.memory_space<hbm>>
        tpu.wait_dma2 semaphore(%arg22 : memref<!tpu.dma_semaphore, #tpu.memory_space<semaphore_mem>>) src(%dma_wait3A_210 : memref<64xi32, #tpu.memory_space<hbm>>) dst(%arg12 : memref<64xi32, #tpu.memory_space<vmem>>)
        %mul3A_211 = arith.constant 64 : i32
        %mul3A_212 = arith.muli %add3A_206, %mul3A_211 : i32
        %dma_wait3A_213 = arith.constant 0 : i32
        %dma_wait3A_214 = tpu.memref_slice %arg2[%mul3A_212, %dma_wait3A_213] : memref<160000x128xf32, #tpu.memory_space<hbm>> -> memref<64x128xf32, #tpu.memory_space<hbm>>
        %dma_wait3A_215 = arith.constant 0 : i32
        %dma_wait3A_216 = tpu.memref_slice %arg2[%mul3A_212, %dma_wait3A_215] : memref<160000x128xf32, #tpu.memory_space<hbm>> -> memref<64x128xf32, #tpu.memory_space<hbm>>
        tpu.wait_dma2 semaphore(%arg27 : memref<!tpu.dma_semaphore, #tpu.memory_space<semaphore_mem>>) src(%dma_wait3A_216 : memref<64x128xf32, #tpu.memory_space<hbm>>) dst(%arg17 : memref<64x128xf32, #tpu.memory_space<vmem>>)
        %dma_start3A_217 = arith.constant 0 : i32
        %dma_start3A_218 = arith.constant 0 : i32
        %dma_start3A_219 = tpu.memref_slice %arg7[%dma_start3A_217, %dma_start3A_218] : memref<10240x128xf32, #tpu.memory_space<vmem_shared>> -> memref<10240x128xf32, #tpu.memory_space<vmem_shared>>
        tpu.enqueue_indirect_dma source(%arg17 : memref<64x128xf32, #tpu.memory_space<vmem>>) target(%dma_start3A_219 : memref<10240x128xf32, #tpu.memory_space<vmem_shared>>) offsets(%arg12 : memref<64xi32, #tpu.memory_space<vmem>>) semaphore(%arg32 : memref<!tpu.dma_semaphore, #tpu.memory_space<semaphore_mem>>) {add = true}
      }
      %scan3A_72 = arith.constant 500 : i32
      %dma_wait3A = arith.constant 0 : i32
      %dma_wait3A_73 = arith.constant 0 : i32
      %dma_wait3A_74 = tpu.memref_slice %arg7[%dma_wait3A, %dma_wait3A_73] : memref<10240x128xf32, #tpu.memory_space<vmem_shared>> -> memref<10240x128xf32, #tpu.memory_space<vmem_shared>>
      tpu.wait_indirect_dma semaphore(%arg28 : memref<!tpu.dma_semaphore, #tpu.memory_space<semaphore_mem>>) src(%arg13 : memref<64x128xf32, #tpu.memory_space<vmem>>) dst(%dma_wait3A_74 : memref<10240x128xf32, #tpu.memory_space<vmem_shared>>)
      %dma_wait3A_75 = arith.constant 0 : i32
      %dma_wait3A_76 = arith.constant 0 : i32
      %dma_wait3A_77 = tpu.memref_slice %arg7[%dma_wait3A_75, %dma_wait3A_76] : memref<10240x128xf32, #tpu.memory_space<vmem_shared>> -> memref<10240x128xf32, #tpu.memory_space<vmem_shared>>
      tpu.wait_indirect_dma semaphore(%arg29 : memref<!tpu.dma_semaphore, #tpu.memory_space<semaphore_mem>>) src(%arg14 : memref<64x128xf32, #tpu.memory_space<vmem>>) dst(%dma_wait3A_77 : memref<10240x128xf32, #tpu.memory_space<vmem_shared>>)
      %dma_wait3A_78 = arith.constant 0 : i32
      %dma_wait3A_79 = arith.constant 0 : i32
      %dma_wait3A_80 = tpu.memref_slice %arg7[%dma_wait3A_78, %dma_wait3A_79] : memref<10240x128xf32, #tpu.memory_space<vmem_shared>> -> memref<10240x128xf32, #tpu.memory_space<vmem_shared>>
      tpu.wait_indirect_dma semaphore(%arg30 : memref<!tpu.dma_semaphore, #tpu.memory_space<semaphore_mem>>) src(%arg15 : memref<64x128xf32, #tpu.memory_space<vmem>>) dst(%dma_wait3A_80 : memref<10240x128xf32, #tpu.memory_space<vmem_shared>>)
      %dma_wait3A_81 = arith.constant 0 : i32
      %dma_wait3A_82 = arith.constant 0 : i32
      %dma_wait3A_83 = tpu.memref_slice %arg7[%dma_wait3A_81, %dma_wait3A_82] : memref<10240x128xf32, #tpu.memory_space<vmem_shared>> -> memref<10240x128xf32, #tpu.memory_space<vmem_shared>>
      tpu.wait_indirect_dma semaphore(%arg31 : memref<!tpu.dma_semaphore, #tpu.memory_space<semaphore_mem>>) src(%arg16 : memref<64x128xf32, #tpu.memory_space<vmem>>) dst(%dma_wait3A_83 : memref<10240x128xf32, #tpu.memory_space<vmem_shared>>)
      %dma_wait3A_84 = arith.constant 0 : i32
      %dma_wait3A_85 = arith.constant 0 : i32
      %dma_wait3A_86 = tpu.memref_slice %arg7[%dma_wait3A_84, %dma_wait3A_85] : memref<10240x128xf32, #tpu.memory_space<vmem_shared>> -> memref<10240x128xf32, #tpu.memory_space<vmem_shared>>
      tpu.wait_indirect_dma semaphore(%arg32 : memref<!tpu.dma_semaphore, #tpu.memory_space<semaphore_mem>>) src(%arg17 : memref<64x128xf32, #tpu.memory_space<vmem>>) dst(%dma_wait3A_86 : memref<10240x128xf32, #tpu.memory_space<vmem_shared>>)
    } else {
    }
    %eq3A_5 = arith.constant 0 : i32
    %eq3A_6 = arith.cmpi eq, %arg1, %eq3A_5 : i32
    %eq3A_7 = arith.constant 1 : i32
    %eq3A_8 = arith.cmpi eq, %arg0, %eq3A_7 : i32
    %and3A_9 = arith.andi %eq3A_6, %eq3A_8 : i1
    %convert_element_type3A_10 = arith.extui %and3A_9 : i1 to i32
    %cond3A_11 = arith.constant 0 : i32
    %cond3A_12 = arith.cmpi ne, %convert_element_type3A_10, %cond3A_11 : i32
    scf.if %cond3A_12 {
      %dma_start3A = arith.constant 0 : i32
      %dma_start3A_20 = tpu.memref_slice %arg4[%dma_start3A] : memref<160000xi32, #tpu.memory_space<hbm>> -> memref<64xi32, #tpu.memory_space<hbm>>
      %dma_start3A_21 = arith.constant 0 : i32
      %dma_start3A_22 = tpu.memref_slice %arg4[%dma_start3A_21] : memref<160000xi32, #tpu.memory_space<hbm>> -> memref<64xi32, #tpu.memory_space<hbm>>
      tpu.enqueue_dma source(%dma_start3A_22 : memref<64xi32, #tpu.memory_space<hbm>>) target(%arg8 : memref<64xi32, #tpu.memory_space<vmem>>) target_semaphore(%arg18 : memref<!tpu.dma_semaphore, #tpu.memory_space<semaphore_mem>>)
      %dma_start3A_23 = arith.constant 0 : i32
      %dma_start3A_24 = arith.constant 0 : i32
      %dma_start3A_25 = tpu.memref_slice %arg3[%dma_start3A_23, %dma_start3A_24] : memref<160000x128xf32, #tpu.memory_space<hbm>> -> memref<64x128xf32, #tpu.memory_space<hbm>>
      %dma_start3A_26 = arith.constant 0 : i32
      %dma_start3A_27 = arith.constant 0 : i32
      %dma_start3A_28 = tpu.memref_slice %arg3[%dma_start3A_26, %dma_start3A_27] : memref<160000x128xf32, #tpu.memory_space<hbm>> -> memref<64x128xf32, #tpu.memory_space<hbm>>
      tpu.enqueue_dma source(%dma_start3A_28 : memref<64x128xf32, #tpu.memory_space<hbm>>) target(%arg13 : memref<64x128xf32, #tpu.memory_space<vmem>>) target_semaphore(%arg23 : memref<!tpu.dma_semaphore, #tpu.memory_space<semaphore_mem>>)
      %dma_start3A_29 = arith.constant 64 : i32
      %dma_start3A_30 = tpu.memref_slice %arg4[%dma_start3A_29] : memref<160000xi32, #tpu.memory_space<hbm>> -> memref<64xi32, #tpu.memory_space<hbm>>
      %dma_start3A_31 = arith.constant 64 : i32
      %dma_start3A_32 = tpu.memref_slice %arg4[%dma_start3A_31] : memref<160000xi32, #tpu.memory_space<hbm>> -> memref<64xi32, #tpu.memory_space<hbm>>
      tpu.enqueue_dma source(%dma_start3A_32 : memref<64xi32, #tpu.memory_space<hbm>>) target(%arg9 : memref<64xi32, #tpu.memory_space<vmem>>) target_semaphore(%arg19 : memref<!tpu.dma_semaphore, #tpu.memory_space<semaphore_mem>>)
      %dma_start3A_33 = arith.constant 64 : i32
      %dma_start3A_34 = arith.constant 0 : i32
      %dma_start3A_35 = tpu.memref_slice %arg3[%dma_start3A_33, %dma_start3A_34] : memref<160000x128xf32, #tpu.memory_space<hbm>> -> memref<64x128xf32, #tpu.memory_space<hbm>>
      %dma_start3A_36 = arith.constant 64 : i32
      %dma_start3A_37 = arith.constant 0 : i32
      %dma_start3A_38 = tpu.memref_slice %arg3[%dma_start3A_36, %dma_start3A_37] : memref<160000x128xf32, #tpu.memory_space<hbm>> -> memref<64x128xf32, #tpu.memory_space<hbm>>
      tpu.enqueue_dma source(%dma_start3A_38 : memref<64x128xf32, #tpu.memory_space<hbm>>) target(%arg14 : memref<64x128xf32, #tpu.memory_space<vmem>>) target_semaphore(%arg24 : memref<!tpu.dma_semaphore, #tpu.memory_space<semaphore_mem>>)
      %dma_start3A_39 = arith.constant 128 : i32
      %dma_start3A_40 = tpu.memref_slice %arg4[%dma_start3A_39] : memref<160000xi32, #tpu.memory_space<hbm>> -> memref<64xi32, #tpu.memory_space<hbm>>
      %dma_start3A_41 = arith.constant 128 : i32
      %dma_start3A_42 = tpu.memref_slice %arg4[%dma_start3A_41] : memref<160000xi32, #tpu.memory_space<hbm>> -> memref<64xi32, #tpu.memory_space<hbm>>
      tpu.enqueue_dma source(%dma_start3A_42 : memref<64xi32, #tpu.memory_space<hbm>>) target(%arg10 : memref<64xi32, #tpu.memory_space<vmem>>) target_semaphore(%arg20 : memref<!tpu.dma_semaphore, #tpu.memory_space<semaphore_mem>>)
      %dma_start3A_43 = arith.constant 128 : i32
      %dma_start3A_44 = arith.constant 0 : i32
      %dma_start3A_45 = tpu.memref_slice %arg3[%dma_start3A_43, %dma_start3A_44] : memref<160000x128xf32, #tpu.memory_space<hbm>> -> memref<64x128xf32, #tpu.memory_space<hbm>>
      %dma_start3A_46 = arith.constant 128 : i32
      %dma_start3A_47 = arith.constant 0 : i32
      %dma_start3A_48 = tpu.memref_slice %arg3[%dma_start3A_46, %dma_start3A_47] : memref<160000x128xf32, #tpu.memory_space<hbm>> -> memref<64x128xf32, #tpu.memory_space<hbm>>
      tpu.enqueue_dma source(%dma_start3A_48 : memref<64x128xf32, #tpu.memory_space<hbm>>) target(%arg15 : memref<64x128xf32, #tpu.memory_space<vmem>>) target_semaphore(%arg25 : memref<!tpu.dma_semaphore, #tpu.memory_space<semaphore_mem>>)
      %dma_start3A_49 = arith.constant 192 : i32
      %dma_start3A_50 = tpu.memref_slice %arg4[%dma_start3A_49] : memref<160000xi32, #tpu.memory_space<hbm>> -> memref<64xi32, #tpu.memory_space<hbm>>
      %dma_start3A_51 = arith.constant 192 : i32
      %dma_start3A_52 = tpu.memref_slice %arg4[%dma_start3A_51] : memref<160000xi32, #tpu.memory_space<hbm>> -> memref<64xi32, #tpu.memory_space<hbm>>
      tpu.enqueue_dma source(%dma_start3A_52 : memref<64xi32, #tpu.memory_space<hbm>>) target(%arg11 : memref<64xi32, #tpu.memory_space<vmem>>) target_semaphore(%arg21 : memref<!tpu.dma_semaphore, #tpu.memory_space<semaphore_mem>>)
      %dma_start3A_53 = arith.constant 192 : i32
      %dma_start3A_54 = arith.constant 0 : i32
      %dma_start3A_55 = tpu.memref_slice %arg3[%dma_start3A_53, %dma_start3A_54] : memref<160000x128xf32, #tpu.memory_space<hbm>> -> memref<64x128xf32, #tpu.memory_space<hbm>>
      %dma_start3A_56 = arith.constant 192 : i32
      %dma_start3A_57 = arith.constant 0 : i32
      %dma_start3A_58 = tpu.memref_slice %arg3[%dma_start3A_56, %dma_start3A_57] : memref<160000x128xf32, #tpu.memory_space<hbm>> -> memref<64x128xf32, #tpu.memory_space<hbm>>
      tpu.enqueue_dma source(%dma_start3A_58 : memref<64x128xf32, #tpu.memory_space<hbm>>) target(%arg16 : memref<64x128xf32, #tpu.memory_space<vmem>>) target_semaphore(%arg26 : memref<!tpu.dma_semaphore, #tpu.memory_space<semaphore_mem>>)
      %dma_start3A_59 = arith.constant 256 : i32
      %dma_start3A_60 = tpu.memref_slice %arg4[%dma_start3A_59] : memref<160000xi32, #tpu.memory_space<hbm>> -> memref<64xi32, #tpu.memory_space<hbm>>
      %dma_start3A_61 = arith.constant 256 : i32
      %dma_start3A_62 = tpu.memref_slice %arg4[%dma_start3A_61] : memref<160000xi32, #tpu.memory_space<hbm>> -> memref<64xi32, #tpu.memory_space<hbm>>
      tpu.enqueue_dma source(%dma_start3A_62 : memref<64xi32, #tpu.memory_space<hbm>>) target(%arg12 : memref<64xi32, #tpu.memory_space<vmem>>) target_semaphore(%arg22 : memref<!tpu.dma_semaphore, #tpu.memory_space<semaphore_mem>>)
      %dma_start3A_63 = arith.constant 256 : i32
      %dma_start3A_64 = arith.constant 0 : i32
      %dma_start3A_65 = tpu.memref_slice %arg3[%dma_start3A_63, %dma_start3A_64] : memref<160000x128xf32, #tpu.memory_space<hbm>> -> memref<64x128xf32, #tpu.memory_space<hbm>>
      %dma_start3A_66 = arith.constant 256 : i32
      %dma_start3A_67 = arith.constant 0 : i32
      %dma_start3A_68 = tpu.memref_slice %arg3[%dma_start3A_66, %dma_start3A_67] : memref<160000x128xf32, #tpu.memory_space<hbm>> -> memref<64x128xf32, #tpu.memory_space<hbm>>
      tpu.enqueue_dma source(%dma_start3A_68 : memref<64x128xf32, #tpu.memory_space<hbm>>) target(%arg17 : memref<64x128xf32, #tpu.memory_space<vmem>>) target_semaphore(%arg27 : memref<!tpu.dma_semaphore, #tpu.memory_space<semaphore_mem>>)
      %scan3A = arith.constant 0 : i32
      %scan3A_69 = arith.constant 500 : i32
      %scan3A_70 = arith.addi %scan3A, %scan3A_69 : i32
      %scan3A_71 = arith.constant 1 : i32
      scf.for %scan3A_87 = %scan3A to %scan3A_70 step %scan3A_71  : i32 {
        %mul3A_88 = arith.constant 1 : i32
        %mul3A_89 = arith.muli %scan3A_87, %mul3A_88 : i32
        %add3A = arith.constant 0 : i32
        %add3A_90 = arith.addi %add3A, %mul3A_89 : i32
        %mul3A_91 = arith.constant 5 : i32
        %mul3A_92 = arith.muli %add3A_90, %mul3A_91 : i32
        %add3A_93 = arith.constant 0 : i32
        %add3A_94 = arith.addi %mul3A_92, %add3A_93 : i32
        %gt3A = arith.constant 0 : i32
        %gt3A_95 = arith.cmpi sgt, %add3A_90, %gt3A : i32
        %convert_element_type3A_96 = arith.extui %gt3A_95 : i1 to i32
        %cond3A_97 = arith.constant 0 : i32
        %cond3A_98 = arith.cmpi ne, %convert_element_type3A_96, %cond3A_97 : i32
        scf.if %cond3A_98 {
          %dma_wait3A_220 = arith.constant 0 : i32
          %dma_wait3A_221 = arith.constant 0 : i32
          %dma_wait3A_222 = tpu.memref_slice %arg7[%dma_wait3A_220, %dma_wait3A_221] : memref<10240x128xf32, #tpu.memory_space<vmem_shared>> -> memref<10240x128xf32, #tpu.memory_space<vmem_shared>>
          tpu.wait_indirect_dma semaphore(%arg28 : memref<!tpu.dma_semaphore, #tpu.memory_space<semaphore_mem>>) src(%arg13 : memref<64x128xf32, #tpu.memory_space<vmem>>) dst(%dma_wait3A_222 : memref<10240x128xf32, #tpu.memory_space<vmem_shared>>)
          %mul3A_223 = arith.constant 64 : i32
          %mul3A_224 = arith.muli %add3A_94, %mul3A_223 : i32
          %dma_start3A_225 = tpu.memref_slice %arg4[%mul3A_224] : memref<160000xi32, #tpu.memory_space<hbm>> -> memref<64xi32, #tpu.memory_space<hbm>>
          %dma_start3A_226 = tpu.memref_slice %arg4[%mul3A_224] : memref<160000xi32, #tpu.memory_space<hbm>> -> memref<64xi32, #tpu.memory_space<hbm>>
          tpu.enqueue_dma source(%dma_start3A_226 : memref<64xi32, #tpu.memory_space<hbm>>) target(%arg8 : memref<64xi32, #tpu.memory_space<vmem>>) target_semaphore(%arg18 : memref<!tpu.dma_semaphore, #tpu.memory_space<semaphore_mem>>)
          %mul3A_227 = arith.constant 64 : i32
          %mul3A_228 = arith.muli %add3A_94, %mul3A_227 : i32
          %dma_start3A_229 = arith.constant 0 : i32
          %dma_start3A_230 = tpu.memref_slice %arg3[%mul3A_228, %dma_start3A_229] : memref<160000x128xf32, #tpu.memory_space<hbm>> -> memref<64x128xf32, #tpu.memory_space<hbm>>
          %dma_start3A_231 = arith.constant 0 : i32
          %dma_start3A_232 = tpu.memref_slice %arg3[%mul3A_228, %dma_start3A_231] : memref<160000x128xf32, #tpu.memory_space<hbm>> -> memref<64x128xf32, #tpu.memory_space<hbm>>
          tpu.enqueue_dma source(%dma_start3A_232 : memref<64x128xf32, #tpu.memory_space<hbm>>) target(%arg13 : memref<64x128xf32, #tpu.memory_space<vmem>>) target_semaphore(%arg23 : memref<!tpu.dma_semaphore, #tpu.memory_space<semaphore_mem>>)
        } else {
        }
        %mul3A_99 = arith.constant 5 : i32
        %mul3A_100 = arith.muli %add3A_90, %mul3A_99 : i32
        %add3A_101 = arith.constant 1 : i32
        %add3A_102 = arith.addi %mul3A_100, %add3A_101 : i32
        %gt3A_103 = arith.constant 0 : i32
        %gt3A_104 = arith.cmpi sgt, %add3A_90, %gt3A_103 : i32
        %convert_element_type3A_105 = arith.extui %gt3A_104 : i1 to i32
        %cond3A_106 = arith.constant 0 : i32
        %cond3A_107 = arith.cmpi ne, %convert_element_type3A_105, %cond3A_106 : i32
        scf.if %cond3A_107 {
          %dma_wait3A_220 = arith.constant 0 : i32
          %dma_wait3A_221 = arith.constant 0 : i32
          %dma_wait3A_222 = tpu.memref_slice %arg7[%dma_wait3A_220, %dma_wait3A_221] : memref<10240x128xf32, #tpu.memory_space<vmem_shared>> -> memref<10240x128xf32, #tpu.memory_space<vmem_shared>>
          tpu.wait_indirect_dma semaphore(%arg29 : memref<!tpu.dma_semaphore, #tpu.memory_space<semaphore_mem>>) src(%arg14 : memref<64x128xf32, #tpu.memory_space<vmem>>) dst(%dma_wait3A_222 : memref<10240x128xf32, #tpu.memory_space<vmem_shared>>)
          %mul3A_223 = arith.constant 64 : i32
          %mul3A_224 = arith.muli %add3A_102, %mul3A_223 : i32
          %dma_start3A_225 = tpu.memref_slice %arg4[%mul3A_224] : memref<160000xi32, #tpu.memory_space<hbm>> -> memref<64xi32, #tpu.memory_space<hbm>>
          %dma_start3A_226 = tpu.memref_slice %arg4[%mul3A_224] : memref<160000xi32, #tpu.memory_space<hbm>> -> memref<64xi32, #tpu.memory_space<hbm>>
          tpu.enqueue_dma source(%dma_start3A_226 : memref<64xi32, #tpu.memory_space<hbm>>) target(%arg9 : memref<64xi32, #tpu.memory_space<vmem>>) target_semaphore(%arg19 : memref<!tpu.dma_semaphore, #tpu.memory_space<semaphore_mem>>)
          %mul3A_227 = arith.constant 64 : i32
          %mul3A_228 = arith.muli %add3A_102, %mul3A_227 : i32
          %dma_start3A_229 = arith.constant 0 : i32
          %dma_start3A_230 = tpu.memref_slice %arg3[%mul3A_228, %dma_start3A_229] : memref<160000x128xf32, #tpu.memory_space<hbm>> -> memref<64x128xf32, #tpu.memory_space<hbm>>
          %dma_start3A_231 = arith.constant 0 : i32
          %dma_start3A_232 = tpu.memref_slice %arg3[%mul3A_228, %dma_start3A_231] : memref<160000x128xf32, #tpu.memory_space<hbm>> -> memref<64x128xf32, #tpu.memory_space<hbm>>
          tpu.enqueue_dma source(%dma_start3A_232 : memref<64x128xf32, #tpu.memory_space<hbm>>) target(%arg14 : memref<64x128xf32, #tpu.memory_space<vmem>>) target_semaphore(%arg24 : memref<!tpu.dma_semaphore, #tpu.memory_space<semaphore_mem>>)
        } else {
        }
        %mul3A_108 = arith.constant 5 : i32
        %mul3A_109 = arith.muli %add3A_90, %mul3A_108 : i32
        %add3A_110 = arith.constant 2 : i32
        %add3A_111 = arith.addi %mul3A_109, %add3A_110 : i32
        %gt3A_112 = arith.constant 0 : i32
        %gt3A_113 = arith.cmpi sgt, %add3A_90, %gt3A_112 : i32
        %convert_element_type3A_114 = arith.extui %gt3A_113 : i1 to i32
        %cond3A_115 = arith.constant 0 : i32
        %cond3A_116 = arith.cmpi ne, %convert_element_type3A_114, %cond3A_115 : i32
        scf.if %cond3A_116 {
          %dma_wait3A_220 = arith.constant 0 : i32
          %dma_wait3A_221 = arith.constant 0 : i32
          %dma_wait3A_222 = tpu.memref_slice %arg7[%dma_wait3A_220, %dma_wait3A_221] : memref<10240x128xf32, #tpu.memory_space<vmem_shared>> -> memref<10240x128xf32, #tpu.memory_space<vmem_shared>>
          tpu.wait_indirect_dma semaphore(%arg30 : memref<!tpu.dma_semaphore, #tpu.memory_space<semaphore_mem>>) src(%arg15 : memref<64x128xf32, #tpu.memory_space<vmem>>) dst(%dma_wait3A_222 : memref<10240x128xf32, #tpu.memory_space<vmem_shared>>)
          %mul3A_223 = arith.constant 64 : i32
          %mul3A_224 = arith.muli %add3A_111, %mul3A_223 : i32
          %dma_start3A_225 = tpu.memref_slice %arg4[%mul3A_224] : memref<160000xi32, #tpu.memory_space<hbm>> -> memref<64xi32, #tpu.memory_space<hbm>>
          %dma_start3A_226 = tpu.memref_slice %arg4[%mul3A_224] : memref<160000xi32, #tpu.memory_space<hbm>> -> memref<64xi32, #tpu.memory_space<hbm>>
          tpu.enqueue_dma source(%dma_start3A_226 : memref<64xi32, #tpu.memory_space<hbm>>) target(%arg10 : memref<64xi32, #tpu.memory_space<vmem>>) target_semaphore(%arg20 : memref<!tpu.dma_semaphore, #tpu.memory_space<semaphore_mem>>)
          %mul3A_227 = arith.constant 64 : i32
          %mul3A_228 = arith.muli %add3A_111, %mul3A_227 : i32
          %dma_start3A_229 = arith.constant 0 : i32
          %dma_start3A_230 = tpu.memref_slice %arg3[%mul3A_228, %dma_start3A_229] : memref<160000x128xf32, #tpu.memory_space<hbm>> -> memref<64x128xf32, #tpu.memory_space<hbm>>
          %dma_start3A_231 = arith.constant 0 : i32
          %dma_start3A_232 = tpu.memref_slice %arg3[%mul3A_228, %dma_start3A_231] : memref<160000x128xf32, #tpu.memory_space<hbm>> -> memref<64x128xf32, #tpu.memory_space<hbm>>
          tpu.enqueue_dma source(%dma_start3A_232 : memref<64x128xf32, #tpu.memory_space<hbm>>) target(%arg15 : memref<64x128xf32, #tpu.memory_space<vmem>>) target_semaphore(%arg25 : memref<!tpu.dma_semaphore, #tpu.memory_space<semaphore_mem>>)
        } else {
        }
        %mul3A_117 = arith.constant 5 : i32
        %mul3A_118 = arith.muli %add3A_90, %mul3A_117 : i32
        %add3A_119 = arith.constant 3 : i32
        %add3A_120 = arith.addi %mul3A_118, %add3A_119 : i32
        %gt3A_121 = arith.constant 0 : i32
        %gt3A_122 = arith.cmpi sgt, %add3A_90, %gt3A_121 : i32
        %convert_element_type3A_123 = arith.extui %gt3A_122 : i1 to i32
        %cond3A_124 = arith.constant 0 : i32
        %cond3A_125 = arith.cmpi ne, %convert_element_type3A_123, %cond3A_124 : i32
        scf.if %cond3A_125 {
          %dma_wait3A_220 = arith.constant 0 : i32
          %dma_wait3A_221 = arith.constant 0 : i32
          %dma_wait3A_222 = tpu.memref_slice %arg7[%dma_wait3A_220, %dma_wait3A_221] : memref<10240x128xf32, #tpu.memory_space<vmem_shared>> -> memref<10240x128xf32, #tpu.memory_space<vmem_shared>>
          tpu.wait_indirect_dma semaphore(%arg31 : memref<!tpu.dma_semaphore, #tpu.memory_space<semaphore_mem>>) src(%arg16 : memref<64x128xf32, #tpu.memory_space<vmem>>) dst(%dma_wait3A_222 : memref<10240x128xf32, #tpu.memory_space<vmem_shared>>)
          %mul3A_223 = arith.constant 64 : i32
          %mul3A_224 = arith.muli %add3A_120, %mul3A_223 : i32
          %dma_start3A_225 = tpu.memref_slice %arg4[%mul3A_224] : memref<160000xi32, #tpu.memory_space<hbm>> -> memref<64xi32, #tpu.memory_space<hbm>>
          %dma_start3A_226 = tpu.memref_slice %arg4[%mul3A_224] : memref<160000xi32, #tpu.memory_space<hbm>> -> memref<64xi32, #tpu.memory_space<hbm>>
          tpu.enqueue_dma source(%dma_start3A_226 : memref<64xi32, #tpu.memory_space<hbm>>) target(%arg11 : memref<64xi32, #tpu.memory_space<vmem>>) target_semaphore(%arg21 : memref<!tpu.dma_semaphore, #tpu.memory_space<semaphore_mem>>)
          %mul3A_227 = arith.constant 64 : i32
          %mul3A_228 = arith.muli %add3A_120, %mul3A_227 : i32
          %dma_start3A_229 = arith.constant 0 : i32
          %dma_start3A_230 = tpu.memref_slice %arg3[%mul3A_228, %dma_start3A_229] : memref<160000x128xf32, #tpu.memory_space<hbm>> -> memref<64x128xf32, #tpu.memory_space<hbm>>
          %dma_start3A_231 = arith.constant 0 : i32
          %dma_start3A_232 = tpu.memref_slice %arg3[%mul3A_228, %dma_start3A_231] : memref<160000x128xf32, #tpu.memory_space<hbm>> -> memref<64x128xf32, #tpu.memory_space<hbm>>
          tpu.enqueue_dma source(%dma_start3A_232 : memref<64x128xf32, #tpu.memory_space<hbm>>) target(%arg16 : memref<64x128xf32, #tpu.memory_space<vmem>>) target_semaphore(%arg26 : memref<!tpu.dma_semaphore, #tpu.memory_space<semaphore_mem>>)
        } else {
        }
        %mul3A_126 = arith.constant 5 : i32
        %mul3A_127 = arith.muli %add3A_90, %mul3A_126 : i32
        %add3A_128 = arith.constant 4 : i32
        %add3A_129 = arith.addi %mul3A_127, %add3A_128 : i32
        %gt3A_130 = arith.constant 0 : i32
        %gt3A_131 = arith.cmpi sgt, %add3A_90, %gt3A_130 : i32
        %convert_element_type3A_132 = arith.extui %gt3A_131 : i1 to i32
        %cond3A_133 = arith.constant 0 : i32
        %cond3A_134 = arith.cmpi ne, %convert_element_type3A_132, %cond3A_133 : i32
        scf.if %cond3A_134 {
          %dma_wait3A_220 = arith.constant 0 : i32
          %dma_wait3A_221 = arith.constant 0 : i32
          %dma_wait3A_222 = tpu.memref_slice %arg7[%dma_wait3A_220, %dma_wait3A_221] : memref<10240x128xf32, #tpu.memory_space<vmem_shared>> -> memref<10240x128xf32, #tpu.memory_space<vmem_shared>>
          tpu.wait_indirect_dma semaphore(%arg32 : memref<!tpu.dma_semaphore, #tpu.memory_space<semaphore_mem>>) src(%arg17 : memref<64x128xf32, #tpu.memory_space<vmem>>) dst(%dma_wait3A_222 : memref<10240x128xf32, #tpu.memory_space<vmem_shared>>)
          %mul3A_223 = arith.constant 64 : i32
          %mul3A_224 = arith.muli %add3A_129, %mul3A_223 : i32
          %dma_start3A_225 = tpu.memref_slice %arg4[%mul3A_224] : memref<160000xi32, #tpu.memory_space<hbm>> -> memref<64xi32, #tpu.memory_space<hbm>>
          %dma_start3A_226 = tpu.memref_slice %arg4[%mul3A_224] : memref<160000xi32, #tpu.memory_space<hbm>> -> memref<64xi32, #tpu.memory_space<hbm>>
          tpu.enqueue_dma source(%dma_start3A_226 : memref<64xi32, #tpu.memory_space<hbm>>) target(%arg12 : memref<64xi32, #tpu.memory_space<vmem>>) target_semaphore(%arg22 : memref<!tpu.dma_semaphore, #tpu.memory_space<semaphore_mem>>)
          %mul3A_227 = arith.constant 64 : i32
          %mul3A_228 = arith.muli %add3A_129, %mul3A_227 : i32
          %dma_start3A_229 = arith.constant 0 : i32
          %dma_start3A_230 = tpu.memref_slice %arg3[%mul3A_228, %dma_start3A_229] : memref<160000x128xf32, #tpu.memory_space<hbm>> -> memref<64x128xf32, #tpu.memory_space<hbm>>
          %dma_start3A_231 = arith.constant 0 : i32
          %dma_start3A_232 = tpu.memref_slice %arg3[%mul3A_228, %dma_start3A_231] : memref<160000x128xf32, #tpu.memory_space<hbm>> -> memref<64x128xf32, #tpu.memory_space<hbm>>
          tpu.enqueue_dma source(%dma_start3A_232 : memref<64x128xf32, #tpu.memory_space<hbm>>) target(%arg17 : memref<64x128xf32, #tpu.memory_space<vmem>>) target_semaphore(%arg27 : memref<!tpu.dma_semaphore, #tpu.memory_space<semaphore_mem>>)
        } else {
        }
        %mul3A_135 = arith.constant 5 : i32
        %mul3A_136 = arith.muli %add3A_90, %mul3A_135 : i32
        %add3A_137 = arith.constant 0 : i32
        %add3A_138 = arith.addi %mul3A_136, %add3A_137 : i32
        %mul3A_139 = arith.constant 64 : i32
        %mul3A_140 = arith.muli %add3A_138, %mul3A_139 : i32
        %dma_wait3A_141 = tpu.memref_slice %arg4[%mul3A_140] : memref<160000xi32, #tpu.memory_space<hbm>> -> memref<64xi32, #tpu.memory_space<hbm>>
        %dma_wait3A_142 = tpu.memref_slice %arg4[%mul3A_140] : memref<160000xi32, #tpu.memory_space<hbm>> -> memref<64xi32, #tpu.memory_space<hbm>>
        tpu.wait_dma2 semaphore(%arg18 : memref<!tpu.dma_semaphore, #tpu.memory_space<semaphore_mem>>) src(%dma_wait3A_142 : memref<64xi32, #tpu.memory_space<hbm>>) dst(%arg8 : memref<64xi32, #tpu.memory_space<vmem>>)
        %mul3A_143 = arith.constant 64 : i32
        %mul3A_144 = arith.muli %add3A_138, %mul3A_143 : i32
        %dma_wait3A_145 = arith.constant 0 : i32
        %dma_wait3A_146 = tpu.memref_slice %arg3[%mul3A_144, %dma_wait3A_145] : memref<160000x128xf32, #tpu.memory_space<hbm>> -> memref<64x128xf32, #tpu.memory_space<hbm>>
        %dma_wait3A_147 = arith.constant 0 : i32
        %dma_wait3A_148 = tpu.memref_slice %arg3[%mul3A_144, %dma_wait3A_147] : memref<160000x128xf32, #tpu.memory_space<hbm>> -> memref<64x128xf32, #tpu.memory_space<hbm>>
        tpu.wait_dma2 semaphore(%arg23 : memref<!tpu.dma_semaphore, #tpu.memory_space<semaphore_mem>>) src(%dma_wait3A_148 : memref<64x128xf32, #tpu.memory_space<hbm>>) dst(%arg13 : memref<64x128xf32, #tpu.memory_space<vmem>>)
        %dma_start3A_149 = arith.constant 0 : i32
        %dma_start3A_150 = arith.constant 0 : i32
        %dma_start3A_151 = tpu.memref_slice %arg7[%dma_start3A_149, %dma_start3A_150] : memref<10240x128xf32, #tpu.memory_space<vmem_shared>> -> memref<10240x128xf32, #tpu.memory_space<vmem_shared>>
        tpu.enqueue_indirect_dma source(%arg13 : memref<64x128xf32, #tpu.memory_space<vmem>>) target(%dma_start3A_151 : memref<10240x128xf32, #tpu.memory_space<vmem_shared>>) offsets(%arg8 : memref<64xi32, #tpu.memory_space<vmem>>) semaphore(%arg28 : memref<!tpu.dma_semaphore, #tpu.memory_space<semaphore_mem>>) {add = true}
        %mul3A_152 = arith.constant 5 : i32
        %mul3A_153 = arith.muli %add3A_90, %mul3A_152 : i32
        %add3A_154 = arith.constant 1 : i32
        %add3A_155 = arith.addi %mul3A_153, %add3A_154 : i32
        %mul3A_156 = arith.constant 64 : i32
        %mul3A_157 = arith.muli %add3A_155, %mul3A_156 : i32
        %dma_wait3A_158 = tpu.memref_slice %arg4[%mul3A_157] : memref<160000xi32, #tpu.memory_space<hbm>> -> memref<64xi32, #tpu.memory_space<hbm>>
        %dma_wait3A_159 = tpu.memref_slice %arg4[%mul3A_157] : memref<160000xi32, #tpu.memory_space<hbm>> -> memref<64xi32, #tpu.memory_space<hbm>>
        tpu.wait_dma2 semaphore(%arg19 : memref<!tpu.dma_semaphore, #tpu.memory_space<semaphore_mem>>) src(%dma_wait3A_159 : memref<64xi32, #tpu.memory_space<hbm>>) dst(%arg9 : memref<64xi32, #tpu.memory_space<vmem>>)
        %mul3A_160 = arith.constant 64 : i32
        %mul3A_161 = arith.muli %add3A_155, %mul3A_160 : i32
        %dma_wait3A_162 = arith.constant 0 : i32
        %dma_wait3A_163 = tpu.memref_slice %arg3[%mul3A_161, %dma_wait3A_162] : memref<160000x128xf32, #tpu.memory_space<hbm>> -> memref<64x128xf32, #tpu.memory_space<hbm>>
        %dma_wait3A_164 = arith.constant 0 : i32
        %dma_wait3A_165 = tpu.memref_slice %arg3[%mul3A_161, %dma_wait3A_164] : memref<160000x128xf32, #tpu.memory_space<hbm>> -> memref<64x128xf32, #tpu.memory_space<hbm>>
        tpu.wait_dma2 semaphore(%arg24 : memref<!tpu.dma_semaphore, #tpu.memory_space<semaphore_mem>>) src(%dma_wait3A_165 : memref<64x128xf32, #tpu.memory_space<hbm>>) dst(%arg14 : memref<64x128xf32, #tpu.memory_space<vmem>>)
        %dma_start3A_166 = arith.constant 0 : i32
        %dma_start3A_167 = arith.constant 0 : i32
        %dma_start3A_168 = tpu.memref_slice %arg7[%dma_start3A_166, %dma_start3A_167] : memref<10240x128xf32, #tpu.memory_space<vmem_shared>> -> memref<10240x128xf32, #tpu.memory_space<vmem_shared>>
        tpu.enqueue_indirect_dma source(%arg14 : memref<64x128xf32, #tpu.memory_space<vmem>>) target(%dma_start3A_168 : memref<10240x128xf32, #tpu.memory_space<vmem_shared>>) offsets(%arg9 : memref<64xi32, #tpu.memory_space<vmem>>) semaphore(%arg29 : memref<!tpu.dma_semaphore, #tpu.memory_space<semaphore_mem>>) {add = true}
        %mul3A_169 = arith.constant 5 : i32
        %mul3A_170 = arith.muli %add3A_90, %mul3A_169 : i32
        %add3A_171 = arith.constant 2 : i32
        %add3A_172 = arith.addi %mul3A_170, %add3A_171 : i32
        %mul3A_173 = arith.constant 64 : i32
        %mul3A_174 = arith.muli %add3A_172, %mul3A_173 : i32
        %dma_wait3A_175 = tpu.memref_slice %arg4[%mul3A_174] : memref<160000xi32, #tpu.memory_space<hbm>> -> memref<64xi32, #tpu.memory_space<hbm>>
        %dma_wait3A_176 = tpu.memref_slice %arg4[%mul3A_174] : memref<160000xi32, #tpu.memory_space<hbm>> -> memref<64xi32, #tpu.memory_space<hbm>>
        tpu.wait_dma2 semaphore(%arg20 : memref<!tpu.dma_semaphore, #tpu.memory_space<semaphore_mem>>) src(%dma_wait3A_176 : memref<64xi32, #tpu.memory_space<hbm>>) dst(%arg10 : memref<64xi32, #tpu.memory_space<vmem>>)
        %mul3A_177 = arith.constant 64 : i32
        %mul3A_178 = arith.muli %add3A_172, %mul3A_177 : i32
        %dma_wait3A_179 = arith.constant 0 : i32
        %dma_wait3A_180 = tpu.memref_slice %arg3[%mul3A_178, %dma_wait3A_179] : memref<160000x128xf32, #tpu.memory_space<hbm>> -> memref<64x128xf32, #tpu.memory_space<hbm>>
        %dma_wait3A_181 = arith.constant 0 : i32
        %dma_wait3A_182 = tpu.memref_slice %arg3[%mul3A_178, %dma_wait3A_181] : memref<160000x128xf32, #tpu.memory_space<hbm>> -> memref<64x128xf32, #tpu.memory_space<hbm>>
        tpu.wait_dma2 semaphore(%arg25 : memref<!tpu.dma_semaphore, #tpu.memory_space<semaphore_mem>>) src(%dma_wait3A_182 : memref<64x128xf32, #tpu.memory_space<hbm>>) dst(%arg15 : memref<64x128xf32, #tpu.memory_space<vmem>>)
        %dma_start3A_183 = arith.constant 0 : i32
        %dma_start3A_184 = arith.constant 0 : i32
        %dma_start3A_185 = tpu.memref_slice %arg7[%dma_start3A_183, %dma_start3A_184] : memref<10240x128xf32, #tpu.memory_space<vmem_shared>> -> memref<10240x128xf32, #tpu.memory_space<vmem_shared>>
        tpu.enqueue_indirect_dma source(%arg15 : memref<64x128xf32, #tpu.memory_space<vmem>>) target(%dma_start3A_185 : memref<10240x128xf32, #tpu.memory_space<vmem_shared>>) offsets(%arg10 : memref<64xi32, #tpu.memory_space<vmem>>) semaphore(%arg30 : memref<!tpu.dma_semaphore, #tpu.memory_space<semaphore_mem>>) {add = true}
        %mul3A_186 = arith.constant 5 : i32
        %mul3A_187 = arith.muli %add3A_90, %mul3A_186 : i32
        %add3A_188 = arith.constant 3 : i32
        %add3A_189 = arith.addi %mul3A_187, %add3A_188 : i32
        %mul3A_190 = arith.constant 64 : i32
        %mul3A_191 = arith.muli %add3A_189, %mul3A_190 : i32
        %dma_wait3A_192 = tpu.memref_slice %arg4[%mul3A_191] : memref<160000xi32, #tpu.memory_space<hbm>> -> memref<64xi32, #tpu.memory_space<hbm>>
        %dma_wait3A_193 = tpu.memref_slice %arg4[%mul3A_191] : memref<160000xi32, #tpu.memory_space<hbm>> -> memref<64xi32, #tpu.memory_space<hbm>>
        tpu.wait_dma2 semaphore(%arg21 : memref<!tpu.dma_semaphore, #tpu.memory_space<semaphore_mem>>) src(%dma_wait3A_193 : memref<64xi32, #tpu.memory_space<hbm>>) dst(%arg11 : memref<64xi32, #tpu.memory_space<vmem>>)
        %mul3A_194 = arith.constant 64 : i32
        %mul3A_195 = arith.muli %add3A_189, %mul3A_194 : i32
        %dma_wait3A_196 = arith.constant 0 : i32
        %dma_wait3A_197 = tpu.memref_slice %arg3[%mul3A_195, %dma_wait3A_196] : memref<160000x128xf32, #tpu.memory_space<hbm>> -> memref<64x128xf32, #tpu.memory_space<hbm>>
        %dma_wait3A_198 = arith.constant 0 : i32
        %dma_wait3A_199 = tpu.memref_slice %arg3[%mul3A_195, %dma_wait3A_198] : memref<160000x128xf32, #tpu.memory_space<hbm>> -> memref<64x128xf32, #tpu.memory_space<hbm>>
        tpu.wait_dma2 semaphore(%arg26 : memref<!tpu.dma_semaphore, #tpu.memory_space<semaphore_mem>>) src(%dma_wait3A_199 : memref<64x128xf32, #tpu.memory_space<hbm>>) dst(%arg16 : memref<64x128xf32, #tpu.memory_space<vmem>>)
        %dma_start3A_200 = arith.constant 0 : i32
        %dma_start3A_201 = arith.constant 0 : i32
        %dma_start3A_202 = tpu.memref_slice %arg7[%dma_start3A_200, %dma_start3A_201] : memref<10240x128xf32, #tpu.memory_space<vmem_shared>> -> memref<10240x128xf32, #tpu.memory_space<vmem_shared>>
        tpu.enqueue_indirect_dma source(%arg16 : memref<64x128xf32, #tpu.memory_space<vmem>>) target(%dma_start3A_202 : memref<10240x128xf32, #tpu.memory_space<vmem_shared>>) offsets(%arg11 : memref<64xi32, #tpu.memory_space<vmem>>) semaphore(%arg31 : memref<!tpu.dma_semaphore, #tpu.memory_space<semaphore_mem>>) {add = true}
        %mul3A_203 = arith.constant 5 : i32
        %mul3A_204 = arith.muli %add3A_90, %mul3A_203 : i32
        %add3A_205 = arith.constant 4 : i32
        %add3A_206 = arith.addi %mul3A_204, %add3A_205 : i32
        %mul3A_207 = arith.constant 64 : i32
        %mul3A_208 = arith.muli %add3A_206, %mul3A_207 : i32
        %dma_wait3A_209 = tpu.memref_slice %arg4[%mul3A_208] : memref<160000xi32, #tpu.memory_space<hbm>> -> memref<64xi32, #tpu.memory_space<hbm>>
        %dma_wait3A_210 = tpu.memref_slice %arg4[%mul3A_208] : memref<160000xi32, #tpu.memory_space<hbm>> -> memref<64xi32, #tpu.memory_space<hbm>>
        tpu.wait_dma2 semaphore(%arg22 : memref<!tpu.dma_semaphore, #tpu.memory_space<semaphore_mem>>) src(%dma_wait3A_210 : memref<64xi32, #tpu.memory_space<hbm>>) dst(%arg12 : memref<64xi32, #tpu.memory_space<vmem>>)
        %mul3A_211 = arith.constant 64 : i32
        %mul3A_212 = arith.muli %add3A_206, %mul3A_211 : i32
        %dma_wait3A_213 = arith.constant 0 : i32
        %dma_wait3A_214 = tpu.memref_slice %arg3[%mul3A_212, %dma_wait3A_213] : memref<160000x128xf32, #tpu.memory_space<hbm>> -> memref<64x128xf32, #tpu.memory_space<hbm>>
        %dma_wait3A_215 = arith.constant 0 : i32
        %dma_wait3A_216 = tpu.memref_slice %arg3[%mul3A_212, %dma_wait3A_215] : memref<160000x128xf32, #tpu.memory_space<hbm>> -> memref<64x128xf32, #tpu.memory_space<hbm>>
        tpu.wait_dma2 semaphore(%arg27 : memref<!tpu.dma_semaphore, #tpu.memory_space<semaphore_mem>>) src(%dma_wait3A_216 : memref<64x128xf32, #tpu.memory_space<hbm>>) dst(%arg17 : memref<64x128xf32, #tpu.memory_space<vmem>>)
        %dma_start3A_217 = arith.constant 0 : i32
        %dma_start3A_218 = arith.constant 0 : i32
        %dma_start3A_219 = tpu.memref_slice %arg7[%dma_start3A_217, %dma_start3A_218] : memref<10240x128xf32, #tpu.memory_space<vmem_shared>> -> memref<10240x128xf32, #tpu.memory_space<vmem_shared>>
        tpu.enqueue_indirect_dma source(%arg17 : memref<64x128xf32, #tpu.memory_space<vmem>>) target(%dma_start3A_219 : memref<10240x128xf32, #tpu.memory_space<vmem_shared>>) offsets(%arg12 : memref<64xi32, #tpu.memory_space<vmem>>) semaphore(%arg32 : memref<!tpu.dma_semaphore, #tpu.memory_space<semaphore_mem>>) {add = true}
      }
      %scan3A_72 = arith.constant 500 : i32
      %dma_wait3A = arith.constant 0 : i32
      %dma_wait3A_73 = arith.constant 0 : i32
      %dma_wait3A_74 = tpu.memref_slice %arg7[%dma_wait3A, %dma_wait3A_73] : memref<10240x128xf32, #tpu.memory_space<vmem_shared>> -> memref<10240x128xf32, #tpu.memory_space<vmem_shared>>
      tpu.wait_indirect_dma semaphore(%arg28 : memref<!tpu.dma_semaphore, #tpu.memory_space<semaphore_mem>>) src(%arg13 : memref<64x128xf32, #tpu.memory_space<vmem>>) dst(%dma_wait3A_74 : memref<10240x128xf32, #tpu.memory_space<vmem_shared>>)
      %dma_wait3A_75 = arith.constant 0 : i32
      %dma_wait3A_76 = arith.constant 0 : i32
      %dma_wait3A_77 = tpu.memref_slice %arg7[%dma_wait3A_75, %dma_wait3A_76] : memref<10240x128xf32, #tpu.memory_space<vmem_shared>> -> memref<10240x128xf32, #tpu.memory_space<vmem_shared>>
      tpu.wait_indirect_dma semaphore(%arg29 : memref<!tpu.dma_semaphore, #tpu.memory_space<semaphore_mem>>) src(%arg14 : memref<64x128xf32, #tpu.memory_space<vmem>>) dst(%dma_wait3A_77 : memref<10240x128xf32, #tpu.memory_space<vmem_shared>>)
      %dma_wait3A_78 = arith.constant 0 : i32
      %dma_wait3A_79 = arith.constant 0 : i32
      %dma_wait3A_80 = tpu.memref_slice %arg7[%dma_wait3A_78, %dma_wait3A_79] : memref<10240x128xf32, #tpu.memory_space<vmem_shared>> -> memref<10240x128xf32, #tpu.memory_space<vmem_shared>>
      tpu.wait_indirect_dma semaphore(%arg30 : memref<!tpu.dma_semaphore, #tpu.memory_space<semaphore_mem>>) src(%arg15 : memref<64x128xf32, #tpu.memory_space<vmem>>) dst(%dma_wait3A_80 : memref<10240x128xf32, #tpu.memory_space<vmem_shared>>)
      %dma_wait3A_81 = arith.constant 0 : i32
      %dma_wait3A_82 = arith.constant 0 : i32
      %dma_wait3A_83 = tpu.memref_slice %arg7[%dma_wait3A_81, %dma_wait3A_82] : memref<10240x128xf32, #tpu.memory_space<vmem_shared>> -> memref<10240x128xf32, #tpu.memory_space<vmem_shared>>
      tpu.wait_indirect_dma semaphore(%arg31 : memref<!tpu.dma_semaphore, #tpu.memory_space<semaphore_mem>>) src(%arg16 : memref<64x128xf32, #tpu.memory_space<vmem>>) dst(%dma_wait3A_83 : memref<10240x128xf32, #tpu.memory_space<vmem_shared>>)
      %dma_wait3A_84 = arith.constant 0 : i32
      %dma_wait3A_85 = arith.constant 0 : i32
      %dma_wait3A_86 = tpu.memref_slice %arg7[%dma_wait3A_84, %dma_wait3A_85] : memref<10240x128xf32, #tpu.memory_space<vmem_shared>> -> memref<10240x128xf32, #tpu.memory_space<vmem_shared>>
      tpu.wait_indirect_dma semaphore(%arg32 : memref<!tpu.dma_semaphore, #tpu.memory_space<semaphore_mem>>) src(%arg17 : memref<64x128xf32, #tpu.memory_space<vmem>>) dst(%dma_wait3A_86 : memref<10240x128xf32, #tpu.memory_space<vmem_shared>>)
    } else {
    }
    %barrier3A_13 = arith.constant 0 : index
    tpu.barrier barrier_id(%barrier3A_13)
    %mul3A_14 = arith.constant 640 : i32
    %mul3A_15 = arith.muli %arg1, %mul3A_14 : i32
    %mul3A_16 = arith.constant 640 : i32
    %mul3A_17 = arith.muli %arg1, %mul3A_16 : i32
    %mul3A_18 = arith.constant 128 : i32
    %mul3A_19 = arith.muli %arg0, %mul3A_18 : i32
    "tpu.region"() ({
      %run_scoped3A = tpu.sem_alloc : memref<!tpu.dma_semaphore, #tpu.memory_space<semaphore_mem>>
      %dma_start3A = tpu.memref_slice %arg6[%mul3A_17, %mul3A_19] : memref<10240x256xf32, #tpu.memory_space<hbm>> -> memref<640x128xf32, #tpu.memory_space<hbm>>
      %dma_start3A_20 = arith.constant 0 : i32
      %dma_start3A_21 = tpu.memref_slice %arg7[%mul3A_15, %dma_start3A_20] : memref<10240x128xf32, #tpu.memory_space<vmem_shared>> -> memref<640x128xf32, #tpu.memory_space<vmem_shared>>
      tpu.enqueue_dma source(%dma_start3A_21 : memref<640x128xf32, #tpu.memory_space<vmem_shared>>) target(%dma_start3A : memref<640x128xf32, #tpu.memory_space<hbm>>) target_semaphore(%run_scoped3A : memref<!tpu.dma_semaphore, #tpu.memory_space<semaphore_mem>>)
      %dma_wait3A = tpu.memref_slice %arg6[%mul3A_17, %mul3A_19] : memref<10240x256xf32, #tpu.memory_space<hbm>> -> memref<640x128xf32, #tpu.memory_space<hbm>>
      %dma_wait3A_22 = arith.constant 0 : i32
      %dma_wait3A_23 = tpu.memref_slice %arg7[%mul3A_15, %dma_wait3A_22] : memref<10240x128xf32, #tpu.memory_space<vmem_shared>> -> memref<640x128xf32, #tpu.memory_space<vmem_shared>>
      tpu.wait_dma2 semaphore(%run_scoped3A : memref<!tpu.dma_semaphore, #tpu.memory_space<semaphore_mem>>) src(%dma_wait3A_23 : memref<640x128xf32, #tpu.memory_space<vmem_shared>>) dst(%dma_wait3A : memref<640x128xf32, #tpu.memory_space<hbm>>)
      tpu.yield
    }) : () -> ()
    return
  }
}

module attributes {stable_mosaic.version = 14 : i64} {
  func.func @_proj_body(%arg0: i32, %arg1: memref<1000x256xf32, #tpu.memory_space<vmem>>, %arg2: memref<256x512xf32, #tpu.memory_space<vmem>>, %arg3: memref<256x512xf32, #tpu.memory_space<vmem>>, %arg4: memref<1000x512xf32, #tpu.memory_space<vmem>>, %arg5: memref<1000x512xf32, #tpu.memory_space<vmem>>) attributes {dimension_semantics = [#tpu.dimension_semantics<arbitrary>], iteration_bounds = array<i64: 10>, scalar_prefetch = 0 : i64, scratch_operands = 0 : i64, tpu.core_type = #tpu.core_type<tc>, window_params = [{transform_indices = @transform_0, window_bounds = array<i64: 1000, 256>}, {pipeline_mode = #tpu.pipeline_mode<synchronous>, transform_indices = @transform_1, window_bounds = array<i64: 256, 512>}, {pipeline_mode = #tpu.pipeline_mode<synchronous>, transform_indices = @transform_2, window_bounds = array<i64: 256, 512>}, {transform_indices = @transform_3, window_bounds = array<i64: 1000, 512>}, {transform_indices = @transform_4, window_bounds = array<i64: 1000, 512>}]} {
    %get3A = arith.constant 0 : index
    %get3A_0 = arith.constant 0 : index
    %get3A_1 = vector.load %arg1[%get3A, %get3A_0] : memref<1000x256xf32, #tpu.memory_space<vmem>>, vector<1000x256xf32>
    %get3A_2 = arith.constant 0 : index
    %get3A_3 = arith.constant 0 : index
    %get3A_4 = vector.load %arg2[%get3A_2, %get3A_3] : memref<256x512xf32, #tpu.memory_space<vmem>>, vector<256x512xf32>
    %dot_general3A = arith.constant dense<0.000000e+00> : vector<1000x512xf32>
    %dot_general3A_5 = tpu.matmul %get3A_1, %get3A_4, %dot_general3A {dimension_numbers = #tpu.dot_dimension_numbers<[1], [0], [0], [1], [0, 0, 1, 1], [], []>, transpose_lhs_hint = false} : vector<1000x256xf32>, vector<256x512xf32>, vector<1000x512xf32> -> vector<1000x512xf32>
    %swap3A = arith.constant 0 : index
    %swap3A_6 = arith.constant 0 : index
    %swap3A_7 = vector.load %arg4[%swap3A, %swap3A_6] : memref<1000x512xf32, #tpu.memory_space<vmem>>, vector<1000x512xf32>
    tpu.vector_store %arg4[%swap3A, %swap3A_6], %dot_general3A_5 {strides = array<i32>} : memref<1000x512xf32, #tpu.memory_space<vmem>>, vector<1000x512xf32>,
    %get3A_8 = arith.constant 0 : index
    %get3A_9 = arith.constant 0 : index
    %get3A_10 = vector.load %arg3[%get3A_8, %get3A_9] : memref<256x512xf32, #tpu.memory_space<vmem>>, vector<256x512xf32>
    %dot_general3A_11 = arith.constant dense<0.000000e+00> : vector<1000x512xf32>
    %dot_general3A_12 = tpu.matmul %get3A_1, %get3A_10, %dot_general3A_11 {dimension_numbers = #tpu.dot_dimension_numbers<[1], [0], [0], [1], [0, 0, 1, 1], [], []>, transpose_lhs_hint = false} : vector<1000x256xf32>, vector<256x512xf32>, vector<1000x512xf32> -> vector<1000x512xf32>
    %swap3A_13 = arith.constant 0 : index
    %swap3A_14 = arith.constant 0 : index
    %swap3A_15 = vector.load %arg5[%swap3A_13, %swap3A_14] : memref<1000x512xf32, #tpu.memory_space<vmem>>, vector<1000x512xf32>
    tpu.vector_store %arg5[%swap3A_13, %swap3A_14], %dot_general3A_12 {strides = array<i32>} : memref<1000x512xf32, #tpu.memory_space<vmem>>, vector<1000x512xf32>,
    return
  }
  func.func @transform_0(%arg0: i32) -> (i32, i32) {
    %c0_i32 = arith.constant 0 : i32
    %c0_i32_0 = arith.constant 0 : i32
    return %arg0, %c0_i32 : i32, i32
  }
  func.func @transform_1(%arg0: i32) -> (i32, i32) {
    %c0_i32 = arith.constant 0 : i32
    %c0_i32_0 = arith.constant 0 : i32
    %c0_i32_1 = arith.constant 0 : i32
    return %c0_i32, %c0_i32_0 : i32, i32
  }
  func.func @transform_2(%arg0: i32) -> (i32, i32) {
    %c0_i32 = arith.constant 0 : i32
    %c0_i32_0 = arith.constant 0 : i32
    %c0_i32_1 = arith.constant 0 : i32
    return %c0_i32, %c0_i32_0 : i32, i32
  }
  func.func @transform_3(%arg0: i32) -> (i32, i32) {
    %c0_i32 = arith.constant 0 : i32
    %c0_i32_0 = arith.constant 0 : i32
    return %arg0, %c0_i32 : i32, i32
  }
  func.func @transform_4(%arg0: i32) -> (i32, i32) {
    %c0_i32 = arith.constant 0 : i32
    %c0_i32_0 = arith.constant 0 : i32
    return %arg0, %c0_i32 : i32, i32
  }
}

module attributes {stable_mosaic.version = 14 : i64} {
  func.func @_fuse_body(%arg0: i32, %arg1: memref<1000x512xf32, #tpu.memory_space<vmem>>, %arg2: memref<1000x512xf32, #tpu.memory_space<vmem>>, %arg3: memref<1000x16xf32, #tpu.memory_space<vmem>>, %arg4: memref<16x512xf32, #tpu.memory_space<vmem>>, %arg5: memref<1x512xf32, #tpu.memory_space<vmem>>, %arg6: memref<1000x512xf32, #tpu.memory_space<vmem>>, %arg7: memref<1x512xf32, #tpu.memory_space<vmem>>, %arg8: memref<1x512xf32, #tpu.memory_space<vmem>>) attributes {dimension_semantics = [#tpu.dimension_semantics<arbitrary>], iteration_bounds = array<i64: 160>, scalar_prefetch = 0 : i64, scratch_operands = 0 : i64, tpu.core_type = #tpu.core_type<tc>, window_params = [{transform_indices = @transform_0, window_bounds = array<i64: 1000, 512>}, {transform_indices = @transform_1, window_bounds = array<i64: 1000, 512>}, {transform_indices = @transform_2, window_bounds = array<i64: 1000, 16>}, {pipeline_mode = #tpu.pipeline_mode<synchronous>, transform_indices = @transform_3, window_bounds = array<i64: 16, 512>}, {pipeline_mode = #tpu.pipeline_mode<synchronous>, transform_indices = @transform_4, window_bounds = array<i64: 1, 512>}, {transform_indices = @transform_5, window_bounds = array<i64: 1000, 512>}, {pipeline_mode = #tpu.pipeline_mode<synchronous>, transform_indices = @transform_6, window_bounds = array<i64: 1, 512>}, {pipeline_mode = #tpu.pipeline_mode<synchronous>, transform_indices = @transform_7, window_bounds = array<i64: 1, 512>}]} {
    %get3A = arith.constant 0 : index
    %get3A_0 = arith.constant 0 : index
    %get3A_1 = vector.load %arg1[%get3A, %get3A_0] : memref<1000x512xf32, #tpu.memory_space<vmem>>, vector<1000x512xf32>
    %get3A_2 = arith.constant 0 : index
    %get3A_3 = arith.constant 0 : index
    %get3A_4 = vector.load %arg2[%get3A_2, %get3A_3] : memref<1000x512xf32, #tpu.memory_space<vmem>>, vector<1000x512xf32>
    %add3A = arith.addf %get3A_1, %get3A_4 : vector<1000x512xf32>
    %get3A_5 = arith.constant 0 : index
    %get3A_6 = arith.constant 0 : index
    %get3A_7 = vector.load %arg3[%get3A_5, %get3A_6] : memref<1000x16xf32, #tpu.memory_space<vmem>>, vector<1000x16xf32>
    %get3A_8 = arith.constant 0 : index
    %get3A_9 = arith.constant 0 : index
    %get3A_10 = vector.load %arg4[%get3A_8, %get3A_9] : memref<16x512xf32, #tpu.memory_space<vmem>>, vector<16x512xf32>
    %dot_general3A = arith.constant dense<0.000000e+00> : vector<1000x512xf32>
    %dot_general3A_11 = tpu.matmul %get3A_7, %get3A_10, %dot_general3A {dimension_numbers = #tpu.dot_dimension_numbers<[1], [0], [0], [1], [0, 0, 1, 1], [], []>, transpose_lhs_hint = false} : vector<1000x16xf32>, vector<16x512xf32>, vector<1000x512xf32> -> vector<1000x512xf32>
    %add3A_12 = arith.addf %add3A, %dot_general3A_11 : vector<1000x512xf32>
    %get3A_13 = arith.constant 0 : index
    %get3A_14 = arith.constant 0 : index
    %get3A_15 = vector.load %arg5[%get3A_13, %get3A_14] : memref<1x512xf32, #tpu.memory_space<vmem>>, vector<1x512xf32>
    %add3A_16 = vector.broadcast %get3A_15 : vector<1x512xf32> to vector<1000x512xf32>
    %add3A_17 = arith.addf %add3A_12, %add3A_16 : vector<1000x512xf32>
    %swap3A = arith.constant 0 : index
    %swap3A_18 = arith.constant 0 : index
    %swap3A_19 = vector.load %arg6[%swap3A, %swap3A_18] : memref<1000x512xf32, #tpu.memory_space<vmem>>, vector<1000x512xf32>
    tpu.vector_store %arg6[%swap3A, %swap3A_18], %add3A_17 {strides = array<i32>} : memref<1000x512xf32, #tpu.memory_space<vmem>>, vector<1000x512xf32>,
    %eq3A = arith.constant 0 : i32
    %eq3A_20 = arith.cmpi eq, %arg0, %eq3A : i32
    %convert_element_type3A = arith.extui %eq3A_20 : i1 to i32
    %cond3A = arith.constant 0 : i32
    %cond3A_21 = arith.cmpi ne, %convert_element_type3A, %cond3A : i32
    scf.if %cond3A_21 {
      %broadcast_in_dim3A_40 = arith.constant 0.000000e+00 : f32
      %broadcast_in_dim3A_41 = vector.broadcast %broadcast_in_dim3A_40 : f32 to vector<1x512xf32>
      %swap3A_42 = arith.constant 0 : index
      %swap3A_43 = arith.constant 0 : index
      %swap3A_44 = vector.load %arg7[%swap3A_42, %swap3A_43] : memref<1x512xf32, #tpu.memory_space<vmem>>, vector<1x512xf32>
      tpu.vector_store %arg7[%swap3A_42, %swap3A_43], %broadcast_in_dim3A_41 {strides = array<i32>} : memref<1x512xf32, #tpu.memory_space<vmem>>, vector<1x512xf32>,
      %broadcast_in_dim3A_45 = arith.constant 0.000000e+00 : f32
      %broadcast_in_dim3A_46 = vector.broadcast %broadcast_in_dim3A_45 : f32 to vector<1x512xf32>
      %swap3A_47 = arith.constant 0 : index
      %swap3A_48 = arith.constant 0 : index
      %swap3A_49 = vector.load %arg8[%swap3A_47, %swap3A_48] : memref<1x512xf32, #tpu.memory_space<vmem>>, vector<1x512xf32>
      tpu.vector_store %arg8[%swap3A_47, %swap3A_48], %broadcast_in_dim3A_46 {strides = array<i32>} : memref<1x512xf32, #tpu.memory_space<vmem>>, vector<1x512xf32>,
    } else {
    }
    %get3A_22 = arith.constant 0 : index
    %get3A_23 = arith.constant 0 : index
    %get3A_24 = vector.load %arg7[%get3A_22, %get3A_23] : memref<1x512xf32, #tpu.memory_space<vmem>>, vector<1x512xf32>
    %reduce_sum3A = arith.constant dense<0.000000e+00> : vector<512xf32>
    %reduce_sum3A_25 = vector.multi_reduction <add>, %add3A_17, %reduce_sum3A [0] : vector<1000x512xf32> to vector<512xf32>
    %broadcast_in_dim3A = vector.shape_cast %reduce_sum3A_25 : vector<512xf32> to vector<1x512xf32>
    %add3A_26 = arith.addf %get3A_24, %broadcast_in_dim3A : vector<1x512xf32>
    %swap3A_27 = arith.constant 0 : index
    %swap3A_28 = arith.constant 0 : index
    %swap3A_29 = vector.load %arg7[%swap3A_27, %swap3A_28] : memref<1x512xf32, #tpu.memory_space<vmem>>, vector<1x512xf32>
    tpu.vector_store %arg7[%swap3A_27, %swap3A_28], %add3A_26 {strides = array<i32>} : memref<1x512xf32, #tpu.memory_space<vmem>>, vector<1x512xf32>,
    %get3A_30 = arith.constant 0 : index
    %get3A_31 = arith.constant 0 : index
    %get3A_32 = vector.load %arg8[%get3A_30, %get3A_31] : memref<1x512xf32, #tpu.memory_space<vmem>>, vector<1x512xf32>
    %mul3A = arith.mulf %add3A_17, %add3A_17 : vector<1000x512xf32>
    %reduce_sum3A_33 = arith.constant dense<0.000000e+00> : vector<512xf32>
    %reduce_sum3A_34 = vector.multi_reduction <add>, %mul3A, %reduce_sum3A_33 [0] : vector<1000x512xf32> to vector<512xf32>
    %broadcast_in_dim3A_35 = vector.shape_cast %reduce_sum3A_34 : vector<512xf32> to vector<1x512xf32>
    %add3A_36 = arith.addf %get3A_32, %broadcast_in_dim3A_35 : vector<1x512xf32>
    %swap3A_37 = arith.constant 0 : index
    %swap3A_38 = arith.constant 0 : index
    %swap3A_39 = vector.load %arg8[%swap3A_37, %swap3A_38] : memref<1x512xf32, #tpu.memory_space<vmem>>, vector<1x512xf32>
    tpu.vector_store %arg8[%swap3A_37, %swap3A_38], %add3A_36 {strides = array<i32>} : memref<1x512xf32, #tpu.memory_space<vmem>>, vector<1x512xf32>,
    return
  }
  func.func @transform_0(%arg0: i32) -> (i32, i32) {
    %c0_i32 = arith.constant 0 : i32
    %c0_i32_0 = arith.constant 0 : i32
    return %arg0, %c0_i32 : i32, i32
  }
  func.func @transform_1(%arg0: i32) -> (i32, i32) {
    %c0_i32 = arith.constant 0 : i32
    %c0_i32_0 = arith.constant 0 : i32
    return %arg0, %c0_i32 : i32, i32
  }
  func.func @transform_2(%arg0: i32) -> (i32, i32) {
    %c0_i32 = arith.constant 0 : i32
    %c0_i32_0 = arith.constant 0 : i32
    return %arg0, %c0_i32 : i32, i32
  }
  func.func @transform_3(%arg0: i32) -> (i32, i32) {
    %c0_i32 = arith.constant 0 : i32
    %c0_i32_0 = arith.constant 0 : i32
    %c0_i32_1 = arith.constant 0 : i32
    return %c0_i32, %c0_i32_0 : i32, i32
  }
  func.func @transform_4(%arg0: i32) -> (i32, i32) {
    %c0_i32 = arith.constant 0 : i32
    %c0_i32_0 = arith.constant 0 : i32
    %c0_i32_1 = arith.constant 0 : i32
    return %c0_i32, %c0_i32_0 : i32, i32
  }
  func.func @transform_5(%arg0: i32) -> (i32, i32) {
    %c0_i32 = arith.constant 0 : i32
    %c0_i32_0 = arith.constant 0 : i32
    return %arg0, %c0_i32 : i32, i32
  }
  func.func @transform_6(%arg0: i32) -> (i32, i32) {
    %c0_i32 = arith.constant 0 : i32
    %c0_i32_0 = arith.constant 0 : i32
    %c0_i32_1 = arith.constant 0 : i32
    return %c0_i32, %c0_i32_0 : i32, i32
  }
  func.func @transform_7(%arg0: i32) -> (i32, i32) {
    %c0_i32 = arith.constant 0 : i32
    %c0_i32_0 = arith.constant 0 : i32
    %c0_i32_1 = arith.constant 0 : i32
    return %c0_i32, %c0_i32_0 : i32, i32
  }
}

module attributes {stable_mosaic.version = 14 : i64} {
  func.func @_apply_body(%arg0: i32, %arg1: memref<1000x512xf32, #tpu.memory_space<vmem>>, %arg2: memref<1x512xf32, #tpu.memory_space<vmem>>, %arg3: memref<1x512xf32, #tpu.memory_space<vmem>>, %arg4: memref<1x512xf32, #tpu.memory_space<vmem>>, %arg5: memref<1x512xf32, #tpu.memory_space<vmem>>, %arg6: memref<1000x128xf32, #tpu.memory_space<vmem>>, %arg7: memref<1000x128xf32, #tpu.memory_space<vmem>>) attributes {dimension_semantics = [#tpu.dimension_semantics<arbitrary>], iteration_bounds = array<i64: 160>, scalar_prefetch = 0 : i64, scratch_operands = 0 : i64, tpu.core_type = #tpu.core_type<tc>, window_params = [{transform_indices = @transform_0, window_bounds = array<i64: 1000, 512>}, {pipeline_mode = #tpu.pipeline_mode<synchronous>, transform_indices = @transform_1, window_bounds = array<i64: 1, 512>}, {pipeline_mode = #tpu.pipeline_mode<synchronous>, transform_indices = @transform_2, window_bounds = array<i64: 1, 512>}, {pipeline_mode = #tpu.pipeline_mode<synchronous>, transform_indices = @transform_3, window_bounds = array<i64: 1, 512>}, {pipeline_mode = #tpu.pipeline_mode<synchronous>, transform_indices = @transform_4, window_bounds = array<i64: 1, 512>}, {transform_indices = @transform_5, window_bounds = array<i64: 1000, 128>}, {transform_indices = @transform_6, window_bounds = array<i64: 1000, 128>}]} {
    %get3A = arith.constant 0 : index
    %get3A_0 = arith.constant 0 : index
    %get3A_1 = vector.load %arg2[%get3A, %get3A_0] : memref<1x512xf32, #tpu.memory_space<vmem>>, vector<1x512xf32>
    %div3A = arith.constant 1.600000e+05 : f32
    %div3A_2 = vector.broadcast %div3A : f32 to vector<1x512xf32>
    %div3A_3 = arith.divf %get3A_1, %div3A_2 : vector<1x512xf32>
    %get3A_4 = arith.constant 0 : index
    %get3A_5 = arith.constant 0 : index
    %get3A_6 = vector.load %arg3[%get3A_4, %get3A_5] : memref<1x512xf32, #tpu.memory_space<vmem>>, vector<1x512xf32>
    %div3A_7 = arith.constant 1.600000e+05 : f32
    %div3A_8 = vector.broadcast %div3A_7 : f32 to vector<1x512xf32>
    %div3A_9 = arith.divf %get3A_6, %div3A_8 : vector<1x512xf32>
    %mul3A = arith.mulf %div3A_3, %div3A_3 : vector<1x512xf32>
    %sub3A = arith.subf %div3A_9, %mul3A : vector<1x512xf32>
    %get3A_10 = arith.constant 0 : index
    %get3A_11 = arith.constant 0 : index
    %get3A_12 = vector.load %arg4[%get3A_10, %get3A_11] : memref<1x512xf32, #tpu.memory_space<vmem>>, vector<1x512xf32>
    %add3A = arith.constant 9.99999974E-6 : f32
    %add3A_13 = vector.broadcast %add3A : f32 to vector<1x512xf32>
    %add3A_14 = arith.addf %sub3A, %add3A_13 : vector<1x512xf32>
    %rsqrt3A = math.rsqrt %add3A_14 : vector<1x512xf32>
    %mul3A_15 = arith.mulf %get3A_12, %rsqrt3A : vector<1x512xf32>
    %get3A_16 = arith.constant 0 : index
    %get3A_17 = arith.constant 0 : index
    %get3A_18 = vector.load %arg5[%get3A_16, %get3A_17] : memref<1x512xf32, #tpu.memory_space<vmem>>, vector<1x512xf32>
    %mul3A_19 = arith.mulf %div3A_3, %mul3A_15 : vector<1x512xf32>
    %sub3A_20 = arith.subf %get3A_18, %mul3A_19 : vector<1x512xf32>
    %get3A_21 = arith.constant 0 : index
    %get3A_22 = arith.constant 0 : index
    %get3A_23 = vector.load %arg1[%get3A_21, %get3A_22] : memref<1000x512xf32, #tpu.memory_space<vmem>>, vector<1000x512xf32>
    %mul3A_24 = vector.broadcast %mul3A_15 : vector<1x512xf32> to vector<1000x512xf32>
    %mul3A_25 = arith.mulf %get3A_23, %mul3A_24 : vector<1000x512xf32>
    %add3A_26 = vector.broadcast %sub3A_20 : vector<1x512xf32> to vector<1000x512xf32>
    %add3A_27 = arith.addf %mul3A_25, %add3A_26 : vector<1000x512xf32>
    %slice3A = vector.extract_strided_slice %add3A_27 {offsets = [0, 0], sizes = [1000, 256], strides = [1, 1]} : vector<1000x512xf32> to vector<1000x256xf32>
    %logistic3A = arith.negf %slice3A : vector<1000x256xf32>
    %logistic3A_28 = math.exp %logistic3A : vector<1000x256xf32>
    %logistic3A_29 = arith.constant 1.000000e+00 : f32
    %logistic3A_30 = vector.broadcast %logistic3A_29 : f32 to vector<1000x256xf32>
    %logistic3A_31 = arith.addf %logistic3A_30, %logistic3A_28 : vector<1000x256xf32>
    %logistic3A_32 = arith.divf %logistic3A_30, %logistic3A_31 : vector<1000x256xf32>
    %slice3A_33 = vector.extract_strided_slice %add3A_27 {offsets = [0, 256], sizes = [1000, 256], strides = [1, 1]} : vector<1000x512xf32> to vector<1000x256xf32>
    %max3A = arith.constant 0.000000e+00 : f32
    %max3A_34 = vector.broadcast %max3A : f32 to vector<1000x256xf32>
    %max3A_35 = arith.maximumf %slice3A_33, %max3A_34 : vector<1000x256xf32>
    %abs3A = math.absf %slice3A_33 : vector<1000x256xf32>
    %neg3A = arith.constant 0.000000e+00 : f32
    %neg3A_36 = vector.broadcast %neg3A : f32 to vector<1000x256xf32>
    %neg3A_37 = arith.subf %neg3A_36, %abs3A : vector<1000x256xf32>
    %exp3A = math.exp %neg3A_37 : vector<1000x256xf32>
    %log1p3A = math.log1p %exp3A : vector<1000x256xf32>
    %add3A_38 = arith.addf %max3A_35, %log1p3A : vector<1000x256xf32>
    %mul3A_39 = arith.mulf %logistic3A_32, %add3A_38 : vector<1000x256xf32>
    %slice3A_40 = vector.extract_strided_slice %mul3A_39 {offsets = [0, 0], sizes = [1000, 128], strides = [1, 1]} : vector<1000x256xf32> to vector<1000x128xf32>
    %swap3A = arith.constant 0 : index
    %swap3A_41 = arith.constant 0 : index
    %swap3A_42 = vector.load %arg6[%swap3A, %swap3A_41] : memref<1000x128xf32, #tpu.memory_space<vmem>>, vector<1000x128xf32>
    tpu.vector_store %arg6[%swap3A, %swap3A_41], %slice3A_40 {strides = array<i32>} : memref<1000x128xf32, #tpu.memory_space<vmem>>, vector<1000x128xf32>,
    %slice3A_43 = vector.extract_strided_slice %mul3A_39 {offsets = [0, 128], sizes = [1000, 128], strides = [1, 1]} : vector<1000x256xf32> to vector<1000x128xf32>
    %swap3A_44 = arith.constant 0 : index
    %swap3A_45 = arith.constant 0 : index
    %swap3A_46 = vector.load %arg7[%swap3A_44, %swap3A_45] : memref<1000x128xf32, #tpu.memory_space<vmem>>, vector<1000x128xf32>
    tpu.vector_store %arg7[%swap3A_44, %swap3A_45], %slice3A_43 {strides = array<i32>} : memref<1000x128xf32, #tpu.memory_space<vmem>>, vector<1000x128xf32>,
    return
  }
  func.func @transform_0(%arg0: i32) -> (i32, i32) {
    %c0_i32 = arith.constant 0 : i32
    %c0_i32_0 = arith.constant 0 : i32
    return %arg0, %c0_i32 : i32, i32
  }
  func.func @transform_1(%arg0: i32) -> (i32, i32) {
    %c0_i32 = arith.constant 0 : i32
    %c0_i32_0 = arith.constant 0 : i32
    %c0_i32_1 = arith.constant 0 : i32
    return %c0_i32, %c0_i32_0 : i32, i32
  }
  func.func @transform_2(%arg0: i32) -> (i32, i32) {
    %c0_i32 = arith.constant 0 : i32
    %c0_i32_0 = arith.constant 0 : i32
    %c0_i32_1 = arith.constant 0 : i32
    return %c0_i32, %c0_i32_0 : i32, i32
  }
  func.func @transform_3(%arg0: i32) -> (i32, i32) {
    %c0_i32 = arith.constant 0 : i32
    %c0_i32_0 = arith.constant 0 : i32
    %c0_i32_1 = arith.constant 0 : i32
    return %c0_i32, %c0_i32_0 : i32, i32
  }
  func.func @transform_4(%arg0: i32) -> (i32, i32) {
    %c0_i32 = arith.constant 0 : i32
    %c0_i32_0 = arith.constant 0 : i32
    %c0_i32_1 = arith.constant 0 : i32
    return %c0_i32, %c0_i32_0 : i32, i32
  }
  func.func @transform_5(%arg0: i32) -> (i32, i32) {
    %c0_i32 = arith.constant 0 : i32
    %c0_i32_0 = arith.constant 0 : i32
    return %arg0, %c0_i32 : i32, i32
  }
  func.func @transform_6(%arg0: i32) -> (i32, i32) {
    %c0_i32 = arith.constant 0 : i32
    %c0_i32_0 = arith.constant 0 : i32
    return %arg0, %c0_i32 : i32, i32
  }
}

module attributes {stable_mosaic.version = 14 : i64} {
  func.func @_zstat_body(%arg0: i32, %arg1: memref<1000x256xf32, #tpu.memory_space<vmem>>, %arg2: memref<1x256xf32, #tpu.memory_space<vmem>>, %arg3: memref<1x256xf32, #tpu.memory_space<vmem>>) attributes {dimension_semantics = [#tpu.dimension_semantics<arbitrary>], iteration_bounds = array<i64: 10>, scalar_prefetch = 0 : i64, scratch_operands = 0 : i64, tpu.core_type = #tpu.core_type<tc>, window_params = [{transform_indices = @transform_0, window_bounds = array<i64: 1000, 256>}, {pipeline_mode = #tpu.pipeline_mode<synchronous>, transform_indices = @transform_1, window_bounds = array<i64: 1, 256>}, {pipeline_mode = #tpu.pipeline_mode<synchronous>, transform_indices = @transform_2, window_bounds = array<i64: 1, 256>}]} {
    %get3A = arith.constant 0 : index
    %get3A_0 = arith.constant 0 : index
    %get3A_1 = vector.load %arg1[%get3A, %get3A_0] : memref<1000x256xf32, #tpu.memory_space<vmem>>, vector<1000x256xf32>
    %eq3A = arith.constant 0 : i32
    %eq3A_2 = arith.cmpi eq, %arg0, %eq3A : i32
    %convert_element_type3A = arith.extui %eq3A_2 : i1 to i32
    %cond3A = arith.constant 0 : i32
    %cond3A_3 = arith.cmpi ne, %convert_element_type3A, %cond3A : i32
    scf.if %cond3A_3 {
      %broadcast_in_dim3A_20 = arith.constant 0.000000e+00 : f32
      %broadcast_in_dim3A_21 = vector.broadcast %broadcast_in_dim3A_20 : f32 to vector<1x256xf32>
      %swap3A_22 = arith.constant 0 : index
      %swap3A_23 = arith.constant 0 : index
      %swap3A_24 = vector.load %arg2[%swap3A_22, %swap3A_23] : memref<1x256xf32, #tpu.memory_space<vmem>>, vector<1x256xf32>
      tpu.vector_store %arg2[%swap3A_22, %swap3A_23], %broadcast_in_dim3A_21 {strides = array<i32>} : memref<1x256xf32, #tpu.memory_space<vmem>>, vector<1x256xf32>,
      %broadcast_in_dim3A_25 = arith.constant 0.000000e+00 : f32
      %broadcast_in_dim3A_26 = vector.broadcast %broadcast_in_dim3A_25 : f32 to vector<1x256xf32>
      %swap3A_27 = arith.constant 0 : index
      %swap3A_28 = arith.constant 0 : index
      %swap3A_29 = vector.load %arg3[%swap3A_27, %swap3A_28] : memref<1x256xf32, #tpu.memory_space<vmem>>, vector<1x256xf32>
      tpu.vector_store %arg3[%swap3A_27, %swap3A_28], %broadcast_in_dim3A_26 {strides = array<i32>} : memref<1x256xf32, #tpu.memory_space<vmem>>, vector<1x256xf32>,
    } else {
    }
    %get3A_4 = arith.constant 0 : index
    %get3A_5 = arith.constant 0 : index
    %get3A_6 = vector.load %arg2[%get3A_4, %get3A_5] : memref<1x256xf32, #tpu.memory_space<vmem>>, vector<1x256xf32>
    %reduce_sum3A = arith.constant dense<0.000000e+00> : vector<256xf32>
    %reduce_sum3A_7 = vector.multi_reduction <add>, %get3A_1, %reduce_sum3A [0] : vector<1000x256xf32> to vector<256xf32>
    %broadcast_in_dim3A = vector.shape_cast %reduce_sum3A_7 : vector<256xf32> to vector<1x256xf32>
    %add3A = arith.addf %get3A_6, %broadcast_in_dim3A : vector<1x256xf32>
    %swap3A = arith.constant 0 : index
    %swap3A_8 = arith.constant 0 : index
    %swap3A_9 = vector.load %arg2[%swap3A, %swap3A_8] : memref<1x256xf32, #tpu.memory_space<vmem>>, vector<1x256xf32>
    tpu.vector_store %arg2[%swap3A, %swap3A_8], %add3A {strides = array<i32>} : memref<1x256xf32, #tpu.memory_space<vmem>>, vector<1x256xf32>,
    %get3A_10 = arith.constant 0 : index
    %get3A_11 = arith.constant 0 : index
    %get3A_12 = vector.load %arg3[%get3A_10, %get3A_11] : memref<1x256xf32, #tpu.memory_space<vmem>>, vector<1x256xf32>
    %mul3A = arith.mulf %get3A_1, %get3A_1 : vector<1000x256xf32>
    %reduce_sum3A_13 = arith.constant dense<0.000000e+00> : vector<256xf32>
    %reduce_sum3A_14 = vector.multi_reduction <add>, %mul3A, %reduce_sum3A_13 [0] : vector<1000x256xf32> to vector<256xf32>
    %broadcast_in_dim3A_15 = vector.shape_cast %reduce_sum3A_14 : vector<256xf32> to vector<1x256xf32>
    %add3A_16 = arith.addf %get3A_12, %broadcast_in_dim3A_15 : vector<1x256xf32>
    %swap3A_17 = arith.constant 0 : index
    %swap3A_18 = arith.constant 0 : index
    %swap3A_19 = vector.load %arg3[%swap3A_17, %swap3A_18] : memref<1x256xf32, #tpu.memory_space<vmem>>, vector<1x256xf32>
    tpu.vector_store %arg3[%swap3A_17, %swap3A_18], %add3A_16 {strides = array<i32>} : memref<1x256xf32, #tpu.memory_space<vmem>>, vector<1x256xf32>,
    return
  }
  func.func @transform_0(%arg0: i32) -> (i32, i32) {
    %c0_i32 = arith.constant 0 : i32
    %c0_i32_0 = arith.constant 0 : i32
    return %arg0, %c0_i32 : i32, i32
  }
  func.func @transform_1(%arg0: i32) -> (i32, i32) {
    %c0_i32 = arith.constant 0 : i32
    %c0_i32_0 = arith.constant 0 : i32
    %c0_i32_1 = arith.constant 0 : i32
    return %c0_i32, %c0_i32_0 : i32, i32
  }
  func.func @transform_2(%arg0: i32) -> (i32, i32) {
    %c0_i32 = arith.constant 0 : i32
    %c0_i32_0 = arith.constant 0 : i32
    %c0_i32_1 = arith.constant 0 : i32
    return %c0_i32, %c0_i32_0 : i32, i32
  }
}

module attributes {stable_mosaic.version = 14 : i64} {
  func.func @_final_body(%arg0: i32, %arg1: memref<1000x256xf32, #tpu.memory_space<vmem>>, %arg2: memref<1000x256xf32, #tpu.memory_space<vmem>>, %arg3: memref<1x256xf32, #tpu.memory_space<vmem>>, %arg4: memref<1x256xf32, #tpu.memory_space<vmem>>, %arg5: memref<1x256xf32, #tpu.memory_space<vmem>>, %arg6: memref<1x256xf32, #tpu.memory_space<vmem>>, %arg7: memref<1000x256xf32, #tpu.memory_space<vmem>>) attributes {dimension_semantics = [#tpu.dimension_semantics<arbitrary>], iteration_bounds = array<i64: 10>, scalar_prefetch = 0 : i64, scratch_operands = 0 : i64, tpu.core_type = #tpu.core_type<tc>, window_params = [{transform_indices = @transform_0, window_bounds = array<i64: 1000, 256>}, {transform_indices = @transform_1, window_bounds = array<i64: 1000, 256>}, {pipeline_mode = #tpu.pipeline_mode<synchronous>, transform_indices = @transform_2, window_bounds = array<i64: 1, 256>}, {pipeline_mode = #tpu.pipeline_mode<synchronous>, transform_indices = @transform_3, window_bounds = array<i64: 1, 256>}, {pipeline_mode = #tpu.pipeline_mode<synchronous>, transform_indices = @transform_4, window_bounds = array<i64: 1, 256>}, {pipeline_mode = #tpu.pipeline_mode<synchronous>, transform_indices = @transform_5, window_bounds = array<i64: 1, 256>}, {transform_indices = @transform_6, window_bounds = array<i64: 1000, 256>}]} {
    %get3A = arith.constant 0 : index
    %get3A_0 = arith.constant 0 : index
    %get3A_1 = vector.load %arg3[%get3A, %get3A_0] : memref<1x256xf32, #tpu.memory_space<vmem>>, vector<1x256xf32>
    %div3A = arith.constant 1.000000e+04 : f32
    %div3A_2 = vector.broadcast %div3A : f32 to vector<1x256xf32>
    %div3A_3 = arith.divf %get3A_1, %div3A_2 : vector<1x256xf32>
    %get3A_4 = arith.constant 0 : index
    %get3A_5 = arith.constant 0 : index
    %get3A_6 = vector.load %arg4[%get3A_4, %get3A_5] : memref<1x256xf32, #tpu.memory_space<vmem>>, vector<1x256xf32>
    %div3A_7 = arith.constant 1.000000e+04 : f32
    %div3A_8 = vector.broadcast %div3A_7 : f32 to vector<1x256xf32>
    %div3A_9 = arith.divf %get3A_6, %div3A_8 : vector<1x256xf32>
    %mul3A = arith.mulf %div3A_3, %div3A_3 : vector<1x256xf32>
    %sub3A = arith.subf %div3A_9, %mul3A : vector<1x256xf32>
    %get3A_10 = arith.constant 0 : index
    %get3A_11 = arith.constant 0 : index
    %get3A_12 = vector.load %arg5[%get3A_10, %get3A_11] : memref<1x256xf32, #tpu.memory_space<vmem>>, vector<1x256xf32>
    %add3A = arith.constant 9.99999974E-6 : f32
    %add3A_13 = vector.broadcast %add3A : f32 to vector<1x256xf32>
    %add3A_14 = arith.addf %sub3A, %add3A_13 : vector<1x256xf32>
    %rsqrt3A = math.rsqrt %add3A_14 : vector<1x256xf32>
    %mul3A_15 = arith.mulf %get3A_12, %rsqrt3A : vector<1x256xf32>
    %get3A_16 = arith.constant 0 : index
    %get3A_17 = arith.constant 0 : index
    %get3A_18 = vector.load %arg6[%get3A_16, %get3A_17] : memref<1x256xf32, #tpu.memory_space<vmem>>, vector<1x256xf32>
    %mul3A_19 = arith.mulf %div3A_3, %mul3A_15 : vector<1x256xf32>
    %sub3A_20 = arith.subf %get3A_18, %mul3A_19 : vector<1x256xf32>
    %get3A_21 = arith.constant 0 : index
    %get3A_22 = arith.constant 0 : index
    %get3A_23 = vector.load %arg1[%get3A_21, %get3A_22] : memref<1000x256xf32, #tpu.memory_space<vmem>>, vector<1000x256xf32>
    %get3A_24 = arith.constant 0 : index
    %get3A_25 = arith.constant 0 : index
    %get3A_26 = vector.load %arg2[%get3A_24, %get3A_25] : memref<1000x256xf32, #tpu.memory_space<vmem>>, vector<1000x256xf32>
    %mul3A_27 = vector.broadcast %mul3A_15 : vector<1x256xf32> to vector<1000x256xf32>
    %mul3A_28 = arith.mulf %get3A_26, %mul3A_27 : vector<1000x256xf32>
    %add3A_29 = arith.addf %get3A_23, %mul3A_28 : vector<1000x256xf32>
    %add3A_30 = vector.broadcast %sub3A_20 : vector<1x256xf32> to vector<1000x256xf32>
    %add3A_31 = arith.addf %add3A_29, %add3A_30 : vector<1000x256xf32>
    %max3A = arith.constant 0.000000e+00 : f32
    %max3A_32 = vector.broadcast %max3A : f32 to vector<1000x256xf32>
    %max3A_33 = arith.maximumf %add3A_31, %max3A_32 : vector<1000x256xf32>
    %abs3A = math.absf %add3A_31 : vector<1000x256xf32>
    %neg3A = arith.constant 0.000000e+00 : f32
    %neg3A_34 = vector.broadcast %neg3A : f32 to vector<1000x256xf32>
    %neg3A_35 = arith.subf %neg3A_34, %abs3A : vector<1000x256xf32>
    %exp3A = math.exp %neg3A_35 : vector<1000x256xf32>
    %log1p3A = math.log1p %exp3A : vector<1000x256xf32>
    %add3A_36 = arith.addf %max3A_33, %log1p3A : vector<1000x256xf32>
    %swap3A = arith.constant 0 : index
    %swap3A_37 = arith.constant 0 : index
    %swap3A_38 = vector.load %arg7[%swap3A, %swap3A_37] : memref<1000x256xf32, #tpu.memory_space<vmem>>, vector<1000x256xf32>
    tpu.vector_store %arg7[%swap3A, %swap3A_37], %add3A_36 {strides = array<i32>} : memref<1000x256xf32, #tpu.memory_space<vmem>>, vector<1000x256xf32>,
    return
  }
  func.func @transform_0(%arg0: i32) -> (i32, i32) {
    %c0_i32 = arith.constant 0 : i32
    %c0_i32_0 = arith.constant 0 : i32
    return %arg0, %c0_i32 : i32, i32
  }
  func.func @transform_1(%arg0: i32) -> (i32, i32) {
    %c0_i32 = arith.constant 0 : i32
    %c0_i32_0 = arith.constant 0 : i32
    return %arg0, %c0_i32 : i32, i32
  }
  func.func @transform_2(%arg0: i32) -> (i32, i32) {
    %c0_i32 = arith.constant 0 : i32
    %c0_i32_0 = arith.constant 0 : i32
    %c0_i32_1 = arith.constant 0 : i32
    return %c0_i32, %c0_i32_0 : i32, i32
  }
  func.func @transform_3(%arg0: i32) -> (i32, i32) {
    %c0_i32 = arith.constant 0 : i32
    %c0_i32_0 = arith.constant 0 : i32
    %c0_i32_1 = arith.constant 0 : i32
    return %c0_i32, %c0_i32_0 : i32, i32
  }
  func.func @transform_4(%arg0: i32) -> (i32, i32) {
    %c0_i32 = arith.constant 0 : i32
    %c0_i32_0 = arith.constant 0 : i32
    %c0_i32_1 = arith.constant 0 : i32
    return %c0_i32, %c0_i32_0 : i32, i32
  }
  func.func @transform_5(%arg0: i32) -> (i32, i32) {
    %c0_i32 = arith.constant 0 : i32
    %c0_i32_0 = arith.constant 0 : i32
    %c0_i32_1 = arith.constant 0 : i32
    return %c0_i32, %c0_i32_0 : i32, i32
  }
  func.func @transform_6(%arg0: i32) -> (i32, i32) {
    %c0_i32 = arith.constant 0 : i32
    %c0_i32_0 = arith.constant 0 : i32
    return %arg0, %c0_i32 : i32, i32
  }
}

</mosaic_0001>

<sc_bundles>
// kernel: kernel.12.cloned.1.call-start
scs
__scs_entry_jumppad:
0x0: {  	(pc) =	sbr.rel $0x88, $3  }
0x1: {  	(tag) =	ssettag $0x0;
	lr =	simm.s32 $0x1  }
0x2: {  	[smem:$0x3F98] =	sst lr;
	_ =	strace $0xD0000000  }
0x3: {  	_ = 	snop  }
0x4: {  	_ = 	snop  }
0x5: {  	_ = 	snop  }
0x6: {  	_ = 	snop  }
0x7: {  	_ = 	snop  }
__scs_overlays_trampoline_lowered:
0x8: {  	[smem:$0x3FA7] =	sst s0  }
0x9: {  	[smem:$0x3FA8] =	sst s1  }
0xa: {  	[smem:$0x3FA9] =	sst s2  }
0xb: {  	[smem:$0x3FAA] =	sst s3  }
0xc: {  	[smem:$0x3FAB] =	sst s4  }
0xd: {  	[smem:$0x3FAC] =	sst s5  }
0xe: {  	[smem:$0x3FAD] =	sst s6  }
0xf: {  	[smem:$0x3FAE] =	sst s7  }
0x10: {  	[smem:$0x3FAF] =	sst s8  }
0x11: {  	[smem:$0x3FB0] =	sst s9;
	s0 =	simm.s32 @!p0 $0x0  }
0x12: {  	s1 =	sld [smem:$0x3F96];
	s0 =	simm.s32 @p0 $0x1  }
0x13: {  	[smem:$0x3FB1] =	sst s0;
	s0 =	simm.s32 @!p1 $0x0  }
0x14: {  	s2 =	sld [smem:$0x3F95];
	s0 =	simm.s32 @p1 $0x1  }
0x15: {  	[smem:$0x3FB2] =	sst s0;
	s0 =	simm.s32 @!p2 $0x0  }
0x16: {  	s3 =	sld [smem:$0x3FDB];
	s0 =	simm.s32 @p2 $0x1  }
0x17: {  	s4 =	simm.s32 $0x1BF5;
	[smem:$0x3FB4] =	sst s0  }
0x18: {  	s0 =	sld [smem:$0x3F97];
	_ =	swait.ge [sflag:s4], $0x0  }
0x19: {  	s7 =	sld [smem:$0x3F98]  }
0x1a: {  	s8 =	sadd.s32 $0xFFFFE003, lr  }
0x1b: {  	s9 =	sadd.s32 $0xFFFFFEF7, lr;
	s5 =	simm.s32 $0xFFFFFFFF;
	p2 =	slt.u32 s8, $0xFFFFF086  }
0x1c: {  	p1 =	slt.u32 s9, $0xF7A;
	s5 =	simm.s32 @!p2 $0x0  }
0x1d: {  	s5 =	simm.s32 @p1 $0x1;
	p0 =	seq.s32 s7, s2  }
0x1e: {  	s7 =	smul.u32 @!p0 $0xF7A, s2;
	p2 =	seq.s32 @!p0 s5, $0x0  }
0x1f: {  	s9 =	smul.u32 $0xF7A, s1;
	s8 =	simm.s32 @!p0 $0x1BF5;
	p2 =	por !p2, p0  }
0x20: {  	[sflag:s8] =	ssyncset.s32 @!p0 $0xFFFFF086;
	s6 =	sadd.s32 @!p0 s3, s7;
	s7 =	simm.s32 @!p0 $0x108  }
0x21: {  	s3 =	sadd.s32 s3, s9;
	s6 =	sadd.s32 @!p0 $0x88, s6;
	s7 =	simm.s32 @p2 $0x1082  }
0x22: {  	[simem:s7], [sflag:s8] =	dma.local @!p0 [hbm:s6], $0xF7A  }
0x23: {  	s9 =	sor.u32 $0xD0000000, s2;
	s6 =	simm.s32 $0x108;
	_ =	swait.ge @!p0 [sflag:s8], $0x0  }
0x24: {  	s3 =	sadd.s32 $0x88, s3;
	s6 =	simm.s32 @!p1 $0x1082;
	[sflag:s4] =	ssyncset.s32 $0xFFFFF086  }
0x25: {  	[simem:s6], [sflag:s4] =	dma.local [hbm:s3], $0xF7A  }
0x26: {  	[smem:$0x3F98] =	sst s1;
	(tag) =	ssettag s2;
	_ =	strace s9  }
0x27: {  	s1 =	sld [smem:$0x3FA8]  }
0x28: {  	s2 =	sld [smem:$0x3FA9]  }
0x29: {  	s4 =	sld [smem:$0x3FAB]  }
0x2a: {  	p0 =	seq.s32 s5, $0x0;
	s5 =	sld [smem:$0x3FAC]  }
0x2b: {  	s6 =	sld [smem:$0x3FAD]  }
0x2c: {  	s7 =	sld [smem:$0x3FAE]  }
0x2d: {  	s3 =	simm.s32 $0x108;
	s8 =	sld [smem:$0x3FAF]  }
0x2e: {  	s3 =	simm.s32 @!p0 $0x1082;
	s9 =	sld [smem:$0x3FB0]  }
0x2f: {  	lr =	sadd.s32 s0, s3;
	s0 =	sld [smem:$0x3FA7]  }
0x30: {  	s3 =	sld [smem:$0x3FAA]  }
0x31: {  	[smem:$0x3FB3] =	sst s10  }
0x32: {  	s10 =	sld [smem:$0x3FB1];
	_ =	sdelay $0x3  }
0x33: {  	p0 =	seq.s32 s10, $0x1;
	s10 =	sld [smem:$0x3FB3];
	_ =	sdelay $0x3  }
0x34: {  	[smem:$0x3FB3] =	sst s10  }
0x35: {  	s10 =	sld [smem:$0x3FB2];
	_ =	sdelay $0x3  }
0x36: {  	p1 =	seq.s32 s10, $0x1;
	s10 =	sld [smem:$0x3FB3];
	_ =	sdelay $0x3  }
0x37: {  	[smem:$0x3FB3] =	sst s10  }
0x38: {  	s10 =	sld [smem:$0x3FB4]  }
0x39: {  	_ = 	snop;
	(pc) =	sbr.ind lr, $3  }
0x3a: {  	_ = 	snop  }
0x3b: {  	_ = 	snop  }
0x3c: {  	p2 =	seq.s32 s10, $0x1;
	s10 =	sld [smem:$0x3FB3]  }
0x3d: {  	_ =	shalt  }
0x3e: {  	_ =	shalt  }
0x3f: {  	_ =	shalt  }
0x40: {  	_ =	shalt  }
0x41: {  	_ =	shalt  }
0x42: {  	_ =	shalt  }
0x43: {  	_ =	shalt  }
0x44: {  	_ =	shalt  }
0x45: {  	_ =	shalt  }
0x46: {  	_ =	shalt  }
0x47: {  	_ =	shalt  }
0x48: {  	_ =	shalt  }
0x49: {  	_ =	shalt  }
0x4a: {  	_ =	shalt  }
0x4b: {  	_ =	shalt  }
0x4c: {  	_ =	shalt  }
0x4d: {  	_ =	shalt  }
0x4e: {  	_ =	shalt  }
0x4f: {  	_ =	shalt  }
0x50: {  	_ =	shalt  }
0x51: {  	_ =	shalt  }
0x52: {  	_ =	shalt  }
0x53: {  	_ =	shalt  }
0x54: {  	_ =	shalt  }
0x55: {  	_ =	shalt  }
0x56: {  	_ =	shalt  }
0x57: {  	_ =	shalt  }
0x58: {  	_ =	shalt  }
0x59: {  	_ =	shalt  }
0x5a: {  	_ =	shalt  }
0x5b: {  	_ =	shalt  }
0x5c: {  	_ =	shalt  }
0x5d: {  	_ =	shalt  }
0x5e: {  	_ =	shalt  }
0x5f: {  	_ =	shalt  }
0x60: {  	_ =	shalt  }
0x61: {  	_ =	shalt  }
0x62: {  	_ =	shalt  }
0x63: {  	_ =	shalt  }
0x64: {  	_ =	shalt  }
0x65: {  	_ =	shalt  }
0x66: {  	_ =	shalt  }
0x67: {  	_ =	shalt  }
0x68: {  	_ =	shalt  }
0x69: {  	_ =	shalt  }
0x6a: {  	_ =	shalt  }
0x6b: {  	_ =	shalt  }
0x6c: {  	_ =	shalt  }
0x6d: {  	_ =	shalt  }
0x6e: {  	_ =	shalt  }
0x6f: {  	_ =	shalt  }
0x70: {  	_ =	shalt  }
0x71: {  	_ =	shalt  }
0x72: {  	_ =	shalt  }
0x73: {  	_ =	shalt  }
0x74: {  	_ =	shalt  }
0x75: {  	_ =	shalt  }
0x76: {  	_ =	shalt  }
0x77: {  	_ =	shalt  }
0x78: {  	_ =	shalt  }
0x79: {  	_ =	shalt  }
0x7a: {  	_ =	shalt  }
0x7b: {  	_ =	shalt  }
0x7c: {  	_ =	shalt  }
0x7d: {  	_ =	shalt  }
0x7e: {  	_ =	shalt  }
0x7f: {  	_ =	shalt  }
0x80: {  	_ =	shalt  }
0x81: {  	_ =	shalt  }
0x82: {  	_ =	shalt  }
0x83: {  	_ =	shalt  }
0x84: {  	_ =	shalt  }
0x85: {  	_ =	shalt  }
0x86: {  	_ =	shalt  }
0x87: {  	_ =	shalt  }
.Lfunc_end0:
.L_simem_size_0:
called_computation.1_lowered:
.L_overlay_start_0:
0x88: {  	s2 =	sld [smem:$0x3FD9]  }
0x89: {  	s3 =	sld [smem:$0x3FFE];
	_ =	sdelay $0x1  }
0x8a: {  	s1 =	srdreg.scid  }
0x8b: {  	s0 =	sand.u32 $0x1, s1  }
0x8c: {  	s17 =	sshll.u32 s0, $0xA;
	s2 =	sadd.s32 s3, s2  }
0x8d: {  	s2 =	sadd.s32 s2, s17  }
0x8e: {  	[smem:$0x3FBF] =	sst s2  }
0x8f: {  	_ = 	snop  }
0x90: {  	s2 =	sld [smem:$0x3FD0];
	(tm) =	ssettm $0x1  }
0x91: {  	s18 =	sld [smem:$0x3FFB];
	_ =	sdelay $0x3  }
0x92: {  	_ =	strace s18  }
0x93: {  	s3 =	sld [smem:$0x3FFC];
	_ =	sdelay $0x3  }
0x94: {  	_ =	strace s3  }
0x95: {  	s3 =	sld [smem:$0x3FFD];
	_ =	sdelay $0x3  }
0x96: {  	_ =	strace s3  }
0x97: {  	_ =	strace $0x8FFFFFFF  }
0x98: {  	s19 =	sld [smem:$0x3FDB];
	_ =	sdelay $0x1  }
0x99: {  	s4 =	simm.s32 $_scs_section_size  }
0x9a: {  	s5 =	simm.s32 $_size__tile_overlayer_lowered;
	s6 =	simm.s32 $_tile_overlayer_lowered  }
0x9b: {  	s22 =	simm.s32 $0x1BFF;
	s21 =	sshll.u32 s6, $0x1;
	s3 =	sadd.s32 s4, s19  }
0x9c: {  	s7 =	simm.s32 $0x0;
	s20 =	sshll.u32 s5, $0x1;
	s5 =	sadd.s32 s21, s3  }
0x9d: {  	[timem:s7], [sflag:s22] =	dma.local [hbm:s5], s20  }
0x9e: {  	_ =	swait.ge [sflag:s22], s20  }
0x9f: {  	s4 =	ssub.s32 $0x0, s20;
	[sflag:s22] =	ssyncset.done $0x0  }
0xa0: {  	[sflag:s22] =	ssyncadd.s32 s4;
	_ =	sdelay $0x1  }
0xa1: {  	s23 =	simm.s32 $0x1B8B  }
0xa2: {  	_ =	swait.ge [sflag:s23], $0x1  }
0xa3: {  	[sflag:s23] =	ssyncset.done $0x0  }
0xa4: {  	s25 =	simm.s32 $0x1B8E;
	s24 =	sld [smem:$0x3FFE];
	[sflag:s23] =	ssyncadd.s32 $0xFFFFFFFF  }
0xa5: {  	s26 =	simm.s32 $execute0_lowered;
	[smem:$0x3FD2] =	sst s25  }
0xa6: {  	s5 =	sshll.u32 s26, $0x1;
	_ =	strace $0x80000049;
	[dreg:$0x1] =	wrdreg $0xFFFFFFFF  }
0xa7: {  	s28 =	simm.s32 $_size_execute0_lowered;
	s3 =	sadd.s32 s3, s5;
	[dreg:$0x0] =	wrdreg $0x0  }
0xa8: {  	s5 =	sshll.u32 s28, $0x1;
	[dreg:$0x2] =	wrdreg s3  }
0xa9: {  	[dreg:$0x3] =	wrdreg s5  }
0xaa: {  	[dreg:$0x4] =	wrdreg $0xC0  }
0xab: {  	_ =	task [dreg:s7], $0x5FFFF  }
0xac: {  	[dreg:$0x1] =	wrdreg $0xFFFFFFFF  }
0xad: {  	[dreg:$0x0] =	wrdreg $0x60  }
0xae: {  	[dreg:$0x2] =	wrdreg s24  }
0xaf: {  	[dreg:$0x3] =	wrdreg s2  }
0xb0: {  	[dreg:$0x4] =	wrdreg $0x0  }
0xb1: {  	[dreg:$0x5] =	wrdreg $0x9  }
0xb2: {  	_ =	task.clear_ibuf [dreg:s7], $0x6FFFF;
	_ =	strace $0x90000049  }
0xb3: {  	s29 =	simm.s32 $0x9;
	_ =	strace $0x8000004B  }
0xb4: {  	_ =	swait.ge [sflag:s29], $0x1  }
0xb5: {  	[sflag:s29] =	ssyncadd.s32 $0xFFFFFFFF  }
0xb6: {  	_ =	strace $0x9000004B  }
0xb7: {  	_ =	sfence  }
0xb8: {  	s30 =	sld [smem:$0x0];
	_ =	sdelay $0x2  }
0xb9: {  	s31 =	sshll.u32 s1, $0xD;
	s1 =	sshrl.u32 s1, $0x2  }
0xba: {  	s3 =	sand.u32 $0x4000, s31;
	s1 =	sadd.s32 s1, s30  }
0xbb: {  	s0 =	sor.u32 s3, s0;
	s1 =	sshll.u32 s1, $0x11  }
0xbc: {  	s0 =	sor.u32 s1, s0  }
0xbd: {  	s0 =	sadd.s32 $0x8F2B, s0  }
0xbe: {  	[sflag:s0] =	ssyncadd.remote.s32 $0x1  }
0xbf: {  	_ =	sfence.sel $0xFFFF  }
0xc0: {  	[dreg:$0x0] =	wrdreg $0xFFFFFFFF;
	(pc) =	sbr.abs _section_cstart, $3  }
0xc1: {  	[dreg:$0x1] =	wrdreg $0xFFFFFFFF  }
0xc2: {  	_ =	task.clear_ibuf [dreg:s7], $0x2FFFF;
	_ =	strace $0x9FFFFFFF  }
0xc3: {  	(tm) =	ssettm $0x7FFFFFFF  }
tec
execute0_lowered:
.L_overlay_start_1:
0x0: {  	(tag) =	ssettag $0x1  }
0x1: {  	s0 =	rddreg [dreg:$0x0]  }
0x2: {  	s25 =	rddreg [dreg:$0x1]  }
0x3: {  	s2 =	rddreg [dreg:$0x2];
	s4 =	simm.s32 $0x0;
	s3 =	srdreg.scid  }
0x4: {  	s1 =	stileid.u32;
	[smem:$0x7FF] =	sst s4;
	s5 =	sadd.s32 $0x3200, s0  }
0x5: {  	s26 =	sadd.s32 $0x274200, s0;
	_ =	strace $0x8000004A;
	[dreg:$0x5] =	wrdreg s5  }
0x6: {  	s28 =	simm.s32 $0x14080;
	s10 =	sadd.s32 $0x4E5200, s0;
	[dreg:$0x6] =	wrdreg s26  }
0x7: {  	s29 =	simm.s32 $0x16280;
	s13 =	sadd.s32 $0x8, s25;
	[dreg:$0x7] =	wrdreg s10  }
0x8: {  	s30 =	simm.s32 $0x14100;
	s14 =	sadd.s32 $0x3600, s0;
	[dreg:$0x9] =	wrdreg s13  }
0x9: {  	s31 =	simm.s32 $0x18280;
	s15 =	sadd.s32 $0x10, s25;
	[dreg:$0xa] =	wrdreg s14  }
0xa: {  	s3 =	sand.u32 $0x1, s3;
	s16 =	sadd.s32 $0x3A00, s0;
	[dreg:$0xb] =	wrdreg s15  }
0xb: {  	s7 =	smul.u32 $0x28000, s1;
	s17 =	sadd.s32 $0x18, s25;
	[dreg:$0xc] =	wrdreg s16  }
0xc: {  	s6 =	smul.u32 $0x50000, s1;
	s18 =	sadd.s32 $0x3E00, s0;
	[dreg:$0xd] =	wrdreg s17  }
0xd: {  	s11 =	sshll.u32 s1, $0x6;
	s19 =	sadd.s32 $0x20, s25;
	[dreg:$0xe] =	wrdreg s18  }
0xe: {  	p0 =	seq.s32 s1, $0x0;
	s20 =	sadd.s32 $0x4200, s0;
	[dreg:$0xf] =	wrdreg s19  }
0xf: {  	s21 =	sadd.s32 $0x274600, s0;
	s22 =	sadd.s32 $0x274A00, s0;
	[dreg:$0x10] =	wrdreg s20  }
0x10: {  	s23 =	sadd.s32 $0x274E00, s0;
	s8 =	sshll.u32 s3, $0xA;
	[dreg:$0x11] =	wrdreg s21  }
0x11: {  	s9 =	ssub.s32 $0x2, s3;
	s5 =	sor.u32 $0x1C10, s11;
	[dreg:$0x12] =	wrdreg s22  }
0x12: {  	s12 =	sor.u32 s3, s1;
	p1 =	seq.s32 s3, $0x1;
	[dreg:$0x13] =	wrdreg s23  }
0x13: {  	s23 =	simm.s32 $0x14280;
	s3 =	simm.s32 $0x1A280;
	s14 =	simm.s32 $0x1  }
0x14: {  	s16 =	simm.s32 $0x6;
	s17 =	simm.s32 $0x40;
	s18 =	simm.s32 $0x2  }
0x15: {  	s19 =	simm.s32 $0x7;
	s20 =	simm.s32 $0x3;
	s11 =	simm.s32 $0x4  }
0x16: {  	s13 =	simm.s32 $0x9;
	s15 =	simm.s32 $0x5;
	s7 =	sor.u32 s8, s7  }
0x17: {  	s10 =	sshrl.u32 s9, $0x1;
	s8 =	sshrl.u32 s6, $0x2;
	p0 =	por !p0, !p1  }
0x18: {  	p1 =	sne.s32 s12, $0x0;
	s12 =	simm.s32 $0x1C280;
	[dreg:$0x8] =	wrdreg s5  }
0x19: {  	s7 =	sshrl.u32 s7, $0x3;
	s9 =	ssub.s32 s9, s10;
	s8 =	sadd.s32 s8, s2  }
0x1a: {  	p0 =	por !p0, !p0;
	s10 =	simm.s32 $0x14200;
	s7 =	sadd.s32 s7, s0  }
.Ltmp0:
0x1b: {  	s0 =	sadd.s32 $0x275200, s0;
	s26 =	smax.u32 s9, $0x1;
	(pc) =	sbr.rel .LBB2_1-.Ltmp0, $4  }
0x1c: {  	s6 =	sshrl.u32 s8, $0x3;
	s8 =	simm.s32 $0x10;
	[dreg:$0x14] =	wrdreg s0  }
0x1d: {  	s9 =	simm.s32 $0x8;
	s24 =	sadd.s32 $0x4E7A00, s7;
	[dreg:$0x16] =	wrdreg s26  }
0x1e: {  	s0 =	simm.s32 $0x14180;
	s7 =	simm.s32 $0xA;
	[dreg:$0x17] =	wrdreg s6  }
0x1f: {  	s26 =	smov.u32 s25;
	[dreg:$0x15] =	wrdreg s24;
	s24 =	simm.s32 $0x14000  }
.LBB2_8:
0x20: {  	s1 =	simm.s32 @!p3 $0xB;
	[sflag:s7] =	ssyncadd.s32 $0xFFFFE000  }
0x21: {  	[spmem:s2] =	stream.indirect.scatter.add.f32 [tilespmem:s12], [sflag:$0xF], $0x80, s10, s17, $0xb8;
	[tilespmem:$0x1E280] =	vst v63  }
0x22: {  	_ =	swait.ge @!p3 [sflag:s1], $0x2000  }
0x23: {  	s4 =	simm.s32 @!p3 $0x14000;
	[sflag:s1] =	ssyncset.done @!p3 $0x0  }
0x24: {  	s5 =	simm.s32 @!p3 $0x0;
	[sflag:s1] =	ssyncadd.s32 @!p3 $0xFFFFE000;
	s1 =	sadd.s32 @!p3 s8, s25  }
0x25: {  	[tilespmem:s4], [sflag:$0x1] =	stream.linear.gather @!p3 [hbm4b:s1+s5], $0x40, $0x38;
	[tilespmem:$0x1E280] =	vst v63  }
0x26: {  	s6 =	simm.s32 @!p3 $0xC;
	s4 =	simm.s32 @!p3 $0x14280  }
0x27: {  	[tilespmem:s4], [sflag:$0x6] =	stream.linear.gather @!p3 [hbm4b:s22+s5], $0x2000, $0x38;
	[tilespmem:$0x1E280] =	vst v63  }
0x28: {  	_ =	swait.ge @!p3 [sflag:s6], $0x2000  }
0x29: {  	[sflag:s6] =	ssyncset.done @!p3 $0x0  }
0x2a: {  	s4 =	sadd.s32 @!p3 $0x8, s1;
	[sflag:s6] =	ssyncadd.s32 @!p3 $0xFFFFE000;
	s6 =	simm.s32 @!p3 $0x14080  }
0x2b: {  	[tilespmem:s6], [sflag:$0x2] =	stream.linear.gather @!p3 [hbm4b:s4+s5], $0x40, $0x38;
	[tilespmem:$0x1E280] =	vst v63  }
0x2c: {  	s4 =	sadd.s32 @!p3 $0x400, s22;
	s6 =	simm.s32 @!p3 $0x16280  }
0x2d: {  	[tilespmem:s6], [sflag:$0x7] =	stream.linear.gather @!p3 [hbm4b:s4+s5], $0x2000, $0x38;
	[tilespmem:$0x1E280] =	vst v63  }
0x2e: {  	s4 =	simm.s32 @!p3 $0xD  }
0x2f: {  	_ =	swait.ge @!p3 [sflag:s4], $0x2000  }
0x30: {  	[sflag:s4] =	ssyncset.done @!p3 $0x0  }
0x31: {  	s6 =	sadd.s32 @!p3 $0x10, s1;
	[sflag:s4] =	ssyncadd.s32 @!p3 $0xFFFFE000;
	s4 =	simm.s32 @!p3 $0x14100  }
0x32: {  	[tilespmem:s4], [sflag:$0x3] =	stream.linear.gather @!p3 [hbm4b:s6+s5], $0x40, $0x38;
	[tilespmem:$0x1E280] =	vst v63  }
0x33: {  	s4 =	sadd.s32 @!p3 $0x800, s22;
	s6 =	simm.s32 @!p3 $0x18280  }
0x34: {  	[tilespmem:s6], [sflag:$0x8] =	stream.linear.gather @!p3 [hbm4b:s4+s5], $0x2000, $0x38;
	[tilespmem:$0x1E280] =	vst v63  }
0x35: {  	s4 =	simm.s32 @!p3 $0xE  }
0x36: {  	_ =	swait.ge @!p3 [sflag:s4], $0x2000  }
0x37: {  	[sflag:s4] =	ssyncset.done @!p3 $0x0  }
0x38: {  	s6 =	sadd.s32 @!p3 $0x18, s1;
	[sflag:s4] =	ssyncadd.s32 @!p3 $0xFFFFE000;
	s4 =	simm.s32 @!p3 $0x14180  }
0x39: {  	[tilespmem:s4], [sflag:$0x4] =	stream.linear.gather @!p3 [hbm4b:s6+s5], $0x40, $0x38;
	[tilespmem:$0x1E280] =	vst v63  }
0x3a: {  	s4 =	sadd.s32 @!p3 $0xC00, s22;
	s6 =	simm.s32 @!p3 $0x1A280  }
0x3b: {  	[tilespmem:s6], [sflag:$0x9] =	stream.linear.gather @!p3 [hbm4b:s4+s5], $0x2000, $0x38;
	[tilespmem:$0x1E280] =	vst v63  }
0x3c: {  	s4 =	simm.s32 @!p3 $0xF  }
0x3d: {  	_ =	swait.ge @!p3 [sflag:s4], $0x2000  }
0x3e: {  	[sflag:s4] =	ssyncset.done @!p3 $0x0  }
0x3f: {  	s1 =	sadd.s32 @!p3 $0x20, s1;
	[sflag:s4] =	ssyncadd.s32 @!p3 $0xFFFFE000;
	s4 =	simm.s32 @!p3 $0x14200  }
0x40: {  	[tilespmem:s4], [sflag:$0x5] =	stream.linear.gather @!p3 [hbm4b:s1+s5], $0x40, $0x38;
	[tilespmem:$0x1E280] =	vst v63  }
0x41: {  	s1 =	sadd.s32 @!p3 $0x1000, s22;
	s4 =	simm.s32 @!p3 $0x1C280  }
0x42: {  	[tilespmem:s4], [sflag:$0xA] =	stream.linear.gather @!p3 [hbm4b:s1+s5], $0x2000, $0x38;
	[tilespmem:$0x1E280] =	vst v63  }
0x43: {  	_ =	swait.ge [sflag:s14], $0x40  }
0x44: {  	[sflag:s14] =	ssyncset.done $0x0  }
0x45: {  	[sflag:s14] =	ssyncadd.s32 $0xFFFFFFC0  }
0x46: {  	_ =	swait.ge [sflag:s16], $0x2000  }
0x47: {  	[sflag:s16] =	ssyncset.done $0x0  }
0x48: {  	[sflag:s16] =	ssyncadd.s32 $0xFFFFE000  }
0x49: {  	[spmem:s2] =	stream.indirect.scatter.add.f32 [tilespmem:s23], [sflag:$0xB], $0x80, s24, s17, $0xb8;
	[tilespmem:$0x1E280] =	vst v63  }
0x4a: {  	_ =	swait.ge [sflag:s18], $0x40  }
0x4b: {  	[sflag:s18] =	ssyncset.done $0x0  }
0x4c: {  	[sflag:s18] =	ssyncadd.s32 $0xFFFFFFC0  }
0x4d: {  	_ =	swait.ge [sflag:s19], $0x2000  }
0x4e: {  	[sflag:s19] =	ssyncset.done $0x0  }
0x4f: {  	[sflag:s19] =	ssyncadd.s32 $0xFFFFE000  }
0x50: {  	[spmem:s2] =	stream.indirect.scatter.add.f32 [tilespmem:s29], [sflag:$0xC], $0x80, s28, s17, $0xb8;
	[tilespmem:$0x1E280] =	vst v63  }
0x51: {  	_ =	swait.ge [sflag:s20], $0x40  }
0x52: {  	[sflag:s20] =	ssyncset.done $0x0  }
0x53: {  	[sflag:s20] =	ssyncadd.s32 $0xFFFFFFC0  }
0x54: {  	_ =	swait.ge [sflag:s9], $0x2000  }
0x55: {  	[sflag:s9] =	ssyncset.done $0x0  }
0x56: {  	[sflag:s9] =	ssyncadd.s32 $0xFFFFE000  }
0x57: {  	[spmem:s2] =	stream.indirect.scatter.add.f32 [tilespmem:s31], [sflag:$0xD], $0x80, s30, s17, $0xb8;
	[tilespmem:$0x1E280] =	vst v63  }
0x58: {  	_ =	swait.ge [sflag:s11], $0x40  }
0x59: {  	[sflag:s11] =	ssyncset.done $0x0  }
0x5a: {  	[sflag:s11] =	ssyncadd.s32 $0xFFFFFFC0  }
0x5b: {  	_ =	swait.ge [sflag:s13], $0x2000  }
0x5c: {  	[sflag:s13] =	ssyncset.done $0x0  }
0x5d: {  	[sflag:s13] =	ssyncadd.s32 $0xFFFFE000  }
0x5e: {  	[spmem:s2] =	stream.indirect.scatter.add.f32 [tilespmem:s3], [sflag:$0xE], $0x80, s0, s17, $0xb8;
	[tilespmem:$0x1E280] =	vst v63  }
0x5f: {  	_ =	swait.ge [sflag:s15], $0x40  }
0x60: {  	[sflag:s15] =	ssyncset.done $0x0  }
0x61: {  	[sflag:s15] =	ssyncadd.s32 $0xFFFFFFC0  }
0x62: {  	_ =	swait.ge [sflag:s7], $0x2000  }
0x63: {  	[sflag:s7] =	ssyncset.done $0x0  }
0x64: {  	s5 =	simm.s32 $0xB;
	[sflag:s7] =	ssyncadd.s32 $0xFFFFE000  }
0x65: {  	[spmem:s2] =	stream.indirect.scatter.add.f32 [tilespmem:s12], [sflag:$0xF], $0x80, s10, s17, $0xb8;
	[tilespmem:$0x1E280] =	vst v63  }
0x66: {  	_ =	swait.ge [sflag:s5], $0x2000  }
0x67: {  	[sflag:s5] =	ssyncset.done $0x0  }
0x68: {  	s6 =	simm.s32 $0xC;
	[sflag:s5] =	ssyncadd.s32 $0xFFFFE000  }
0x69: {  	_ =	swait.ge [sflag:s6], $0x2000  }
0x6a: {  	[sflag:s6] =	ssyncset.done $0x0  }
0x6b: {  	s8 =	simm.s32 $0xD;
	[sflag:s6] =	ssyncadd.s32 $0xFFFFE000  }
0x6c: {  	_ =	swait.ge [sflag:s8], $0x2000  }
0x6d: {  	[sflag:s8] =	ssyncset.done $0x0  }
0x6e: {  	s21 =	simm.s32 $0xE;
	[sflag:s8] =	ssyncadd.s32 $0xFFFFE000  }
0x6f: {  	_ =	swait.ge [sflag:s21], $0x2000  }
0x70: {  	[sflag:s21] =	ssyncset.done $0x0  }
0x71: {  	s22 =	simm.s32 $0xF;
	[sflag:s21] =	ssyncadd.s32 $0xFFFFE000  }
0x72: {  	_ =	swait.ge [sflag:s22], $0x2000  }
0x73: {  	s4 =	rddreg [dreg:$0x4]  }
0x74: {  	[sflag:s22] =	ssyncset.done $0x0;
	s5 =	rddreg [dreg:$0x8]  }
0x75: {  	s8 =	simm.s32 $0x10;
	s6 =	rddreg [dreg:$0x17];
	[sflag:s22] =	ssyncadd.s32 $0xFFFFE000  }
.LBB2_9:
0x76: {  	[bflag:$0x0] =	sbarrier.arrive $0xFFFF  }
0x77: {  	s21 =	simm.s32 $0x100;
	s22 =	simm.s32 $0x80;
	s1 =	rddreg [dreg:$0x15]  }
0x78: {  	[hbm:s1@s21], [sflag:s5] =	dma.strided [spmem:s6@s22], $0x2800, s9, $0x10   }
0x79: {  	_ =	swait.ge [sflag:s8], $0x2800  }
0x7a: {  	s4 =	sadd.s32 $0x1, s4;
	s22 =	rddreg [dreg:$0x16]  }
0x7b: {  	p2 =	sne.s32 s4, s22  }
.Ltmp1:
0x7c: {  	_ = 	snop;
	(pc) =	sbr.rel @!p2 .LBB2_10-.Ltmp1, $3  }
0x7d: {  	_ =	sdelay $0x1  }
0x7e: {  	[sflag:s8] =	ssyncset.done $0x0  }
0x7f: {  	[sflag:s8] =	ssyncadd.s32 $0xFFFFD800  }
.LBB2_1:
0x80: {  	s1 =	rddreg [dreg:$0x7]  }
0x81: {  	[spmem:s6], [sflag:s5] =	dma.local [hbm:s1], $0x2800  }
.Ltmp2:
0x82: {  	_ =	swait.ge [sflag:s8], $0x2800;
	(pc) =	sbr.rel @p1 .LBB2_5-.Ltmp2, $3  }
0x83: {  	[sflag:s8] =	ssyncset.done $0x0  }
0x84: {  	[sflag:s8] =	ssyncadd.s32 $0xFFFFD800  }
0x85: {  	[bflag:$0x0] =	sbarrier.arrive $0xFFFF;
	_ =	sdelay $0x1  }
0x86: {  	s8 =	simm.s32 $0x0  }
0x87: {  	[tilespmem:s24], [sflag:$0x1] =	stream.linear.gather [hbm4b:s25+s8], $0x40, $0x38;
	[tilespmem:$0x1E280] =	vst v63  }
0x88: {  	s1 =	rddreg [dreg:$0x5]  }
0x89: {  	[tilespmem:s23], [sflag:$0x6] =	stream.linear.gather [hbm4b:s1+s8], $0x2000, $0x38;
	[tilespmem:$0x1E280] =	vst v63  }
0x8a: {  	s6 =	rddreg [dreg:$0x9]  }
0x8b: {  	[tilespmem:s28], [sflag:$0x2] =	stream.linear.gather [hbm4b:s6+s8], $0x40, $0x38;
	[tilespmem:$0x1E280] =	vst v63  }
0x8c: {  	s21 =	rddreg [dreg:$0xa]  }
0x8d: {  	[tilespmem:s29], [sflag:$0x7] =	stream.linear.gather [hbm4b:s21+s8], $0x2000, $0x38;
	[tilespmem:$0x1E280] =	vst v63  }
0x8e: {  	s22 =	rddreg [dreg:$0xb]  }
0x8f: {  	[tilespmem:s30], [sflag:$0x3] =	stream.linear.gather [hbm4b:s22+s8], $0x40, $0x38;
	[tilespmem:$0x1E280] =	vst v63  }
0x90: {  	s23 =	rddreg [dreg:$0xc]  }
0x91: {  	[tilespmem:s31], [sflag:$0x8] =	stream.linear.gather [hbm4b:s23+s8], $0x2000, $0x38;
	[tilespmem:$0x1E280] =	vst v63  }
0x92: {  	s5 =	rddreg [dreg:$0xd]  }
0x93: {  	[tilespmem:s0], [sflag:$0x4] =	stream.linear.gather [hbm4b:s5+s8], $0x40, $0x38;
	[tilespmem:$0x1E280] =	vst v63  }
0x94: {  	s6 =	rddreg [dreg:$0xe]  }
0x95: {  	[tilespmem:s3], [sflag:$0x9] =	stream.linear.gather [hbm4b:s6+s8], $0x2000, $0x38;
	[tilespmem:$0x1E280] =	vst v63  }
0x96: {  	s21 =	rddreg [dreg:$0xf]  }
0x97: {  	[tilespmem:s10], [sflag:$0x5] =	stream.linear.gather [hbm4b:s21+s8], $0x40, $0x38;
	[tilespmem:$0x1E280] =	vst v63  }
0x98: {  	p2 =	por $0x1, $0x1;
	s22 =	rddreg [dreg:$0x10]  }
0x99: {  	[tilespmem:s12], [sflag:$0xA] =	stream.linear.gather [hbm4b:s22+s8], $0x2000, $0x38;
	[tilespmem:$0x1E280] =	vst v63  }
0x9a: {  	[dreg:$0x4] =	wrdreg s4;
	s8 =	simm.s32 @!p2 $0xB  }
0x9b: {  	_ =	swait.ge @!p2 [sflag:s8], $0x2000  }
0x9c: {  	s21 =	simm.s32 @!p2 $0x14000;
	[sflag:s8] =	ssyncset.done @!p2 $0x0  }
0x9d: {  	s22 =	simm.s32 @!p2 $0x0;
	[sflag:s8] =	ssyncadd.s32 @!p2 $0xFFFFE000;
	s8 =	sadd.s32 @!p2 $0x0, s25  }
0x9e: {  	[tilespmem:s21], [sflag:$0x1] =	stream.linear.gather @!p2 [hbm4b:s8+s22], $0x40, $0x38;
	[tilespmem:$0x1E280] =	vst v63  }
0x9f: {  	s23 =	simm.s32 @!p2 $0xC;
	s21 =	simm.s32 @!p2 $0x14280  }
0xa0: {  	[tilespmem:s21], [sflag:$0x6] =	stream.linear.gather @!p2 [hbm4b:s1+s22], $0x2000, $0x38;
	[tilespmem:$0x1E280] =	vst v63  }
0xa1: {  	_ =	swait.ge @!p2 [sflag:s23], $0x2000  }
0xa2: {  	[sflag:s23] =	ssyncset.done @!p2 $0x0  }
0xa3: {  	s21 =	sadd.s32 @!p2 $0x8, s8;
	[sflag:s23] =	ssyncadd.s32 @!p2 $0xFFFFE000;
	s23 =	simm.s32 @!p2 $0x14080  }
0xa4: {  	[tilespmem:s23], [sflag:$0x2] =	stream.linear.gather @!p2 [hbm4b:s21+s22], $0x40, $0x38;
	[tilespmem:$0x1E280] =	vst v63  }
0xa5: {  	s21 =	sadd.s32 @!p2 $0x400, s1;
	s23 =	simm.s32 @!p2 $0x16280  }
0xa6: {  	[tilespmem:s23], [sflag:$0x7] =	stream.linear.gather @!p2 [hbm4b:s21+s22], $0x2000, $0x38;
	[tilespmem:$0x1E280] =	vst v63  }
0xa7: {  	s21 =	simm.s32 @!p2 $0xD  }
0xa8: {  	_ =	swait.ge @!p2 [sflag:s21], $0x2000  }
0xa9: {  	[sflag:s21] =	ssyncset.done @!p2 $0x0  }
0xaa: {  	s23 =	sadd.s32 @!p2 $0x10, s8;
	[sflag:s21] =	ssyncadd.s32 @!p2 $0xFFFFE000;
	s21 =	simm.s32 @!p2 $0x14100  }
0xab: {  	[tilespmem:s21], [sflag:$0x3] =	stream.linear.gather @!p2 [hbm4b:s23+s22], $0x40, $0x38;
	[tilespmem:$0x1E280] =	vst v63  }
0xac: {  	s21 =	sadd.s32 @!p2 $0x800, s1;
	s23 =	simm.s32 @!p2 $0x18280  }
0xad: {  	[tilespmem:s23], [sflag:$0x8] =	stream.linear.gather @!p2 [hbm4b:s21+s22], $0x2000, $0x38;
	[tilespmem:$0x1E280] =	vst v63  }
0xae: {  	s21 =	simm.s32 @!p2 $0xE  }
0xaf: {  	_ =	swait.ge @!p2 [sflag:s21], $0x2000  }
0xb0: {  	[sflag:s21] =	ssyncset.done @!p2 $0x0  }
0xb1: {  	s23 =	sadd.s32 @!p2 $0x18, s8;
	[sflag:s21] =	ssyncadd.s32 @!p2 $0xFFFFE000;
	s21 =	simm.s32 @!p2 $0x14180  }
0xb2: {  	[tilespmem:s21], [sflag:$0x4] =	stream.linear.gather @!p2 [hbm4b:s23+s22], $0x40, $0x38;
	[tilespmem:$0x1E280] =	vst v63  }
0xb3: {  	s21 =	sadd.s32 @!p2 $0xC00, s1;
	s23 =	simm.s32 @!p2 $0x1A280  }
0xb4: {  	[tilespmem:s23], [sflag:$0x9] =	stream.linear.gather @!p2 [hbm4b:s21+s22], $0x2000, $0x38;
	[tilespmem:$0x1E280] =	vst v63  }
0xb5: {  	s21 =	simm.s32 @!p2 $0xF  }
0xb6: {  	_ =	swait.ge @!p2 [sflag:s21], $0x2000  }
0xb7: {  	[sflag:s21] =	ssyncset.done @!p2 $0x0  }
0xb8: {  	s8 =	sadd.s32 @!p2 $0x20, s8;
	[sflag:s21] =	ssyncadd.s32 @!p2 $0xFFFFE000;
	s21 =	simm.s32 @!p2 $0x14200  }
0xb9: {  	[tilespmem:s21], [sflag:$0x5] =	stream.linear.gather @!p2 [hbm4b:s8+s22], $0x40, $0x38;
	[tilespmem:$0x1E280] =	vst v63  }
0xba: {  	s8 =	sadd.s32 @!p2 $0x1000, s1;
	s21 =	simm.s32 @!p2 $0x1C280  }
0xbb: {  	[tilespmem:s21], [sflag:$0xA] =	stream.linear.gather @!p2 [hbm4b:s8+s22], $0x2000, $0x38;
	[tilespmem:$0x1E280] =	vst v63  }
0xbc: {  	_ =	swait.ge [sflag:s14], $0x40  }
0xbd: {  	[sflag:s14] =	ssyncset.done $0x0  }
0xbe: {  	[sflag:s14] =	ssyncadd.s32 $0xFFFFFFC0  }
0xbf: {  	_ =	swait.ge [sflag:s16], $0x2000  }
0xc0: {  	[sflag:s16] =	ssyncset.done $0x0  }
0xc1: {  	s23 =	simm.s32 $0x14280;
	[sflag:s16] =	ssyncadd.s32 $0xFFFFE000  }
0xc2: {  	[spmem:s2] =	stream.indirect.scatter.add.f32 [tilespmem:s23], [sflag:$0xB], $0x80, s24, s17, $0xb8;
	[tilespmem:$0x1E280] =	vst v63  }
0xc3: {  	_ =	swait.ge [sflag:s18], $0x40  }
0xc4: {  	[sflag:s18] =	ssyncset.done $0x0  }
0xc5: {  	[sflag:s18] =	ssyncadd.s32 $0xFFFFFFC0  }
0xc6: {  	_ =	swait.ge [sflag:s19], $0x2000  }
0xc7: {  	[sflag:s19] =	ssyncset.done $0x0  }
0xc8: {  	[sflag:s19] =	ssyncadd.s32 $0xFFFFE000  }
0xc9: {  	[spmem:s2] =	stream.indirect.scatter.add.f32 [tilespmem:s29], [sflag:$0xC], $0x80, s28, s17, $0xb8;
	[tilespmem:$0x1E280] =	vst v63  }
0xca: {  	_ =	swait.ge [sflag:s20], $0x40  }
0xcb: {  	[sflag:s20] =	ssyncset.done $0x0  }
0xcc: {  	[sflag:s20] =	ssyncadd.s32 $0xFFFFFFC0  }
0xcd: {  	_ =	swait.ge [sflag:s9], $0x2000  }
0xce: {  	[sflag:s9] =	ssyncset.done $0x0  }
0xcf: {  	[sflag:s9] =	ssyncadd.s32 $0xFFFFE000  }
0xd0: {  	[spmem:s2] =	stream.indirect.scatter.add.f32 [tilespmem:s31], [sflag:$0xD], $0x80, s30, s17, $0xb8;
	[tilespmem:$0x1E280] =	vst v63  }
0xd1: {  	_ =	swait.ge [sflag:s11], $0x40  }
0xd2: {  	[sflag:s11] =	ssyncset.done $0x0  }
0xd3: {  	[sflag:s11] =	ssyncadd.s32 $0xFFFFFFC0  }
0xd4: {  	_ =	swait.ge [sflag:s13], $0x2000  }
0xd5: {  	[sflag:s13] =	ssyncset.done $0x0  }
0xd6: {  	[sflag:s13] =	ssyncadd.s32 $0xFFFFE000  }
0xd7: {  	[spmem:s2] =	stream.indirect.scatter.add.f32 [tilespmem:s3], [sflag:$0xE], $0x80, s0, s17, $0xb8;
	[tilespmem:$0x1E280] =	vst v63  }
0xd8: {  	_ =	swait.ge [sflag:s15], $0x40  }
0xd9: {  	[sflag:s15] =	ssyncset.done $0x0  }
0xda: {  	[sflag:s15] =	ssyncadd.s32 $0xFFFFFFC0  }
0xdb: {  	p3 =	por $0x0, $0x0;
	s8 =	simm.s32 $0x28;
	_ =	swait.ge [sflag:s7], $0x2000  }
0xdc: {  	s21 =	simm.s32 $0x50;
	s22 =	sadd.s32 $0x1400, s1;
	[sflag:s7] =	ssyncset.done $0x0  }
.LBB2_3:
0xdd: {  	s23 =	simm.s32 @!p3 $0xB  }
0xde: {  	[sflag:s7] =	ssyncadd.s32 $0xFFFFE000;
	s5 =	smov.u32 s21;
	s21 =	sadd.s32 $0x28, s21  }
0xdf: {  	[spmem:s2] =	stream.indirect.scatter.add.f32 [tilespmem:s12], [sflag:$0xF], $0x80, s10, s17, $0xb8;
	[tilespmem:$0x1E280] =	vst v63  }
0xe0: {  	p2 =	sne.s32 s21, $0x4E20;
	_ =	swait.ge @!p3 [sflag:s23], $0x2000  }
0xe1: {  	s24 =	simm.s32 @!p3 $0x14000;
	[sflag:s23] =	ssyncset.done @!p3 $0x0  }
0xe2: {  	s8 =	sadd.s32 @!p3 s8, s25;
	[sflag:s23] =	ssyncadd.s32 @!p3 $0xFFFFE000;
	s23 =	simm.s32 @!p3 $0x0  }
0xe3: {  	[tilespmem:s24], [sflag:$0x1] =	stream.linear.gather @!p3 [hbm4b:s8+s23], $0x40, $0x38;
	[tilespmem:$0x1E280] =	vst v63  }
0xe4: {  	s6 =	simm.s32 @!p3 $0xC;
	s4 =	sadd.s32 @!p3 $0x8, s8;
	s24 =	simm.s32 @!p3 $0x14280  }
0xe5: {  	[tilespmem:s24], [sflag:$0x6] =	stream.linear.gather @!p3 [hbm4b:s22+s23], $0x2000, $0x38;
	[tilespmem:$0x1E280] =	vst v63  }
0xe6: {  	s1 =	sadd.s32 @!p3 $0x18, s8;
	s24 =	sadd.s32 @!p3 $0x10, s8;
	_ =	swait.ge @!p3 [sflag:s6], $0x2000  }
0xe7: {  	s25 =	sadd.s32 @!p3 $0x20, s8;
	s8 =	smov.u32 s5;
	[sflag:s6] =	ssyncset.done @!p3 $0x0  }
0xe8: {  	s5 =	simm.s32 @!p3 $0x14080;
	[sflag:s6] =	ssyncadd.s32 @!p3 $0xFFFFE000  }
0xe9: {  	[tilespmem:s5], [sflag:$0x2] =	stream.linear.gather @!p3 [hbm4b:s4+s23], $0x40, $0x38;
	[tilespmem:$0x1E280] =	vst v63  }
0xea: {  	s6 =	simm.s32 @!p3 $0xD;
	s4 =	sadd.s32 @!p3 $0x400, s22;
	s5 =	simm.s32 @!p3 $0x16280  }
0xeb: {  	[tilespmem:s5], [sflag:$0x7] =	stream.linear.gather @!p3 [hbm4b:s4+s23], $0x2000, $0x38;
	[tilespmem:$0x1E280] =	vst v63  }
0xec: {  	_ =	swait.ge @!p3 [sflag:s6], $0x2000  }
0xed: {  	[sflag:s6] =	ssyncset.done @!p3 $0x0  }
0xee: {  	s4 =	simm.s32 @!p3 $0x14100;
	[sflag:s6] =	ssyncadd.s32 @!p3 $0xFFFFE000  }
0xef: {  	[tilespmem:s4], [sflag:$0x3] =	stream.linear.gather @!p3 [hbm4b:s24+s23], $0x40, $0x38;
	[tilespmem:$0x1E280] =	vst v63  }
0xf0: {  	s24 =	simm.s32 $0x14000  }
0xf1: {  	s5 =	simm.s32 @!p3 $0x18280;
	s6 =	simm.s32 @!p3 $0xE;
	s4 =	sadd.s32 @!p3 $0x800, s22  }
0xf2: {  	[tilespmem:s5], [sflag:$0x8] =	stream.linear.gather @!p3 [hbm4b:s4+s23], $0x2000, $0x38;
	[tilespmem:$0x1E280] =	vst v63  }
0xf3: {  	_ =	swait.ge @!p3 [sflag:s6], $0x2000  }
0xf4: {  	[sflag:s6] =	ssyncset.done @!p3 $0x0  }
0xf5: {  	s4 =	simm.s32 @!p3 $0x14180;
	[sflag:s6] =	ssyncadd.s32 @!p3 $0xFFFFE000  }
0xf6: {  	[tilespmem:s4], [sflag:$0x4] =	stream.linear.gather @!p3 [hbm4b:s1+s23], $0x40, $0x38;
	[tilespmem:$0x1E280] =	vst v63  }
0xf7: {  	s5 =	simm.s32 @!p3 $0xF;
	s1 =	sadd.s32 @!p3 $0xC00, s22;
	s4 =	simm.s32 @!p3 $0x1A280  }
0xf8: {  	[tilespmem:s4], [sflag:$0x9] =	stream.linear.gather @!p3 [hbm4b:s1+s23], $0x2000, $0x38;
	[tilespmem:$0x1E280] =	vst v63  }
0xf9: {  	_ =	swait.ge @!p3 [sflag:s5], $0x2000  }
0xfa: {  	[sflag:s5] =	ssyncset.done @!p3 $0x0  }
0xfb: {  	s1 =	simm.s32 @!p3 $0x14200;
	[sflag:s5] =	ssyncadd.s32 @!p3 $0xFFFFE000  }
0xfc: {  	[tilespmem:s1], [sflag:$0x5] =	stream.linear.gather @!p3 [hbm4b:s25+s23], $0x40, $0x38;
	[tilespmem:$0x1E280] =	vst v63  }
0xfd: {  	s25 =	smov.u32 s26  }
0xfe: {  	s4 =	simm.s32 @!p3 $0x1C280;
	s1 =	sadd.s32 @!p3 $0x1000, s22  }
0xff: {  	[tilespmem:s4], [sflag:$0xA] =	stream.linear.gather @!p3 [hbm4b:s1+s23], $0x2000, $0x38;
	[tilespmem:$0x1E280] =	vst v63  }
0x100: {  	s23 =	simm.s32 $0x14280  }
0x101: {  	_ =	swait.ge [sflag:s14], $0x40  }
0x102: {  	[sflag:s14] =	ssyncset.done $0x0  }
0x103: {  	[sflag:s14] =	ssyncadd.s32 $0xFFFFFFC0  }
0x104: {  	_ =	swait.ge [sflag:s16], $0x2000  }
0x105: {  	[sflag:s16] =	ssyncset.done $0x0  }
0x106: {  	[sflag:s16] =	ssyncadd.s32 $0xFFFFE000  }
0x107: {  	[spmem:s2] =	stream.indirect.scatter.add.f32 [tilespmem:s23], [sflag:$0xB], $0x80, s24, s17, $0xb8;
	[tilespmem:$0x1E280] =	vst v63  }
0x108: {  	_ =	swait.ge [sflag:s18], $0x40  }
0x109: {  	[sflag:s18] =	ssyncset.done $0x0  }
0x10a: {  	[sflag:s18] =	ssyncadd.s32 $0xFFFFFFC0  }
0x10b: {  	_ =	swait.ge [sflag:s19], $0x2000  }
0x10c: {  	[sflag:s19] =	ssyncset.done $0x0  }
0x10d: {  	[sflag:s19] =	ssyncadd.s32 $0xFFFFE000  }
0x10e: {  	[spmem:s2] =	stream.indirect.scatter.add.f32 [tilespmem:s29], [sflag:$0xC], $0x80, s28, s17, $0xb8;
	[tilespmem:$0x1E280] =	vst v63  }
0x10f: {  	_ =	swait.ge [sflag:s20], $0x40  }
0x110: {  	[sflag:s20] =	ssyncset.done $0x0  }
0x111: {  	[sflag:s20] =	ssyncadd.s32 $0xFFFFFFC0  }
0x112: {  	_ =	swait.ge [sflag:s9], $0x2000  }
0x113: {  	[sflag:s9] =	ssyncset.done $0x0  }
0x114: {  	[sflag:s9] =	ssyncadd.s32 $0xFFFFE000  }
0x115: {  	[spmem:s2] =	stream.indirect.scatter.add.f32 [tilespmem:s31], [sflag:$0xD], $0x80, s30, s17, $0xb8;
	[tilespmem:$0x1E280] =	vst v63  }
0x116: {  	_ =	swait.ge [sflag:s11], $0x40  }
0x117: {  	[sflag:s11] =	ssyncset.done $0x0  }
0x118: {  	[sflag:s11] =	ssyncadd.s32 $0xFFFFFFC0  }
0x119: {  	_ =	swait.ge [sflag:s13], $0x2000  }
0x11a: {  	[sflag:s13] =	ssyncset.done $0x0  }
0x11b: {  	[sflag:s13] =	ssyncadd.s32 $0xFFFFE000  }
0x11c: {  	[spmem:s2] =	stream.indirect.scatter.add.f32 [tilespmem:s3], [sflag:$0xE], $0x80, s0, s17, $0xb8;
	[tilespmem:$0x1E280] =	vst v63  }
.Ltmp3:
0x11d: {  	_ =	swait.ge [sflag:s15], $0x40;
	(pc) =	sbr.rel @p2 .LBB2_3-.Ltmp3, $4  }
0x11e: {  	[sflag:s15] =	ssyncset.done $0x0  }
0x11f: {  	[sflag:s15] =	ssyncadd.s32 $0xFFFFFFC0  }
0x120: {  	_ =	swait.ge [sflag:s7], $0x2000  }
0x121: {  	s22 =	sadd.s32 $0x1400, s22;
	p3 =	seq.s32 s8, $0x0;
	[sflag:s7] =	ssyncset.done $0x0  }
0x122: {  	s1 =	simm.s32 @!p3 $0xB;
	[sflag:s7] =	ssyncadd.s32 $0xFFFFE000  }
0x123: {  	[spmem:s2] =	stream.indirect.scatter.add.f32 [tilespmem:s12], [sflag:$0xF], $0x80, s10, s17, $0xb8;
	[tilespmem:$0x1E280] =	vst v63  }
0x124: {  	_ =	swait.ge @!p3 [sflag:s1], $0x2000  }
0x125: {  	s4 =	simm.s32 @!p3 $0x14000;
	[sflag:s1] =	ssyncset.done @!p3 $0x0  }
0x126: {  	s5 =	simm.s32 @!p3 $0x0;
	[sflag:s1] =	ssyncadd.s32 @!p3 $0xFFFFE000;
	s1 =	sadd.s32 @!p3 s8, s25  }
0x127: {  	[tilespmem:s4], [sflag:$0x1] =	stream.linear.gather @!p3 [hbm4b:s1+s5], $0x40, $0x38;
	[tilespmem:$0x1E280] =	vst v63  }
0x128: {  	s6 =	simm.s32 @!p3 $0xC;
	s4 =	simm.s32 @!p3 $0x14280  }
0x129: {  	[tilespmem:s4], [sflag:$0x6] =	stream.linear.gather @!p3 [hbm4b:s22+s5], $0x2000, $0x38;
	[tilespmem:$0x1E280] =	vst v63  }
0x12a: {  	_ =	swait.ge @!p3 [sflag:s6], $0x2000  }
0x12b: {  	[sflag:s6] =	ssyncset.done @!p3 $0x0  }
0x12c: {  	s4 =	sadd.s32 @!p3 $0x8, s1;
	[sflag:s6] =	ssyncadd.s32 @!p3 $0xFFFFE000;
	s6 =	simm.s32 @!p3 $0x14080  }
0x12d: {  	[tilespmem:s6], [sflag:$0x2] =	stream.linear.gather @!p3 [hbm4b:s4+s5], $0x40, $0x38;
	[tilespmem:$0x1E280] =	vst v63  }
0x12e: {  	s4 =	sadd.s32 @!p3 $0x400, s22;
	s6 =	simm.s32 @!p3 $0x16280  }
0x12f: {  	[tilespmem:s6], [sflag:$0x7] =	stream.linear.gather @!p3 [hbm4b:s4+s5], $0x2000, $0x38;
	[tilespmem:$0x1E280] =	vst v63  }
0x130: {  	s4 =	simm.s32 @!p3 $0xD  }
0x131: {  	_ =	swait.ge @!p3 [sflag:s4], $0x2000  }
0x132: {  	[sflag:s4] =	ssyncset.done @!p3 $0x0  }
0x133: {  	s6 =	sadd.s32 @!p3 $0x10, s1;
	[sflag:s4] =	ssyncadd.s32 @!p3 $0xFFFFE000;
	s4 =	simm.s32 @!p3 $0x14100  }
0x134: {  	[tilespmem:s4], [sflag:$0x3] =	stream.linear.gather @!p3 [hbm4b:s6+s5], $0x40, $0x38;
	[tilespmem:$0x1E280] =	vst v63  }
0x135: {  	s4 =	sadd.s32 @!p3 $0x800, s22;
	s6 =	simm.s32 @!p3 $0x18280  }
0x136: {  	[tilespmem:s6], [sflag:$0x8] =	stream.linear.gather @!p3 [hbm4b:s4+s5], $0x2000, $0x38;
	[tilespmem:$0x1E280] =	vst v63  }
0x137: {  	s4 =	simm.s32 @!p3 $0xE  }
0x138: {  	_ =	swait.ge @!p3 [sflag:s4], $0x2000  }
0x139: {  	[sflag:s4] =	ssyncset.done @!p3 $0x0  }
0x13a: {  	s6 =	sadd.s32 @!p3 $0x18, s1;
	[sflag:s4] =	ssyncadd.s32 @!p3 $0xFFFFE000;
	s4 =	simm.s32 @!p3 $0x14180  }
0x13b: {  	[tilespmem:s4], [sflag:$0x4] =	stream.linear.gather @!p3 [hbm4b:s6+s5], $0x40, $0x38;
	[tilespmem:$0x1E280] =	vst v63  }
0x13c: {  	s4 =	sadd.s32 @!p3 $0xC00, s22;
	s6 =	simm.s32 @!p3 $0x1A280  }
0x13d: {  	[tilespmem:s6], [sflag:$0x9] =	stream.linear.gather @!p3 [hbm4b:s4+s5], $0x2000, $0x38;
	[tilespmem:$0x1E280] =	vst v63  }
0x13e: {  	s4 =	simm.s32 @!p3 $0xF  }
0x13f: {  	_ =	swait.ge @!p3 [sflag:s4], $0x2000  }
0x140: {  	[sflag:s4] =	ssyncset.done @!p3 $0x0  }
0x141: {  	s1 =	sadd.s32 @!p3 $0x20, s1;
	[sflag:s4] =	ssyncadd.s32 @!p3 $0xFFFFE000;
	s4 =	simm.s32 @!p3 $0x14200  }
0x142: {  	[tilespmem:s4], [sflag:$0x5] =	stream.linear.gather @!p3 [hbm4b:s1+s5], $0x40, $0x38;
	[tilespmem:$0x1E280] =	vst v63  }
0x143: {  	s1 =	sadd.s32 @!p3 $0x1000, s22;
	s4 =	simm.s32 @!p3 $0x1C280  }
0x144: {  	[tilespmem:s4], [sflag:$0xA] =	stream.linear.gather @!p3 [hbm4b:s1+s5], $0x2000, $0x38;
	[tilespmem:$0x1E280] =	vst v63  }
0x145: {  	_ =	swait.ge [sflag:s14], $0x40  }
0x146: {  	[sflag:s14] =	ssyncset.done $0x0  }
0x147: {  	[sflag:s14] =	ssyncadd.s32 $0xFFFFFFC0  }
0x148: {  	_ =	swait.ge [sflag:s16], $0x2000  }
0x149: {  	[sflag:s16] =	ssyncset.done $0x0  }
0x14a: {  	[sflag:s16] =	ssyncadd.s32 $0xFFFFE000  }
0x14b: {  	[spmem:s2] =	stream.indirect.scatter.add.f32 [tilespmem:s23], [sflag:$0xB], $0x80, s24, s17, $0xb8;
	[tilespmem:$0x1E280] =	vst v63  }
0x14c: {  	_ =	swait.ge [sflag:s18], $0x40  }
0x14d: {  	[sflag:s18] =	ssyncset.done $0x0  }
0x14e: {  	[sflag:s18] =	ssyncadd.s32 $0xFFFFFFC0  }
0x14f: {  	_ =	swait.ge [sflag:s19], $0x2000  }
0x150: {  	[sflag:s19] =	ssyncset.done $0x0  }
0x151: {  	[sflag:s19] =	ssyncadd.s32 $0xFFFFE000  }
0x152: {  	[spmem:s2] =	stream.indirect.scatter.add.f32 [tilespmem:s29], [sflag:$0xC], $0x80, s28, s17, $0xb8;
	[tilespmem:$0x1E280] =	vst v63  }
0x153: {  	_ =	swait.ge [sflag:s20], $0x40  }
0x154: {  	[sflag:s20] =	ssyncset.done $0x0  }
0x155: {  	[sflag:s20] =	ssyncadd.s32 $0xFFFFFFC0  }
0x156: {  	_ =	swait.ge [sflag:s9], $0x2000  }
0x157: {  	[sflag:s9] =	ssyncset.done $0x0  }
0x158: {  	[sflag:s9] =	ssyncadd.s32 $0xFFFFE000  }
0x159: {  	[spmem:s2] =	stream.indirect.scatter.add.f32 [tilespmem:s31], [sflag:$0xD], $0x80, s30, s17, $0xb8;
	[tilespmem:$0x1E280] =	vst v63  }
0x15a: {  	_ =	swait.ge [sflag:s11], $0x40  }
0x15b: {  	[sflag:s11] =	ssyncset.done $0x0  }
0x15c: {  	[sflag:s11] =	ssyncadd.s32 $0xFFFFFFC0  }
0x15d: {  	_ =	swait.ge [sflag:s13], $0x2000  }
0x15e: {  	[sflag:s13] =	ssyncset.done $0x0  }
0x15f: {  	[sflag:s13] =	ssyncadd.s32 $0xFFFFE000  }
0x160: {  	[spmem:s2] =	stream.indirect.scatter.add.f32 [tilespmem:s3], [sflag:$0xE], $0x80, s0, s17, $0xb8;
	[tilespmem:$0x1E280] =	vst v63  }
0x161: {  	_ =	swait.ge [sflag:s15], $0x40  }
0x162: {  	[sflag:s15] =	ssyncset.done $0x0  }
0x163: {  	[sflag:s15] =	ssyncadd.s32 $0xFFFFFFC0  }
0x164: {  	_ =	swait.ge [sflag:s7], $0x2000  }
0x165: {  	[sflag:s7] =	ssyncset.done $0x0  }
0x166: {  	s5 =	simm.s32 $0xB;
	[sflag:s7] =	ssyncadd.s32 $0xFFFFE000  }
0x167: {  	[spmem:s2] =	stream.indirect.scatter.add.f32 [tilespmem:s12], [sflag:$0xF], $0x80, s10, s17, $0xb8;
	[tilespmem:$0x1E280] =	vst v63  }
0x168: {  	_ =	swait.ge [sflag:s5], $0x2000  }
0x169: {  	[sflag:s5] =	ssyncset.done $0x0  }
0x16a: {  	s6 =	simm.s32 $0xC;
	[sflag:s5] =	ssyncadd.s32 $0xFFFFE000  }
0x16b: {  	_ =	swait.ge [sflag:s6], $0x2000  }
0x16c: {  	[sflag:s6] =	ssyncset.done $0x0  }
0x16d: {  	s8 =	simm.s32 $0xD;
	[sflag:s6] =	ssyncadd.s32 $0xFFFFE000  }
0x16e: {  	_ =	swait.ge [sflag:s8], $0x2000  }
0x16f: {  	[sflag:s8] =	ssyncset.done $0x0  }
0x170: {  	s21 =	simm.s32 $0xE;
	[sflag:s8] =	ssyncadd.s32 $0xFFFFE000  }
0x171: {  	_ =	swait.ge [sflag:s21], $0x2000  }
0x172: {  	[sflag:s21] =	ssyncset.done $0x0  }
0x173: {  	s22 =	simm.s32 $0xF;
	[sflag:s21] =	ssyncadd.s32 $0xFFFFE000  }
0x174: {  	_ =	swait.ge [sflag:s22], $0x2000  }
0x175: {  	s4 =	rddreg [dreg:$0x4]  }
0x176: {  	[sflag:s22] =	ssyncset.done $0x0;
	s5 =	rddreg [dreg:$0x8]  }
0x177: {  	s8 =	simm.s32 $0x10;
	s6 =	rddreg [dreg:$0x17];
	[sflag:s22] =	ssyncadd.s32 $0xFFFFE000  }
.LBB2_5:
.Ltmp4:
0x178: {  	(pc) =	sbr.rel @!p0 .LBB2_9-.Ltmp4, $1  }
0x179: {  	_ =	sdelay $0x3  }
0x17a: {  	s1 =	simm.s32 $0x0  }
0x17b: {  	[tilespmem:s24], [sflag:$0x1] =	stream.linear.gather [hbm4b:s25+s1], $0x40, $0x38;
	[tilespmem:$0x1E280] =	vst v63  }
0x17c: {  	s22 =	rddreg [dreg:$0x6]  }
0x17d: {  	[tilespmem:s23], [sflag:$0x6] =	stream.linear.gather [hbm4b:s22+s1], $0x2000, $0x38;
	[tilespmem:$0x1E280] =	vst v63  }
0x17e: {  	s5 =	rddreg [dreg:$0x9]  }
0x17f: {  	[tilespmem:s28], [sflag:$0x2] =	stream.linear.gather [hbm4b:s5+s1], $0x40, $0x38;
	[tilespmem:$0x1E280] =	vst v63  }
0x180: {  	s6 =	rddreg [dreg:$0x11]  }
0x181: {  	[tilespmem:s29], [sflag:$0x7] =	stream.linear.gather [hbm4b:s6+s1], $0x2000, $0x38;
	[tilespmem:$0x1E280] =	vst v63  }
0x182: {  	s8 =	rddreg [dreg:$0xb]  }
0x183: {  	[tilespmem:s30], [sflag:$0x3] =	stream.linear.gather [hbm4b:s8+s1], $0x40, $0x38;
	[tilespmem:$0x1E280] =	vst v63  }
0x184: {  	s21 =	rddreg [dreg:$0x12]  }
0x185: {  	[tilespmem:s31], [sflag:$0x8] =	stream.linear.gather [hbm4b:s21+s1], $0x2000, $0x38;
	[tilespmem:$0x1E280] =	vst v63  }
0x186: {  	s5 =	rddreg [dreg:$0xd]  }
0x187: {  	[tilespmem:s0], [sflag:$0x4] =	stream.linear.gather [hbm4b:s5+s1], $0x40, $0x38;
	[tilespmem:$0x1E280] =	vst v63  }
0x188: {  	s6 =	rddreg [dreg:$0x13]  }
0x189: {  	[tilespmem:s3], [sflag:$0x9] =	stream.linear.gather [hbm4b:s6+s1], $0x2000, $0x38;
	[tilespmem:$0x1E280] =	vst v63  }
0x18a: {  	s8 =	rddreg [dreg:$0xf]  }
0x18b: {  	[tilespmem:s10], [sflag:$0x5] =	stream.linear.gather [hbm4b:s8+s1], $0x40, $0x38;
	[tilespmem:$0x1E280] =	vst v63  }
0x18c: {  	p2 =	por $0x1, $0x1;
	s21 =	rddreg [dreg:$0x14]  }
0x18d: {  	[tilespmem:s12], [sflag:$0xA] =	stream.linear.gather [hbm4b:s21+s1], $0x2000, $0x38;
	[tilespmem:$0x1E280] =	vst v63  }
0x18e: {  	[dreg:$0x4] =	wrdreg s4;
	s1 =	simm.s32 @!p2 $0xB  }
0x18f: {  	_ =	swait.ge @!p2 [sflag:s1], $0x2000  }
0x190: {  	s4 =	simm.s32 @!p2 $0x14000;
	[sflag:s1] =	ssyncset.done @!p2 $0x0  }
0x191: {  	s5 =	simm.s32 @!p2 $0x0;
	[sflag:s1] =	ssyncadd.s32 @!p2 $0xFFFFE000;
	s1 =	sadd.s32 @!p2 $0x0, s25  }
0x192: {  	[tilespmem:s4], [sflag:$0x1] =	stream.linear.gather @!p2 [hbm4b:s1+s5], $0x40, $0x38;
	[tilespmem:$0x1E280] =	vst v63  }
0x193: {  	s6 =	simm.s32 @!p2 $0xC;
	s4 =	simm.s32 @!p2 $0x14280  }
0x194: {  	[tilespmem:s4], [sflag:$0x6] =	stream.linear.gather @!p2 [hbm4b:s22+s5], $0x2000, $0x38;
	[tilespmem:$0x1E280] =	vst v63  }
0x195: {  	_ =	swait.ge @!p2 [sflag:s6], $0x2000  }
0x196: {  	[sflag:s6] =	ssyncset.done @!p2 $0x0  }
0x197: {  	s4 =	sadd.s32 @!p2 $0x8, s1;
	[sflag:s6] =	ssyncadd.s32 @!p2 $0xFFFFE000;
	s6 =	simm.s32 @!p2 $0x14080  }
0x198: {  	[tilespmem:s6], [sflag:$0x2] =	stream.linear.gather @!p2 [hbm4b:s4+s5], $0x40, $0x38;
	[tilespmem:$0x1E280] =	vst v63  }
0x199: {  	s4 =	sadd.s32 @!p2 $0x400, s22;
	s6 =	simm.s32 @!p2 $0x16280  }
0x19a: {  	[tilespmem:s6], [sflag:$0x7] =	stream.linear.gather @!p2 [hbm4b:s4+s5], $0x2000, $0x38;
	[tilespmem:$0x1E280] =	vst v63  }
0x19b: {  	s4 =	simm.s32 @!p2 $0xD  }
0x19c: {  	_ =	swait.ge @!p2 [sflag:s4], $0x2000  }
0x19d: {  	[sflag:s4] =	ssyncset.done @!p2 $0x0  }
0x19e: {  	s6 =	sadd.s32 @!p2 $0x10, s1;
	[sflag:s4] =	ssyncadd.s32 @!p2 $0xFFFFE000;
	s4 =	simm.s32 @!p2 $0x14100  }
0x19f: {  	[tilespmem:s4], [sflag:$0x3] =	stream.linear.gather @!p2 [hbm4b:s6+s5], $0x40, $0x38;
	[tilespmem:$0x1E280] =	vst v63  }
0x1a0: {  	s4 =	sadd.s32 @!p2 $0x800, s22;
	s6 =	simm.s32 @!p2 $0x18280  }
0x1a1: {  	[tilespmem:s6], [sflag:$0x8] =	stream.linear.gather @!p2 [hbm4b:s4+s5], $0x2000, $0x38;
	[tilespmem:$0x1E280] =	vst v63  }
0x1a2: {  	s4 =	simm.s32 @!p2 $0xE  }
0x1a3: {  	_ =	swait.ge @!p2 [sflag:s4], $0x2000  }
0x1a4: {  	[sflag:s4] =	ssyncset.done @!p2 $0x0  }
0x1a5: {  	s6 =	sadd.s32 @!p2 $0x18, s1;
	[sflag:s4] =	ssyncadd.s32 @!p2 $0xFFFFE000;
	s4 =	simm.s32 @!p2 $0x14180  }
0x1a6: {  	[tilespmem:s4], [sflag:$0x4] =	stream.linear.gather @!p2 [hbm4b:s6+s5], $0x40, $0x38;
	[tilespmem:$0x1E280] =	vst v63  }
0x1a7: {  	s4 =	sadd.s32 @!p2 $0xC00, s22;
	s6 =	simm.s32 @!p2 $0x1A280  }
0x1a8: {  	[tilespmem:s6], [sflag:$0x9] =	stream.linear.gather @!p2 [hbm4b:s4+s5], $0x2000, $0x38;
	[tilespmem:$0x1E280] =	vst v63  }
0x1a9: {  	s4 =	simm.s32 @!p2 $0xF  }
0x1aa: {  	_ =	swait.ge @!p2 [sflag:s4], $0x2000  }
0x1ab: {  	[sflag:s4] =	ssyncset.done @!p2 $0x0  }
0x1ac: {  	s1 =	sadd.s32 @!p2 $0x20, s1;
	[sflag:s4] =	ssyncadd.s32 @!p2 $0xFFFFE000;
	s4 =	simm.s32 @!p2 $0x14200  }
0x1ad: {  	[tilespmem:s4], [sflag:$0x5] =	stream.linear.gather @!p2 [hbm4b:s1+s5], $0x40, $0x38;
	[tilespmem:$0x1E280] =	vst v63  }
0x1ae: {  	s1 =	sadd.s32 @!p2 $0x1000, s22;
	s4 =	simm.s32 @!p2 $0x1C280  }
0x1af: {  	[tilespmem:s4], [sflag:$0xA] =	stream.linear.gather @!p2 [hbm4b:s1+s5], $0x2000, $0x38;
	[tilespmem:$0x1E280] =	vst v63  }
0x1b0: {  	_ =	swait.ge [sflag:s14], $0x40  }
0x1b1: {  	[sflag:s14] =	ssyncset.done $0x0  }
0x1b2: {  	[sflag:s14] =	ssyncadd.s32 $0xFFFFFFC0  }
0x1b3: {  	_ =	swait.ge [sflag:s16], $0x2000  }
0x1b4: {  	[sflag:s16] =	ssyncset.done $0x0  }
0x1b5: {  	[sflag:s16] =	ssyncadd.s32 $0xFFFFE000  }
0x1b6: {  	[spmem:s2] =	stream.indirect.scatter.add.f32 [tilespmem:s23], [sflag:$0xB], $0x80, s24, s17, $0xb8;
	[tilespmem:$0x1E280] =	vst v63  }
0x1b7: {  	_ =	swait.ge [sflag:s18], $0x40  }
0x1b8: {  	[sflag:s18] =	ssyncset.done $0x0  }
0x1b9: {  	[sflag:s18] =	ssyncadd.s32 $0xFFFFFFC0  }
0x1ba: {  	_ =	swait.ge [sflag:s19], $0x2000  }
0x1bb: {  	[sflag:s19] =	ssyncset.done $0x0  }
0x1bc: {  	[sflag:s19] =	ssyncadd.s32 $0xFFFFE000  }
0x1bd: {  	[spmem:s2] =	stream.indirect.scatter.add.f32 [tilespmem:s29], [sflag:$0xC], $0x80, s28, s17, $0xb8;
	[tilespmem:$0x1E280] =	vst v63  }
0x1be: {  	_ =	swait.ge [sflag:s20], $0x40  }
0x1bf: {  	[sflag:s20] =	ssyncset.done $0x0  }
0x1c0: {  	[sflag:s20] =	ssyncadd.s32 $0xFFFFFFC0  }
0x1c1: {  	_ =	swait.ge [sflag:s9], $0x2000  }
0x1c2: {  	[sflag:s9] =	ssyncset.done $0x0  }
0x1c3: {  	[sflag:s9] =	ssyncadd.s32 $0xFFFFE000  }
0x1c4: {  	[spmem:s2] =	stream.indirect.scatter.add.f32 [tilespmem:s31], [sflag:$0xD], $0x80, s30, s17, $0xb8;
	[tilespmem:$0x1E280] =	vst v63  }
0x1c5: {  	_ =	swait.ge [sflag:s11], $0x40  }
0x1c6: {  	[sflag:s11] =	ssyncset.done $0x0  }
0x1c7: {  	[sflag:s11] =	ssyncadd.s32 $0xFFFFFFC0  }
0x1c8: {  	_ =	swait.ge [sflag:s13], $0x2000  }
0x1c9: {  	[sflag:s13] =	ssyncset.done $0x0  }
0x1ca: {  	[sflag:s13] =	ssyncadd.s32 $0xFFFFE000  }
0x1cb: {  	[spmem:s2] =	stream.indirect.scatter.add.f32 [tilespmem:s3], [sflag:$0xE], $0x80, s0, s17, $0xb8;
	[tilespmem:$0x1E280] =	vst v63  }
0x1cc: {  	_ =	swait.ge [sflag:s15], $0x40  }
0x1cd: {  	[sflag:s15] =	ssyncset.done $0x0  }
0x1ce: {  	[sflag:s15] =	ssyncadd.s32 $0xFFFFFFC0  }
0x1cf: {  	p3 =	por $0x0, $0x0;
	s8 =	simm.s32 $0x28;
	_ =	swait.ge [sflag:s7], $0x2000  }
0x1d0: {  	s21 =	simm.s32 $0x50;
	s22 =	sadd.s32 $0x1400, s22;
	[sflag:s7] =	ssyncset.done $0x0  }
.LBB2_7:
0x1d1: {  	s1 =	simm.s32 @!p3 $0xB  }
0x1d2: {  	[sflag:s7] =	ssyncadd.s32 $0xFFFFE000;
	s4 =	smov.u32 s21;
	s21 =	sadd.s32 $0x28, s21  }
0x1d3: {  	[spmem:s2] =	stream.indirect.scatter.add.f32 [tilespmem:s12], [sflag:$0xF], $0x80, s10, s17, $0xb8;
	[tilespmem:$0x1E280] =	vst v63  }
0x1d4: {  	p2 =	sne.s32 s21, $0x4E20;
	_ =	swait.ge @!p3 [sflag:s1], $0x2000  }
0x1d5: {  	s5 =	simm.s32 @!p3 $0x14000;
	[sflag:s1] =	ssyncset.done @!p3 $0x0  }
0x1d6: {  	s23 =	simm.s32 @!p3 $0x0;
	[sflag:s1] =	ssyncadd.s32 @!p3 $0xFFFFE000;
	s1 =	sadd.s32 @!p3 s8, s25  }
0x1d7: {  	[tilespmem:s5], [sflag:$0x1] =	stream.linear.gather @!p3 [hbm4b:s1+s23], $0x40, $0x38;
	[tilespmem:$0x1E280] =	vst v63  }
0x1d8: {  	s6 =	simm.s32 @!p3 $0xC;
	s5 =	simm.s32 @!p3 $0x14280;
	s24 =	sadd.s32 @!p3 $0x8, s1  }
0x1d9: {  	[tilespmem:s5], [sflag:$0x6] =	stream.linear.gather @!p3 [hbm4b:s22+s23], $0x2000, $0x38;
	[tilespmem:$0x1E280] =	vst v63  }
0x1da: {  	s25 =	sadd.s32 @!p3 $0x18, s1;
	s5 =	sadd.s32 @!p3 $0x10, s1;
	_ =	swait.ge @!p3 [sflag:s6], $0x2000  }
0x1db: {  	s8 =	smov.u32 s4;
	s1 =	sadd.s32 @!p3 $0x20, s1;
	[sflag:s6] =	ssyncset.done @!p3 $0x0  }
0x1dc: {  	s4 =	simm.s32 @!p3 $0x14080;
	[sflag:s6] =	ssyncadd.s32 @!p3 $0xFFFFE000  }
0x1dd: {  	[tilespmem:s4], [sflag:$0x2] =	stream.linear.gather @!p3 [hbm4b:s24+s23], $0x40, $0x38;
	[tilespmem:$0x1E280] =	vst v63  }
0x1de: {  	s6 =	simm.s32 @!p3 $0x16280;
	s4 =	sadd.s32 @!p3 $0x400, s22;
	s24 =	simm.s32 @!p3 $0xD  }
0x1df: {  	[tilespmem:s6], [sflag:$0x7] =	stream.linear.gather @!p3 [hbm4b:s4+s23], $0x2000, $0x38;
	[tilespmem:$0x1E280] =	vst v63  }
0x1e0: {  	_ =	swait.ge @!p3 [sflag:s24], $0x2000  }
0x1e1: {  	[sflag:s24] =	ssyncset.done @!p3 $0x0  }
0x1e2: {  	s4 =	simm.s32 @!p3 $0x14100;
	[sflag:s24] =	ssyncadd.s32 @!p3 $0xFFFFE000;
	s24 =	simm.s32 $0x14000  }
0x1e3: {  	[tilespmem:s4], [sflag:$0x3] =	stream.linear.gather @!p3 [hbm4b:s5+s23], $0x40, $0x38;
	[tilespmem:$0x1E280] =	vst v63  }
0x1e4: {  	s6 =	simm.s32 @!p3 $0xE;
	s4 =	sadd.s32 @!p3 $0x800, s22;
	s5 =	simm.s32 @!p3 $0x18280  }
0x1e5: {  	[tilespmem:s5], [sflag:$0x8] =	stream.linear.gather @!p3 [hbm4b:s4+s23], $0x2000, $0x38;
	[tilespmem:$0x1E280] =	vst v63  }
0x1e6: {  	_ =	swait.ge @!p3 [sflag:s6], $0x2000  }
0x1e7: {  	[sflag:s6] =	ssyncset.done @!p3 $0x0  }
0x1e8: {  	s4 =	simm.s32 @!p3 $0x14180;
	[sflag:s6] =	ssyncadd.s32 @!p3 $0xFFFFE000  }
0x1e9: {  	[tilespmem:s4], [sflag:$0x4] =	stream.linear.gather @!p3 [hbm4b:s25+s23], $0x40, $0x38;
	[tilespmem:$0x1E280] =	vst v63  }
0x1ea: {  	s25 =	smov.u32 s26  }
0x1eb: {  	s5 =	simm.s32 @!p3 $0x1A280;
	s6 =	simm.s32 @!p3 $0xF;
	s4 =	sadd.s32 @!p3 $0xC00, s22  }
0x1ec: {  	[tilespmem:s5], [sflag:$0x9] =	stream.linear.gather @!p3 [hbm4b:s4+s23], $0x2000, $0x38;
	[tilespmem:$0x1E280] =	vst v63  }
0x1ed: {  	_ =	swait.ge @!p3 [sflag:s6], $0x2000  }
0x1ee: {  	[sflag:s6] =	ssyncset.done @!p3 $0x0  }
0x1ef: {  	s4 =	simm.s32 @!p3 $0x14200;
	[sflag:s6] =	ssyncadd.s32 @!p3 $0xFFFFE000  }
0x1f0: {  	[tilespmem:s4], [sflag:$0x5] =	stream.linear.gather @!p3 [hbm4b:s1+s23], $0x40, $0x38;
	[tilespmem:$0x1E280] =	vst v63  }
0x1f1: {  	s1 =	sadd.s32 @!p3 $0x1000, s22;
	s4 =	simm.s32 @!p3 $0x1C280  }
0x1f2: {  	[tilespmem:s4], [sflag:$0xA] =	stream.linear.gather @!p3 [hbm4b:s1+s23], $0x2000, $0x38;
	[tilespmem:$0x1E280] =	vst v63  }
0x1f3: {  	s23 =	simm.s32 $0x14280  }
0x1f4: {  	_ =	swait.ge [sflag:s14], $0x40  }
0x1f5: {  	[sflag:s14] =	ssyncset.done $0x0  }
0x1f6: {  	[sflag:s14] =	ssyncadd.s32 $0xFFFFFFC0  }
0x1f7: {  	_ =	swait.ge [sflag:s16], $0x2000  }
0x1f8: {  	[sflag:s16] =	ssyncset.done $0x0  }
0x1f9: {  	[sflag:s16] =	ssyncadd.s32 $0xFFFFE000  }
0x1fa: {  	[spmem:s2] =	stream.indirect.scatter.add.f32 [tilespmem:s23], [sflag:$0xB], $0x80, s24, s17, $0xb8;
	[tilespmem:$0x1E280] =	vst v63  }
0x1fb: {  	_ =	swait.ge [sflag:s18], $0x40  }
0x1fc: {  	[sflag:s18] =	ssyncset.done $0x0  }
0x1fd: {  	[sflag:s18] =	ssyncadd.s32 $0xFFFFFFC0  }
0x1fe: {  	_ =	swait.ge [sflag:s19], $0x2000  }
0x1ff: {  	[sflag:s19] =	ssyncset.done $0x0  }
0x200: {  	[sflag:s19] =	ssyncadd.s32 $0xFFFFE000  }
0x201: {  	[spmem:s2] =	stream.indirect.scatter.add.f32 [tilespmem:s29], [sflag:$0xC], $0x80, s28, s17, $0xb8;
	[tilespmem:$0x1E280] =	vst v63  }
0x202: {  	_ =	swait.ge [sflag:s20], $0x40  }
0x203: {  	[sflag:s20] =	ssyncset.done $0x0  }
0x204: {  	[sflag:s20] =	ssyncadd.s32 $0xFFFFFFC0  }
0x205: {  	_ =	swait.ge [sflag:s9], $0x2000  }
0x206: {  	[sflag:s9] =	ssyncset.done $0x0  }
0x207: {  	[sflag:s9] =	ssyncadd.s32 $0xFFFFE000  }
0x208: {  	[spmem:s2] =	stream.indirect.scatter.add.f32 [tilespmem:s31], [sflag:$0xD], $0x80, s30, s17, $0xb8;
	[tilespmem:$0x1E280] =	vst v63  }
0x209: {  	_ =	swait.ge [sflag:s11], $0x40  }
0x20a: {  	[sflag:s11] =	ssyncset.done $0x0  }
0x20b: {  	[sflag:s11] =	ssyncadd.s32 $0xFFFFFFC0  }
0x20c: {  	_ =	swait.ge [sflag:s13], $0x2000  }
0x20d: {  	[sflag:s13] =	ssyncset.done $0x0  }
0x20e: {  	[sflag:s13] =	ssyncadd.s32 $0xFFFFE000  }
0x20f: {  	[spmem:s2] =	stream.indirect.scatter.add.f32 [tilespmem:s3], [sflag:$0xE], $0x80, s0, s17, $0xb8;
	[tilespmem:$0x1E280] =	vst v63  }
.Ltmp5:
0x210: {  	_ =	swait.ge [sflag:s15], $0x40;
	(pc) =	sbr.rel @p2 .LBB2_7-.Ltmp5, $4  }
0x211: {  	[sflag:s15] =	ssyncset.done $0x0  }
0x212: {  	[sflag:s15] =	ssyncadd.s32 $0xFFFFFFC0  }
0x213: {  	_ =	swait.ge [sflag:s7], $0x2000  }
0x214: {  	s22 =	sadd.s32 $0x1400, s22;
	p3 =	seq.s32 s8, $0x0;
	[sflag:s7] =	ssyncset.done $0x0  }
.Ltmp6:
0x215: {  	_ = 	snop;
	(pc) =	sbr.rel .LBB2_8-.Ltmp6, $1  }
0x216: {  	_ =	sdelay $0x3  }
.LBB2_10:
0x217: {  	_ =	sfence.sel $0x180000  }
0x218: {  	[bflag:$0x0] =	sbarrier.arrive $0xFFFF  }
0x219: {  	_ =	strace $0x9000004A  }
0x21a: {  	s0 =	stileid.u32;
	[bflag:$0x2] =	sbarrier.arrive $0xFFFF  }
0x21b: {  	p0 =	sne.s32 s0, $0x0;
	s0 =	rddreg [dreg:$0x3]  }
0x21c: {  	s0 =	sadd.s32 @!p0 $0x100000, s0  }
0x21d: {  	[sflag:s0] =	ssyncadd.tile.s32 @!p0 $0x1;
	_ =	shalt  }
.Lfunc_end2:
_tile_overlayer_lowered:
.L_overlay_start_2:
0x21e: {  	(tag) =	ssettag $0x2  }
0x21f: {  	s0 =	rddreg [dreg:$0x0];
	s2 =	stileid.u32  }
0x220: {  	s1 =	rddreg [dreg:$0x1];
	p0 =	sne.s32 s2, $0x0  }
0x221: {  	s3 =	rddreg [dreg:$0x2];
	[bflag:$0x3] =	sbarrier.arrive $0xFFFF;
	s2 =	simm.s32 @!p0 $0x1C10  }
0x222: {  	[timem:s3], [sflag:s2] =	dma.local @!p0 [hbm:s0], s1  }
0x223: {  	s0 =	simm.s32 @!p0 $0x10  }
0x224: {  	_ =	swait.ge @!p0 [sflag:s0], s1  }
0x225: {  	s1 =	ssub.s32 @!p0 $0x0, s1;
	[sflag:s0] =	ssyncset.done @!p0 $0x0  }
0x226: {  	[sflag:s0] =	ssyncadd.s32 @!p0 s1  }
0x227: {  	[bflag:$0x3] =	sbarrier.arrive $0xFFFF  }
0x228: {  	_ =	shalt  }

// kernel: kernel.9.cloned.1.call-start
scs
__scs_entry_jumppad:
0x0: {  	(pc) =	sbr.rel $0x88, $3  }
0x1: {  	(tag) =	ssettag $0x0;
	lr =	simm.s32 $0x1  }
0x2: {  	[smem:$0x3F98] =	sst lr;
	_ =	strace $0xD0000000  }
0x3: {  	_ = 	snop  }
0x4: {  	_ = 	snop  }
0x5: {  	_ = 	snop  }
0x6: {  	_ = 	snop  }
0x7: {  	_ = 	snop  }
__scs_overlays_trampoline_lowered:
0x8: {  	[smem:$0x3FA7] =	sst s0  }
0x9: {  	[smem:$0x3FA8] =	sst s1  }
0xa: {  	[smem:$0x3FA9] =	sst s2  }
0xb: {  	[smem:$0x3FAA] =	sst s3  }
0xc: {  	[smem:$0x3FAB] =	sst s4  }
0xd: {  	[smem:$0x3FAC] =	sst s5  }
0xe: {  	[smem:$0x3FAD] =	sst s6  }
0xf: {  	[smem:$0x3FAE] =	sst s7  }
0x10: {  	[smem:$0x3FAF] =	sst s8  }
0x11: {  	[smem:$0x3FB0] =	sst s9;
	s0 =	simm.s32 @!p0 $0x0  }
0x12: {  	s1 =	sld [smem:$0x3F96];
	s0 =	simm.s32 @p0 $0x1  }
0x13: {  	[smem:$0x3FB1] =	sst s0;
	s0 =	simm.s32 @!p1 $0x0  }
0x14: {  	s2 =	sld [smem:$0x3F95];
	s0 =	simm.s32 @p1 $0x1  }
0x15: {  	[smem:$0x3FB2] =	sst s0;
	s0 =	simm.s32 @!p2 $0x0  }
0x16: {  	s3 =	sld [smem:$0x3FDB];
	s0 =	simm.s32 @p2 $0x1  }
0x17: {  	s4 =	simm.s32 $0x1BF5;
	[smem:$0x3FB4] =	sst s0  }
0x18: {  	s0 =	sld [smem:$0x3F97];
	_ =	swait.ge [sflag:s4], $0x0  }
0x19: {  	s7 =	sld [smem:$0x3F98]  }
0x1a: {  	s8 =	sadd.s32 $0xFFFFE003, lr  }
0x1b: {  	s9 =	sadd.s32 $0xFFFFFEF7, lr;
	s5 =	simm.s32 $0xFFFFFFFF;
	p2 =	slt.u32 s8, $0xFFFFF086  }
0x1c: {  	p1 =	slt.u32 s9, $0xF7A;
	s5 =	simm.s32 @!p2 $0x0  }
0x1d: {  	s5 =	simm.s32 @p1 $0x1;
	p0 =	seq.s32 s7, s2  }
0x1e: {  	s7 =	smul.u32 @!p0 $0xF7A, s2;
	p2 =	seq.s32 @!p0 s5, $0x0  }
0x1f: {  	s9 =	smul.u32 $0xF7A, s1;
	s8 =	simm.s32 @!p0 $0x1BF5;
	p2 =	por !p2, p0  }
0x20: {  	[sflag:s8] =	ssyncset.s32 @!p0 $0xFFFFF086;
	s6 =	sadd.s32 @!p0 s3, s7;
	s7 =	simm.s32 @!p0 $0x108  }
0x21: {  	s3 =	sadd.s32 s3, s9;
	s6 =	sadd.s32 @!p0 $0x88, s6;
	s7 =	simm.s32 @p2 $0x1082  }
0x22: {  	[simem:s7], [sflag:s8] =	dma.local @!p0 [hbm:s6], $0xF7A  }
0x23: {  	s9 =	sor.u32 $0xD0000000, s2;
	s6 =	simm.s32 $0x108;
	_ =	swait.ge @!p0 [sflag:s8], $0x0  }
0x24: {  	s3 =	sadd.s32 $0x88, s3;
	s6 =	simm.s32 @!p1 $0x1082;
	[sflag:s4] =	ssyncset.s32 $0xFFFFF086  }
0x25: {  	[simem:s6], [sflag:s4] =	dma.local [hbm:s3], $0xF7A  }
0x26: {  	[smem:$0x3F98] =	sst s1;
	(tag) =	ssettag s2;
	_ =	strace s9  }
0x27: {  	s1 =	sld [smem:$0x3FA8]  }
0x28: {  	s2 =	sld [smem:$0x3FA9]  }
0x29: {  	s4 =	sld [smem:$0x3FAB]  }
0x2a: {  	p0 =	seq.s32 s5, $0x0;
	s5 =	sld [smem:$0x3FAC]  }
0x2b: {  	s6 =	sld [smem:$0x3FAD]  }
0x2c: {  	s7 =	sld [smem:$0x3FAE]  }
0x2d: {  	s3 =	simm.s32 $0x108;
	s8 =	sld [smem:$0x3FAF]  }
0x2e: {  	s3 =	simm.s32 @!p0 $0x1082;
	s9 =	sld [smem:$0x3FB0]  }
0x2f: {  	lr =	sadd.s32 s0, s3;
	s0 =	sld [smem:$0x3FA7]  }
0x30: {  	s3 =	sld [smem:$0x3FAA]  }
0x31: {  	[smem:$0x3FB3] =	sst s10  }
0x32: {  	s10 =	sld [smem:$0x3FB1];
	_ =	sdelay $0x3  }
0x33: {  	p0 =	seq.s32 s10, $0x1;
	s10 =	sld [smem:$0x3FB3];
	_ =	sdelay $0x3  }
0x34: {  	[smem:$0x3FB3] =	sst s10  }
0x35: {  	s10 =	sld [smem:$0x3FB2];
	_ =	sdelay $0x3  }
0x36: {  	p1 =	seq.s32 s10, $0x1;
	s10 =	sld [smem:$0x3FB3];
	_ =	sdelay $0x3  }
0x37: {  	[smem:$0x3FB3] =	sst s10  }
0x38: {  	s10 =	sld [smem:$0x3FB4]  }
0x39: {  	_ = 	snop;
	(pc) =	sbr.ind lr, $3  }
0x3a: {  	_ = 	snop  }
0x3b: {  	_ = 	snop  }
0x3c: {  	p2 =	seq.s32 s10, $0x1;
	s10 =	sld [smem:$0x3FB3]  }
0x3d: {  	_ =	shalt  }
0x3e: {  	_ =	shalt  }
0x3f: {  	_ =	shalt  }
0x40: {  	_ =	shalt  }
0x41: {  	_ =	shalt  }
0x42: {  	_ =	shalt  }
0x43: {  	_ =	shalt  }
0x44: {  	_ =	shalt  }
0x45: {  	_ =	shalt  }
0x46: {  	_ =	shalt  }
0x47: {  	_ =	shalt  }
0x48: {  	_ =	shalt  }
0x49: {  	_ =	shalt  }
0x4a: {  	_ =	shalt  }
0x4b: {  	_ =	shalt  }
0x4c: {  	_ =	shalt  }
0x4d: {  	_ =	shalt  }
0x4e: {  	_ =	shalt  }
0x4f: {  	_ =	shalt  }
0x50: {  	_ =	shalt  }
0x51: {  	_ =	shalt  }
0x52: {  	_ =	shalt  }
0x53: {  	_ =	shalt  }
0x54: {  	_ =	shalt  }
0x55: {  	_ =	shalt  }
0x56: {  	_ =	shalt  }
0x57: {  	_ =	shalt  }
0x58: {  	_ =	shalt  }
0x59: {  	_ =	shalt  }
0x5a: {  	_ =	shalt  }
0x5b: {  	_ =	shalt  }
0x5c: {  	_ =	shalt  }
0x5d: {  	_ =	shalt  }
0x5e: {  	_ =	shalt  }
0x5f: {  	_ =	shalt  }
0x60: {  	_ =	shalt  }
0x61: {  	_ =	shalt  }
0x62: {  	_ =	shalt  }
0x63: {  	_ =	shalt  }
0x64: {  	_ =	shalt  }
0x65: {  	_ =	shalt  }
0x66: {  	_ =	shalt  }
0x67: {  	_ =	shalt  }
0x68: {  	_ =	shalt  }
0x69: {  	_ =	shalt  }
0x6a: {  	_ =	shalt  }
0x6b: {  	_ =	shalt  }
0x6c: {  	_ =	shalt  }
0x6d: {  	_ =	shalt  }
0x6e: {  	_ =	shalt  }
0x6f: {  	_ =	shalt  }
0x70: {  	_ =	shalt  }
0x71: {  	_ =	shalt  }
0x72: {  	_ =	shalt  }
0x73: {  	_ =	shalt  }
0x74: {  	_ =	shalt  }
0x75: {  	_ =	shalt  }
0x76: {  	_ =	shalt  }
0x77: {  	_ =	shalt  }
0x78: {  	_ =	shalt  }
0x79: {  	_ =	shalt  }
0x7a: {  	_ =	shalt  }
0x7b: {  	_ =	shalt  }
0x7c: {  	_ =	shalt  }
0x7d: {  	_ =	shalt  }
0x7e: {  	_ =	shalt  }
0x7f: {  	_ =	shalt  }
0x80: {  	_ =	shalt  }
0x81: {  	_ =	shalt  }
0x82: {  	_ =	shalt  }
0x83: {  	_ =	shalt  }
0x84: {  	_ =	shalt  }
0x85: {  	_ =	shalt  }
0x86: {  	_ =	shalt  }
0x87: {  	_ =	shalt  }
.Lfunc_end0:
.L_simem_size_0:
called_computation_lowered:
.L_overlay_start_0:
0x88: {  	s2 =	sld [smem:$0x3FD9]  }
0x89: {  	s3 =	sld [smem:$0x3FFE];
	_ =	sdelay $0x1  }
0x8a: {  	s1 =	srdreg.scid  }
0x8b: {  	s0 =	sand.u32 $0x1, s1  }
0x8c: {  	s17 =	sshll.u32 s0, $0xA;
	s2 =	sadd.s32 s3, s2  }
0x8d: {  	s2 =	sadd.s32 s2, s17  }
0x8e: {  	[smem:$0x3FBF] =	sst s2  }
0x8f: {  	_ = 	snop  }
0x90: {  	s2 =	sld [smem:$0x3FD0];
	(tm) =	ssettm $0x1  }
0x91: {  	s18 =	sld [smem:$0x3FFB];
	_ =	sdelay $0x3  }
0x92: {  	_ =	strace s18  }
0x93: {  	s3 =	sld [smem:$0x3FFC];
	_ =	sdelay $0x3  }
0x94: {  	_ =	strace s3  }
0x95: {  	s3 =	sld [smem:$0x3FFD];
	_ =	sdelay $0x3  }
0x96: {  	_ =	strace s3  }
0x97: {  	_ =	strace $0x8FFFFFFF  }
0x98: {  	s19 =	sld [smem:$0x3FDB];
	_ =	sdelay $0x1  }
0x99: {  	s4 =	simm.s32 $_scs_section_size  }
0x9a: {  	s5 =	simm.s32 $_size__tile_overlayer_lowered;
	s6 =	simm.s32 $_tile_overlayer_lowered  }
0x9b: {  	s22 =	simm.s32 $0x1BFF;
	s21 =	sshll.u32 s6, $0x1;
	s3 =	sadd.s32 s4, s19  }
0x9c: {  	s7 =	simm.s32 $0x0;
	s20 =	sshll.u32 s5, $0x1;
	s5 =	sadd.s32 s21, s3  }
0x9d: {  	[timem:s7], [sflag:s22] =	dma.local [hbm:s5], s20  }
0x9e: {  	_ =	swait.ge [sflag:s22], s20  }
0x9f: {  	s4 =	ssub.s32 $0x0, s20;
	[sflag:s22] =	ssyncset.done $0x0  }
0xa0: {  	[sflag:s22] =	ssyncadd.s32 s4;
	_ =	sdelay $0x1  }
0xa1: {  	s23 =	simm.s32 $0x1B8B  }
0xa2: {  	_ =	swait.ge [sflag:s23], $0x1  }
0xa3: {  	[sflag:s23] =	ssyncset.done $0x0  }
0xa4: {  	s25 =	simm.s32 $0x1B8E;
	s24 =	sld [smem:$0x3FFE];
	[sflag:s23] =	ssyncadd.s32 $0xFFFFFFFF  }
0xa5: {  	s26 =	simm.s32 $execute0_lowered;
	[smem:$0x3FD2] =	sst s25  }
0xa6: {  	s5 =	sshll.u32 s26, $0x1;
	_ =	strace $0x80000046;
	[dreg:$0x1] =	wrdreg $0xFFFFFFFF  }
0xa7: {  	s28 =	simm.s32 $_size_execute0_lowered;
	s3 =	sadd.s32 s3, s5;
	[dreg:$0x0] =	wrdreg $0x0  }
0xa8: {  	s5 =	sshll.u32 s28, $0x1;
	[dreg:$0x2] =	wrdreg s3  }
0xa9: {  	[dreg:$0x3] =	wrdreg s5  }
0xaa: {  	[dreg:$0x4] =	wrdreg $0xC0  }
0xab: {  	_ =	task [dreg:s7], $0x5FFFF  }
0xac: {  	[dreg:$0x1] =	wrdreg $0xFFFFFFFF  }
0xad: {  	[dreg:$0x0] =	wrdreg $0x60  }
0xae: {  	[dreg:$0x2] =	wrdreg s24  }
0xaf: {  	[dreg:$0x3] =	wrdreg s2  }
0xb0: {  	[dreg:$0x4] =	wrdreg $0x9  }
0xb1: {  	_ =	task.clear_ibuf [dreg:s7], $0x5FFFF;
	_ =	strace $0x90000046  }
0xb2: {  	s29 =	simm.s32 $0x9;
	_ =	strace $0x80000048  }
0xb3: {  	_ =	swait.ge [sflag:s29], $0x1  }
0xb4: {  	[sflag:s29] =	ssyncadd.s32 $0xFFFFFFFF  }
0xb5: {  	_ =	strace $0x90000048  }
0xb6: {  	_ =	sfence  }
0xb7: {  	s30 =	sld [smem:$0x0];
	_ =	sdelay $0x2  }
0xb8: {  	s31 =	sshll.u32 s1, $0xD;
	s1 =	sshrl.u32 s1, $0x2  }
0xb9: {  	s3 =	sand.u32 $0x4000, s31;
	s1 =	sadd.s32 s1, s30  }
0xba: {  	s0 =	sor.u32 s3, s0;
	s1 =	sshll.u32 s1, $0x11  }
0xbb: {  	s0 =	sor.u32 s1, s0  }
0xbc: {  	s0 =	sadd.s32 $0x8F2B, s0  }
0xbd: {  	[sflag:s0] =	ssyncadd.remote.s32 $0x1  }
0xbe: {  	_ =	sfence.sel $0xFFFF  }
0xbf: {  	[dreg:$0x0] =	wrdreg $0xFFFFFFFF;
	(pc) =	sbr.abs _section_cstart, $3  }
0xc0: {  	[dreg:$0x1] =	wrdreg $0xFFFFFFFF  }
0xc1: {  	_ =	task.clear_ibuf [dreg:s7], $0x2FFFF;
	_ =	strace $0x9FFFFFFF  }
0xc2: {  	(tm) =	ssettm $0x7FFFFFFF  }
0xc3: {  	_ =	shalt  }
tec
execute0_lowered:
.L_overlay_start_1:
0x0: {  	(tag) =	ssettag $0x1  }
0x1: {  	s0 =	rddreg [dreg:$0x0]  }
0x2: {  	s15 =	rddreg [dreg:$0x1];
	s3 =	simm.s32 $0x0;
	s1 =	srdreg.scid  }
0x3: {  	s14 =	stileid.u32;
	s28 =	simm.s32 $0x200;
	s29 =	simm.s32 $0xF200  }
0x4: {  	s31 =	simm.s32 $0x11200;
	[smem:$0x7FF] =	sst s3;
	s1 =	sand.u32 $0x1, s1  }
0x5: {  	s2 =	sshll.u32 s14, $0x1;
	s4 =	sadd.s32 $0x8200, s0;
	s13 =	smul.u32 $0x2710, s14  }
0x6: {  	s5 =	sadd.s32 $0xA4600, s0;
	s6 =	sadd.s32 $0x3200, s0;
	s24 =	smul.u32 $0x9C400, s14  }
0x7: {  	s7 =	sadd.s32 $0x140A00, s0;
	s2 =	sor.u32 s1, s2;
	s20 =	smul.u32 $0x1388, s1  }
0x8: {  	s8 =	sadd.s32 $0xB04A00, s0;
	s9 =	ssub.s32 $0x2, s1;
	s2 =	smul.u32 $0x1388, s2  }
0x9: {  	_ =	strace $0x80000047;
	s1 =	smul.u32 $0x4E200, s1;
	s10 =	sshrl.u32 s9, $0x1  }
0xa: {  	s26 =	sadd.s32 s24, s7;
	s9 =	ssub.s32 s9, s10;
	s11 =	sshrl.u32 s2, $0x3  }
0xb: {  	s12 =	sadd.s32 $0x28, s2;
	s2 =	sadd.s32 $0x1360, s2;
	s9 =	smax.u32 s9, $0x1  }
0xc: {  	s17 =	sadd.s32 s6, s11;
	s18 =	sshrl.u32 s12, $0x3;
	[dreg:$0xb] =	wrdreg s9  }
0xd: {  	s11 =	sadd.s32 s15, s11;
	s12 =	sadd.s32 $0xA4700, s0;
	[dreg:$0x3] =	wrdreg s17  }
0xe: {  	s21 =	sshrl.u32 s2, $0x3;
	s2 =	sshll.u32 s2, $0x6;
	[dreg:$0x4] =	wrdreg s11  }
0xf: {  	s19 =	sadd.s32 s6, s18;
	s10 =	sadd.s32 s15, s18;
	s11 =	sadd.s32 $0x8300, s0  }
0x10: {  	s16 =	sadd.s32 s6, s21;
	s0 =	sadd.s32 s15, s21;
	[dreg:$0x5] =	wrdreg s19  }
0x11: {  	s22 =	sadd.s32 s7, s2;
	s2 =	sadd.s32 s8, s2;
	[dreg:$0x6] =	wrdreg s10  }
0x12: {  	s21 =	sadd.s32 s1, s26;
	s26 =	simm.s32 $0x1;
	[dreg:$0x7] =	wrdreg s16  }
0x13: {  	s17 =	simm.s32 $0x12A00;
	s7 =	simm.s32 $0x3;
	[dreg:$0x8] =	wrdreg s0  }
0x14: {  	s18 =	simm.s32 $0x4;
	s10 =	sadd.s32 s20, s13;
	[dreg:$0x9] =	wrdreg s22  }
0x15: {  	[dreg:$0xa] =	wrdreg s2;
	s2 =	sadd.s32 s24, s8;
	s8 =	simm.s32 $0x100  }
0x16: {  	s13 =	simm.s32 $0xA200;
	s24 =	simm.s32 $0x2;
	s16 =	simm.s32 $0x11A00  }
.Ltmp0:
0x17: {  	s23 =	sadd.s32 $0x78, s10;
	s30 =	sadd.s32 $0x50, s10;
	(pc) =	sbr.rel .LBB2_1-.Ltmp0, $4  }
0x18: {  	s22 =	sadd.s32 s1, s2;
	s1 =	simm.s32 $0x13200;
	s0 =	sshrl.u32 s23, $0x3  }
0x19: {  	v2 =	vlaneseq.u32;
	s10 =	simm.s32 $0x0;
	[dreg:$0xe] =	wrdreg s30;
	s25 =	sadd.s32 s0, s15  }
0x1a: {  	vm0 =	vmmov $0xffff;
	v1 =	vshrl.u32 v2, $0x3;
	s23 =	simm.s32 $0x13A00;
	s0 =	sadd.s32 s0, s6;
	[dreg:$0xc] =	wrdreg s25  }
0x1b: {  	v0 =	vand.u32 $0x7, v2;
	v2 =	vor.u32 $0x8, v2;
	v1 =	vmul.u32 $0x8, v1;
	[dreg:$0xd] =	wrdreg s0;
	s25 =	simm.s32 $0x5200;
	s0 =	simm.s32 $0x12200  }
.LBB2_4:
0x1c: {  	s2 =	simm.s32 $0x5  }
0x1d: {  	_ =	swait.ge [sflag:s2], $0x5000  }
0x1e: {  	[sflag:s2] =	ssyncset.done $0x0  }
0x1f: {  	[sflag:s2] =	ssyncadd.s32 $0xFFFFB000  }
0x20: {  	_ =	swait.ge [sflag:s2], $0x5000  }
0x21: {  	[sflag:s2] =	ssyncset.done $0x0  }
0x22: {  	s19 =	simm.s32 $0x6;
	[sflag:s2] =	ssyncadd.s32 $0xFFFFB000  }
0x23: {  	_ =	swait.ge [sflag:s19], $0x5000  }
0x24: {  	[sflag:s19] =	ssyncset.done $0x0  }
0x25: {  	[sflag:s19] =	ssyncadd.s32 $0xFFFFB000  }
0x26: {  	_ =	swait.ge [sflag:s19], $0x5000  }
0x27: {  	[sflag:s19] =	ssyncset.done $0x0  }
0x28: {  	s20 =	rddreg [dreg:$0x7];
	[sflag:s19] =	ssyncadd.s32 $0xFFFFB000  }
0x29: {  	[tilespmem:s3], [sflag:$0x1] =	stream.linear.gather [hbm4b:s20+s3], $0x28, $0x38;
	[tilespmem:$0x14200] =	vst v63  }
0x2a: {  	s8 =	simm.s32 $0x100;
	s30 =	rddreg [dreg:$0x8]  }
0x2b: {  	[tilespmem:s8], [sflag:$0x1] =	stream.linear.gather [hbm4b:s30+s3], $0x28, $0x38;
	[tilespmem:$0x14200] =	vst v63  }
0x2c: {  	_ =	swait.ge [sflag:s26], $0x28  }
0x2d: {  	[sflag:s26] =	ssyncset.done $0x0  }
0x2e: {  	[sflag:s26] =	ssyncadd.s32 $0xFFFFFFD8  }
0x2f: {  	_ =	swait.ge [sflag:s26], $0x28  }
0x30: {  	[sflag:s26] =	ssyncset.done $0x0  }
0x31: {  	[sflag:s26] =	ssyncadd.s32 $0xFFFFFFD8  }
0x32: {  	v3 =	vld [tilespmem:$0x0];
	_ =	sdelay $0x4  }
0x33: {  	v4 =	vshll.u32 v3, $0x2  }
0x34: {  	v3 =	vand.u32 $0x7, v3;
	v4 =	vand.u32 $0xFFFFFFE0, v4  }
0x35: {  	v3 =	vor.u32 v3, v4  }
0x36: {  	v4 =	vperm.xlane v3, v0;
	_ =	sdelay $0x1  }
0x37: {  	v4 =	vadd.s32 v1, v4;
	_ =	sdelay $0x1  }
0x38: {  	v3 =	vperm.xlane v3, v2;
	_ =	sdelay $0x1  }
0x39: {  	v3 =	vadd.s32 v1, v3  }
0x3a: {  	[tilespmem:s28], [sflag:$0x3] =	stream.indirect_vreg.gather [hbm4b:s4+s3], $0x80, v4, vm0, $0xb8;
	[tilespmem:$0x14200] =	vst v63  }
0x3b: {  	s9 =	simm.s32 $0xA00  }
0x3c: {  	[tilespmem:s9], [sflag:$0x3] =	stream.indirect_vreg.gather [hbm4b:s11+s3], $0x80, v4, vm0, $0xb8;
	[tilespmem:$0x14200] =	vst v63  }
0x3d: {  	s10 =	simm.s32 $0x1200  }
0x3e: {  	[tilespmem:s10], [sflag:$0x3] =	stream.indirect_vreg.gather [hbm4b:s4+s3], $0x80, v3, vm0, $0xb8;
	[tilespmem:$0x14200] =	vst v63  }
0x3f: {  	s14 =	simm.s32 $0x1A00  }
0x40: {  	[tilespmem:s14], [sflag:$0x3] =	stream.indirect_vreg.gather [hbm4b:s11+s3], $0x80, v3, vm0, $0xb8;
	[tilespmem:$0x14200] =	vst v63  }
0x41: {  	v3 =	vld [tilespmem:$0x10];
	_ =	sdelay $0x4  }
0x42: {  	v59 =	vshll.u32 v3, $0x2  }
0x43: {  	v3 =	vand.u32 $0x7, v3;
	v4 =	vand.u32 $0xFFFFFFE0, v59  }
0x44: {  	v3 =	vor.u32 v3, v4  }
0x45: {  	v4 =	vperm.xlane v3, v0;
	_ =	sdelay $0x1  }
0x46: {  	v4 =	vadd.s32 v1, v4;
	_ =	sdelay $0x1  }
0x47: {  	v3 =	vperm.xlane v3, v2;
	_ =	sdelay $0x1  }
0x48: {  	s15 =	simm.s32 $0x2200;
	v3 =	vadd.s32 v1, v3  }
0x49: {  	[tilespmem:s15], [sflag:$0x3] =	stream.indirect_vreg.gather [hbm4b:s4+s3], $0x80, v4, vm0, $0xb8;
	[tilespmem:$0x14200] =	vst v63  }
0x4a: {  	s19 =	simm.s32 $0x2A00  }
0x4b: {  	[tilespmem:s19], [sflag:$0x3] =	stream.indirect_vreg.gather [hbm4b:s11+s3], $0x80, v4, vm0, $0xb8;
	[tilespmem:$0x14200] =	vst v63  }
0x4c: {  	s20 =	simm.s32 $0x3200  }
0x4d: {  	[tilespmem:s20], [sflag:$0x3] =	stream.indirect_vreg.gather [hbm4b:s4+s3], $0x80, v3, vm0, $0xb8;
	[tilespmem:$0x14200] =	vst v63  }
0x4e: {  	s30 =	simm.s32 $0x3A00  }
0x4f: {  	[tilespmem:s30], [sflag:$0x3] =	stream.indirect_vreg.gather [hbm4b:s11+s3], $0x80, v3, vm0, $0xb8;
	[tilespmem:$0x14200] =	vst v63  }
0x50: {  	v3 =	vld.msk [tilespmem:$0x20], $0xff;
	_ =	sdelay $0x4  }
0x51: {  	v60 =	vshll.u32 v3, $0x2  }
0x52: {  	v3 =	vand.u32 $0x7, v3;
	v4 =	vand.u32 $0xFFFFFFE0, v60  }
0x53: {  	v3 =	vor.u32 v3, v4  }
0x54: {  	v3 =	vperm.xlane v3, v0;
	_ =	sdelay $0x1  }
0x55: {  	v3 =	vadd.s32 v1, v3;
	_ =	sdelay $0x3  }
0x56: {  	s9 =	simm.s32 $0x4200  }
0x57: {  	[tilespmem:s9], [sflag:$0x3] =	stream.indirect_vreg.gather [hbm4b:s4+s3], $0x80, v3, vm0, $0xb8;
	[tilespmem:$0x14200] =	vst v63  }
0x58: {  	s10 =	simm.s32 $0x4A00  }
0x59: {  	[tilespmem:s10], [sflag:$0x3] =	stream.indirect_vreg.gather [hbm4b:s11+s3], $0x80, v3, vm0, $0xb8;
	[tilespmem:$0x14200] =	vst v63  }
0x5a: {  	v3 =	vld [tilespmem:$0x100];
	_ =	sdelay $0x4  }
0x5b: {  	v61 =	vshll.u32 v3, $0x2  }
0x5c: {  	v3 =	vand.u32 $0x7, v3;
	v4 =	vand.u32 $0xFFFFFFE0, v61  }
0x5d: {  	v3 =	vor.u32 v3, v4  }
0x5e: {  	v4 =	vperm.xlane v3, v0;
	_ =	sdelay $0x1  }
0x5f: {  	v4 =	vadd.s32 v1, v4;
	_ =	sdelay $0x1  }
0x60: {  	v3 =	vperm.xlane v3, v2;
	_ =	sdelay $0x1  }
0x61: {  	v3 =	vadd.s32 v1, v3  }
0x62: {  	[tilespmem:s13], [sflag:$0x3] =	stream.indirect_vreg.gather [hbm4b:s5+s3], $0x80, v4, vm0, $0xb8;
	[tilespmem:$0x14200] =	vst v63  }
0x63: {  	s14 =	simm.s32 $0xAA00  }
0x64: {  	[tilespmem:s14], [sflag:$0x3] =	stream.indirect_vreg.gather [hbm4b:s12+s3], $0x80, v4, vm0, $0xb8;
	[tilespmem:$0x14200] =	vst v63  }
0x65: {  	s15 =	simm.s32 $0xB200  }
0x66: {  	[tilespmem:s15], [sflag:$0x3] =	stream.indirect_vreg.gather [hbm4b:s5+s3], $0x80, v3, vm0, $0xb8;
	[tilespmem:$0x14200] =	vst v63  }
0x67: {  	s19 =	simm.s32 $0xBA00  }
0x68: {  	[tilespmem:s19], [sflag:$0x3] =	stream.indirect_vreg.gather [hbm4b:s12+s3], $0x80, v3, vm0, $0xb8;
	[tilespmem:$0x14200] =	vst v63  }
0x69: {  	v3 =	vld [tilespmem:$0x110];
	_ =	sdelay $0x4  }
0x6a: {  	v62 =	vshll.u32 v3, $0x2  }
0x6b: {  	v3 =	vand.u32 $0x7, v3;
	v4 =	vand.u32 $0xFFFFFFE0, v62  }
0x6c: {  	v3 =	vor.u32 v3, v4  }
0x6d: {  	v4 =	vperm.xlane v3, v0;
	_ =	sdelay $0x1  }
0x6e: {  	v4 =	vadd.s32 v1, v4;
	_ =	sdelay $0x1  }
0x6f: {  	v3 =	vperm.xlane v3, v2;
	_ =	sdelay $0x1  }
0x70: {  	s20 =	simm.s32 $0xC200;
	v3 =	vadd.s32 v1, v3  }
0x71: {  	[tilespmem:s20], [sflag:$0x3] =	stream.indirect_vreg.gather [hbm4b:s5+s3], $0x80, v4, vm0, $0xb8;
	[tilespmem:$0x14200] =	vst v63  }
0x72: {  	s30 =	simm.s32 $0xCA00  }
0x73: {  	[tilespmem:s30], [sflag:$0x3] =	stream.indirect_vreg.gather [hbm4b:s12+s3], $0x80, v4, vm0, $0xb8;
	[tilespmem:$0x14200] =	vst v63  }
0x74: {  	s9 =	simm.s32 $0xD200  }
0x75: {  	[tilespmem:s9], [sflag:$0x3] =	stream.indirect_vreg.gather [hbm4b:s5+s3], $0x80, v3, vm0, $0xb8;
	[tilespmem:$0x14200] =	vst v63  }
0x76: {  	s10 =	simm.s32 $0xDA00  }
0x77: {  	[tilespmem:s10], [sflag:$0x3] =	stream.indirect_vreg.gather [hbm4b:s12+s3], $0x80, v3, vm0, $0xb8;
	[tilespmem:$0x14200] =	vst v63  }
0x78: {  	v3 =	vld.msk [tilespmem:$0x120], $0xff;
	_ =	sdelay $0x4  }
0x79: {  	v63 =	vshll.u32 v3, $0x2  }
0x7a: {  	v3 =	vand.u32 $0x7, v3;
	v4 =	vand.u32 $0xFFFFFFE0, v63  }
0x7b: {  	v3 =	vor.u32 v3, v4  }
0x7c: {  	v3 =	vperm.xlane v3, v0;
	_ =	sdelay $0x1  }
0x7d: {  	v3 =	vadd.s32 v1, v3;
	_ =	sdelay $0x3  }
0x7e: {  	s14 =	simm.s32 $0xE200  }
0x7f: {  	[tilespmem:s14], [sflag:$0x3] =	stream.indirect_vreg.gather [hbm4b:s5+s3], $0x80, v3, vm0, $0xb8;
	[tilespmem:$0x14200] =	vst v63  }
0x80: {  	s15 =	simm.s32 $0xEA00  }
0x81: {  	[tilespmem:s15], [sflag:$0x3] =	stream.indirect_vreg.gather [hbm4b:s12+s3], $0x80, v3, vm0, $0xb8;
	[tilespmem:$0x14200] =	vst v63  }
0x82: {  	_ =	swait.ge [sflag:s7], $0x5000  }
0x83: {  	[sflag:s7] =	ssyncset.done $0x0  }
0x84: {  	[sflag:s7] =	ssyncadd.s32 $0xFFFFB000  }
0x85: {  	_ =	swait.ge [sflag:s7], $0x5000  }
0x86: {  	[sflag:s7] =	ssyncset.done $0x0  }
0x87: {  	s9 =	simm.s32 $0x7;
	s19 =	rddreg [dreg:$0x9];
	[sflag:s7] =	ssyncadd.s32 $0xFFFFB000  }
0x88: {  	[hbm4b:s19+s3] =	stream.linear.scatter [tilespmem:s28], [sflag:$0x7], $0x5000, $0x38;
	[tilespmem:$0x14200] =	vst v63  }
0x89: {  	_ =	swait.ge [sflag:s9], $0x5000  }
0x8a: {  	[sflag:s9] =	ssyncset.done $0x0  }
0x8b: {  	s20 =	rddreg [dreg:$0xa];
	[sflag:s9] =	ssyncadd.s32 $0xFFFFB000  }
0x8c: {  	[hbm4b:s20+s3] =	stream.linear.scatter [tilespmem:s13], [sflag:$0x7], $0x5000, $0x38;
	[tilespmem:$0x14200] =	vst v63  }
0x8d: {  	_ =	swait.ge [sflag:s9], $0x5000  }
0x8e: {  	s10 =	rddreg [dreg:$0xf]  }
0x8f: {  	s30 =	rddreg [dreg:$0xb];
	s10 =	sadd.s32 $0x1, s10  }
0x90: {  	p0 =	sne.s32 s10, s30  }
.Ltmp1:
0x91: {  	_ = 	snop;
	(pc) =	sbr.rel @!p0 .LBB2_5-.Ltmp1, $3  }
0x92: {  	_ =	sdelay $0x1  }
0x93: {  	[sflag:s9] =	ssyncset.done $0x0  }
0x94: {  	[sflag:s9] =	ssyncadd.s32 $0xFFFFB000  }
.LBB2_1:
0x95: {  	[dreg:$0xf] =	wrdreg s10  }
0x96: {  	s2 =	rddreg [dreg:$0x3]  }
0x97: {  	s14 =	rddreg [dreg:$0x4]  }
0x98: {  	s15 =	rddreg [dreg:$0x5]  }
0x99: {  	[tilespmem:s3], [sflag:$0x1] =	stream.linear.gather [hbm4b:s2+s3], $0x28, $0x38;
	[tilespmem:$0x14200] =	vst v63  }
0x9a: {  	s20 =	rddreg [dreg:$0x6]  }
0x9b: {  	[tilespmem:s8], [sflag:$0x1] =	stream.linear.gather [hbm4b:s14+s3], $0x28, $0x38;
	[tilespmem:$0x14200] =	vst v63  }
0x9c: {  	s19 =	simm.s32 $0x80;
	s9 =	rddreg [dreg:$0xd]  }
0x9d: {  	[tilespmem:s19], [sflag:$0x2] =	stream.linear.gather [hbm4b:s15+s3], $0x28, $0x38;
	[tilespmem:$0x14200] =	vst v63  }
0x9e: {  	s30 =	simm.s32 $0x180;
	s19 =	rddreg [dreg:$0xe]  }
0x9f: {  	[tilespmem:s30], [sflag:$0x2] =	stream.linear.gather [hbm4b:s20+s3], $0x28, $0x38;
	[tilespmem:$0x14200] =	vst v63  }
0xa0: {  	s8 =	simm.s32 $0x0;
	s20 =	rddreg [dreg:$0xc]  }
.LBB2_2:
0xa1: {  	_ =	swait.ge [sflag:s26], $0x28  }
0xa2: {  	[sflag:s26] =	ssyncset.done $0x0  }
0xa3: {  	[sflag:s26] =	ssyncadd.s32 $0xFFFFFFD8  }
0xa4: {  	_ =	swait.ge [sflag:s26], $0x28  }
0xa5: {  	p0 =	seq.s32 s8, $0x0;
	[sflag:s26] =	ssyncset.done $0x0  }
0xa6: {  	s10 =	simm.s32 @!p0 $0x5;
	[sflag:s26] =	ssyncadd.s32 $0xFFFFFFD8  }
0xa7: {  	_ =	swait.ge @!p0 [sflag:s10], $0x5000  }
0xa8: {  	[sflag:s10] =	ssyncset.done @!p0 $0x0  }
0xa9: {  	[sflag:s10] =	ssyncadd.s32 @!p0 $0xFFFFB000  }
0xaa: {  	_ =	swait.ge @!p0 [sflag:s10], $0x5000  }
0xab: {  	[sflag:s10] =	ssyncset.done @!p0 $0x0  }
0xac: {  	[sflag:s10] =	ssyncadd.s32 @!p0 $0xFFFFB000  }
0xad: {  	v3 =	vld [tilespmem:$0x0];
	_ =	sdelay $0x4  }
0xae: {  	v4 =	vshll.u32 v3, $0x2  }
0xaf: {  	v3 =	vand.u32 $0x7, v3;
	v4 =	vand.u32 $0xFFFFFFE0, v4  }
0xb0: {  	v3 =	vor.u32 v3, v4  }
0xb1: {  	v4 =	vperm.xlane v3, v0;
	_ =	sdelay $0x1  }
0xb2: {  	v4 =	vadd.s32 v1, v4;
	_ =	sdelay $0x1  }
0xb3: {  	v3 =	vperm.xlane v3, v2;
	_ =	sdelay $0x1  }
0xb4: {  	v3 =	vadd.s32 v1, v3  }
0xb5: {  	[tilespmem:s28], [sflag:$0x3] =	stream.indirect_vreg.gather [hbm4b:s4+s3], $0x80, v4, vm0, $0xb8;
	[tilespmem:$0x14200] =	vst v63  }
0xb6: {  	s2 =	simm.s32 $0xA00  }
0xb7: {  	[tilespmem:s2], [sflag:$0x3] =	stream.indirect_vreg.gather [hbm4b:s11+s3], $0x80, v4, vm0, $0xb8;
	[tilespmem:$0x14200] =	vst v63  }
0xb8: {  	s30 =	simm.s32 $0x1200  }
0xb9: {  	[tilespmem:s30], [sflag:$0x3] =	stream.indirect_vreg.gather [hbm4b:s4+s3], $0x80, v3, vm0, $0xb8;
	[tilespmem:$0x14200] =	vst v63  }
0xba: {  	s10 =	simm.s32 $0x1A00  }
0xbb: {  	[tilespmem:s10], [sflag:$0x3] =	stream.indirect_vreg.gather [hbm4b:s11+s3], $0x80, v3, vm0, $0xb8;
	[tilespmem:$0x14200] =	vst v63  }
0xbc: {  	v3 =	vld [tilespmem:$0x10];
	_ =	sdelay $0x4  }
0xbd: {  	v53 =	vshll.u32 v3, $0x2  }
0xbe: {  	v3 =	vand.u32 $0x7, v3;
	v4 =	vand.u32 $0xFFFFFFE0, v53  }
0xbf: {  	v3 =	vor.u32 v3, v4  }
0xc0: {  	v4 =	vperm.xlane v3, v0;
	_ =	sdelay $0x1  }
0xc1: {  	v4 =	vadd.s32 v1, v4;
	_ =	sdelay $0x1  }
0xc2: {  	v3 =	vperm.xlane v3, v2;
	_ =	sdelay $0x1  }
0xc3: {  	s14 =	simm.s32 $0x2200;
	v3 =	vadd.s32 v1, v3  }
0xc4: {  	[tilespmem:s14], [sflag:$0x3] =	stream.indirect_vreg.gather [hbm4b:s4+s3], $0x80, v4, vm0, $0xb8;
	[tilespmem:$0x14200] =	vst v63  }
0xc5: {  	s15 =	simm.s32 $0x2A00  }
0xc6: {  	[tilespmem:s15], [sflag:$0x3] =	stream.indirect_vreg.gather [hbm4b:s11+s3], $0x80, v4, vm0, $0xb8;
	[tilespmem:$0x14200] =	vst v63  }
0xc7: {  	s30 =	simm.s32 $0x3200  }
0xc8: {  	[tilespmem:s30], [sflag:$0x3] =	stream.indirect_vreg.gather [hbm4b:s4+s3], $0x80, v3, vm0, $0xb8;
	[tilespmem:$0x14200] =	vst v63  }
0xc9: {  	s10 =	simm.s32 $0x3A00  }
0xca: {  	[tilespmem:s10], [sflag:$0x3] =	stream.indirect_vreg.gather [hbm4b:s11+s3], $0x80, v3, vm0, $0xb8;
	[tilespmem:$0x14200] =	vst v63  }
0xcb: {  	v3 =	vld.msk [tilespmem:$0x20], $0xff;
	_ =	sdelay $0x4  }
0xcc: {  	v54 =	vshll.u32 v3, $0x2  }
0xcd: {  	v3 =	vand.u32 $0x7, v3;
	v4 =	vand.u32 $0xFFFFFFE0, v54  }
0xce: {  	v3 =	vor.u32 v3, v4  }
0xcf: {  	v3 =	vperm.xlane v3, v0;
	_ =	sdelay $0x1  }
0xd0: {  	v3 =	vadd.s32 v1, v3;
	_ =	sdelay $0x3  }
0xd1: {  	s14 =	simm.s32 $0x4200  }
0xd2: {  	[tilespmem:s14], [sflag:$0x3] =	stream.indirect_vreg.gather [hbm4b:s4+s3], $0x80, v3, vm0, $0xb8;
	[tilespmem:$0x14200] =	vst v63  }
0xd3: {  	s15 =	simm.s32 $0x4A00  }
0xd4: {  	[tilespmem:s15], [sflag:$0x3] =	stream.indirect_vreg.gather [hbm4b:s11+s3], $0x80, v3, vm0, $0xb8;
	[tilespmem:$0x14200] =	vst v63  }
0xd5: {  	v3 =	vld [tilespmem:$0x100];
	_ =	sdelay $0x4  }
0xd6: {  	v55 =	vshll.u32 v3, $0x2  }
0xd7: {  	v3 =	vand.u32 $0x7, v3;
	v4 =	vand.u32 $0xFFFFFFE0, v55  }
0xd8: {  	v3 =	vor.u32 v3, v4  }
0xd9: {  	v4 =	vperm.xlane v3, v0;
	_ =	sdelay $0x1  }
0xda: {  	v4 =	vadd.s32 v1, v4;
	_ =	sdelay $0x1  }
0xdb: {  	v3 =	vperm.xlane v3, v2;
	_ =	sdelay $0x1  }
0xdc: {  	v3 =	vadd.s32 v1, v3  }
0xdd: {  	[tilespmem:s13], [sflag:$0x3] =	stream.indirect_vreg.gather [hbm4b:s5+s3], $0x80, v4, vm0, $0xb8;
	[tilespmem:$0x14200] =	vst v63  }
0xde: {  	s30 =	simm.s32 $0xAA00  }
0xdf: {  	[tilespmem:s30], [sflag:$0x3] =	stream.indirect_vreg.gather [hbm4b:s12+s3], $0x80, v4, vm0, $0xb8;
	[tilespmem:$0x14200] =	vst v63  }
0xe0: {  	s10 =	simm.s32 $0xB200  }
0xe1: {  	[tilespmem:s10], [sflag:$0x3] =	stream.indirect_vreg.gather [hbm4b:s5+s3], $0x80, v3, vm0, $0xb8;
	[tilespmem:$0x14200] =	vst v63  }
0xe2: {  	s14 =	simm.s32 $0xBA00  }
0xe3: {  	[tilespmem:s14], [sflag:$0x3] =	stream.indirect_vreg.gather [hbm4b:s12+s3], $0x80, v3, vm0, $0xb8;
	[tilespmem:$0x14200] =	vst v63  }
0xe4: {  	v3 =	vld [tilespmem:$0x110];
	_ =	sdelay $0x4  }
0xe5: {  	v56 =	vshll.u32 v3, $0x2  }
0xe6: {  	v3 =	vand.u32 $0x7, v3;
	v4 =	vand.u32 $0xFFFFFFE0, v56  }
0xe7: {  	v3 =	vor.u32 v3, v4  }
0xe8: {  	v4 =	vperm.xlane v3, v0;
	_ =	sdelay $0x1  }
0xe9: {  	v4 =	vadd.s32 v1, v4;
	_ =	sdelay $0x1  }
0xea: {  	v3 =	vperm.xlane v3, v2;
	_ =	sdelay $0x1  }
0xeb: {  	s15 =	simm.s32 $0xC200;
	v3 =	vadd.s32 v1, v3  }
0xec: {  	[tilespmem:s15], [sflag:$0x3] =	stream.indirect_vreg.gather [hbm4b:s5+s3], $0x80, v4, vm0, $0xb8;
	[tilespmem:$0x14200] =	vst v63  }
0xed: {  	s30 =	simm.s32 $0xCA00  }
0xee: {  	[tilespmem:s30], [sflag:$0x3] =	stream.indirect_vreg.gather [hbm4b:s12+s3], $0x80, v4, vm0, $0xb8;
	[tilespmem:$0x14200] =	vst v63  }
0xef: {  	s10 =	simm.s32 $0xD200  }
0xf0: {  	[tilespmem:s10], [sflag:$0x3] =	stream.indirect_vreg.gather [hbm4b:s5+s3], $0x80, v3, vm0, $0xb8;
	[tilespmem:$0x14200] =	vst v63  }
0xf1: {  	s14 =	simm.s32 $0xDA00  }
0xf2: {  	[tilespmem:s14], [sflag:$0x3] =	stream.indirect_vreg.gather [hbm4b:s12+s3], $0x80, v3, vm0, $0xb8;
	[tilespmem:$0x14200] =	vst v63  }
0xf3: {  	v3 =	vld.msk [tilespmem:$0x120], $0xff;
	_ =	sdelay $0x4  }
0xf4: {  	v57 =	vshll.u32 v3, $0x2  }
0xf5: {  	v3 =	vand.u32 $0x7, v3;
	v4 =	vand.u32 $0xFFFFFFE0, v57  }
0xf6: {  	v3 =	vor.u32 v3, v4  }
0xf7: {  	v3 =	vperm.xlane v3, v0;
	_ =	sdelay $0x1  }
0xf8: {  	v3 =	vadd.s32 v1, v3;
	_ =	sdelay $0x3  }
0xf9: {  	s15 =	simm.s32 $0xE200  }
0xfa: {  	[tilespmem:s15], [sflag:$0x3] =	stream.indirect_vreg.gather [hbm4b:s5+s3], $0x80, v3, vm0, $0xb8;
	[tilespmem:$0x14200] =	vst v63  }
0xfb: {  	s30 =	simm.s32 $0xEA00  }
0xfc: {  	[tilespmem:s30], [sflag:$0x3] =	stream.indirect_vreg.gather [hbm4b:s12+s3], $0x80, v3, vm0, $0xb8;
	[tilespmem:$0x14200] =	vst v63  }
0xfd: {  	_ =	swait.ge [sflag:s24], $0x28  }
0xfe: {  	[sflag:s24] =	ssyncset.done $0x0  }
0xff: {  	[sflag:s24] =	ssyncadd.s32 $0xFFFFFFD8  }
0x100: {  	_ =	swait.ge [sflag:s24], $0x28  }
0x101: {  	[sflag:s24] =	ssyncset.done $0x0  }
0x102: {  	s10 =	simm.s32 @!p0 $0x6;
	[sflag:s24] =	ssyncadd.s32 $0xFFFFFFD8  }
0x103: {  	_ =	swait.ge @!p0 [sflag:s10], $0x5000  }
0x104: {  	[sflag:s10] =	ssyncset.done @!p0 $0x0  }
0x105: {  	[sflag:s10] =	ssyncadd.s32 @!p0 $0xFFFFB000  }
0x106: {  	_ =	swait.ge @!p0 [sflag:s10], $0x5000  }
0x107: {  	[sflag:s10] =	ssyncset.done @!p0 $0x0  }
0x108: {  	[sflag:s10] =	ssyncadd.s32 @!p0 $0xFFFFB000  }
0x109: {  	v3 =	vld [tilespmem:$0x80];
	_ =	sdelay $0x4  }
0x10a: {  	v58 =	vshll.u32 v3, $0x2  }
0x10b: {  	v3 =	vand.u32 $0x7, v3;
	v4 =	vand.u32 $0xFFFFFFE0, v58  }
0x10c: {  	v3 =	vor.u32 v3, v4  }
0x10d: {  	v4 =	vperm.xlane v3, v0;
	_ =	sdelay $0x1  }
0x10e: {  	v4 =	vadd.s32 v1, v4;
	_ =	sdelay $0x1  }
0x10f: {  	v3 =	vperm.xlane v3, v2;
	_ =	sdelay $0x1  }
0x110: {  	v3 =	vadd.s32 v1, v3  }
0x111: {  	[tilespmem:s25], [sflag:$0x4] =	stream.indirect_vreg.gather [hbm4b:s4+s3], $0x80, v4, vm0, $0xb8;
	[tilespmem:$0x14200] =	vst v63  }
0x112: {  	s10 =	simm.s32 $0x5A00  }
0x113: {  	[tilespmem:s10], [sflag:$0x4] =	stream.indirect_vreg.gather [hbm4b:s11+s3], $0x80, v4, vm0, $0xb8;
	[tilespmem:$0x14200] =	vst v63  }
0x114: {  	s14 =	simm.s32 $0x6200  }
0x115: {  	[tilespmem:s14], [sflag:$0x4] =	stream.indirect_vreg.gather [hbm4b:s4+s3], $0x80, v3, vm0, $0xb8;
	[tilespmem:$0x14200] =	vst v63  }
0x116: {  	s15 =	simm.s32 $0x6A00  }
0x117: {  	[tilespmem:s15], [sflag:$0x4] =	stream.indirect_vreg.gather [hbm4b:s11+s3], $0x80, v3, vm0, $0xb8;
	[tilespmem:$0x14200] =	vst v63  }
0x118: {  	v3 =	vld [tilespmem:$0x90];
	_ =	sdelay $0x4  }
0x119: {  	v59 =	vshll.u32 v3, $0x2  }
0x11a: {  	v3 =	vand.u32 $0x7, v3;
	v4 =	vand.u32 $0xFFFFFFE0, v59  }
0x11b: {  	v3 =	vor.u32 v3, v4  }
0x11c: {  	v4 =	vperm.xlane v3, v0;
	_ =	sdelay $0x1  }
0x11d: {  	v4 =	vadd.s32 v1, v4;
	_ =	sdelay $0x1  }
0x11e: {  	v3 =	vperm.xlane v3, v2;
	_ =	sdelay $0x1  }
0x11f: {  	s30 =	simm.s32 $0x7200;
	v3 =	vadd.s32 v1, v3  }
0x120: {  	[tilespmem:s30], [sflag:$0x4] =	stream.indirect_vreg.gather [hbm4b:s4+s3], $0x80, v4, vm0, $0xb8;
	[tilespmem:$0x14200] =	vst v63  }
0x121: {  	s10 =	simm.s32 $0x7A00  }
0x122: {  	[tilespmem:s10], [sflag:$0x4] =	stream.indirect_vreg.gather [hbm4b:s11+s3], $0x80, v4, vm0, $0xb8;
	[tilespmem:$0x14200] =	vst v63  }
0x123: {  	s14 =	simm.s32 $0x8200  }
0x124: {  	[tilespmem:s14], [sflag:$0x4] =	stream.indirect_vreg.gather [hbm4b:s4+s3], $0x80, v3, vm0, $0xb8;
	[tilespmem:$0x14200] =	vst v63  }
0x125: {  	s15 =	simm.s32 $0x8A00  }
0x126: {  	[tilespmem:s15], [sflag:$0x4] =	stream.indirect_vreg.gather [hbm4b:s11+s3], $0x80, v3, vm0, $0xb8;
	[tilespmem:$0x14200] =	vst v63  }
0x127: {  	v3 =	vld.msk [tilespmem:$0xA0], $0xff;
	_ =	sdelay $0x4  }
0x128: {  	v60 =	vshll.u32 v3, $0x2  }
0x129: {  	v3 =	vand.u32 $0x7, v3;
	v4 =	vand.u32 $0xFFFFFFE0, v60  }
0x12a: {  	v3 =	vor.u32 v3, v4  }
0x12b: {  	v3 =	vperm.xlane v3, v0;
	_ =	sdelay $0x1  }
0x12c: {  	v3 =	vadd.s32 v1, v3;
	_ =	sdelay $0x3  }
0x12d: {  	s30 =	simm.s32 $0x9200  }
0x12e: {  	[tilespmem:s30], [sflag:$0x4] =	stream.indirect_vreg.gather [hbm4b:s4+s3], $0x80, v3, vm0, $0xb8;
	[tilespmem:$0x14200] =	vst v63  }
0x12f: {  	s10 =	simm.s32 $0x9A00  }
0x130: {  	[tilespmem:s10], [sflag:$0x4] =	stream.indirect_vreg.gather [hbm4b:s11+s3], $0x80, v3, vm0, $0xb8;
	[tilespmem:$0x14200] =	vst v63  }
0x131: {  	v3 =	vld [tilespmem:$0x180];
	_ =	sdelay $0x4  }
0x132: {  	v61 =	vshll.u32 v3, $0x2  }
0x133: {  	v3 =	vand.u32 $0x7, v3;
	v4 =	vand.u32 $0xFFFFFFE0, v61  }
0x134: {  	v3 =	vor.u32 v3, v4  }
0x135: {  	v4 =	vperm.xlane v3, v0;
	_ =	sdelay $0x1  }
0x136: {  	v4 =	vadd.s32 v1, v4;
	_ =	sdelay $0x1  }
0x137: {  	v3 =	vperm.xlane v3, v2;
	_ =	sdelay $0x1  }
0x138: {  	v3 =	vadd.s32 v1, v3  }
0x139: {  	[tilespmem:s29], [sflag:$0x4] =	stream.indirect_vreg.gather [hbm4b:s5+s3], $0x80, v4, vm0, $0xb8;
	[tilespmem:$0x14200] =	vst v63  }
0x13a: {  	s14 =	simm.s32 $0xFA00  }
0x13b: {  	[tilespmem:s14], [sflag:$0x4] =	stream.indirect_vreg.gather [hbm4b:s12+s3], $0x80, v4, vm0, $0xb8;
	[tilespmem:$0x14200] =	vst v63  }
0x13c: {  	s15 =	simm.s32 $0x10200  }
0x13d: {  	[tilespmem:s15], [sflag:$0x4] =	stream.indirect_vreg.gather [hbm4b:s5+s3], $0x80, v3, vm0, $0xb8;
	[tilespmem:$0x14200] =	vst v63  }
0x13e: {  	s30 =	simm.s32 $0x10A00  }
0x13f: {  	[tilespmem:s30], [sflag:$0x4] =	stream.indirect_vreg.gather [hbm4b:s12+s3], $0x80, v3, vm0, $0xb8;
	[tilespmem:$0x14200] =	vst v63  }
0x140: {  	v3 =	vld [tilespmem:$0x190];
	_ =	sdelay $0x4  }
0x141: {  	v62 =	vshll.u32 v3, $0x2  }
0x142: {  	v3 =	vand.u32 $0x7, v3;
	v4 =	vand.u32 $0xFFFFFFE0, v62  }
0x143: {  	v3 =	vor.u32 v3, v4  }
0x144: {  	v4 =	vperm.xlane v3, v0;
	_ =	sdelay $0x1  }
0x145: {  	v4 =	vadd.s32 v1, v4;
	_ =	sdelay $0x1  }
0x146: {  	v3 =	vperm.xlane v3, v2;
	_ =	sdelay $0x1  }
0x147: {  	v3 =	vadd.s32 v1, v3  }
0x148: {  	[tilespmem:s31], [sflag:$0x4] =	stream.indirect_vreg.gather [hbm4b:s5+s3], $0x80, v4, vm0, $0xb8;
	[tilespmem:$0x14200] =	vst v63  }
0x149: {  	_ = 	snop  }
0x14a: {  	[tilespmem:s16], [sflag:$0x4] =	stream.indirect_vreg.gather [hbm4b:s12+s3], $0x80, v4, vm0, $0xb8;
	[tilespmem:$0x14200] =	vst v63  }
0x14b: {  	_ = 	snop  }
0x14c: {  	[tilespmem:s0], [sflag:$0x4] =	stream.indirect_vreg.gather [hbm4b:s5+s3], $0x80, v3, vm0, $0xb8;
	[tilespmem:$0x14200] =	vst v63  }
0x14d: {  	_ = 	snop  }
0x14e: {  	[tilespmem:s17], [sflag:$0x4] =	stream.indirect_vreg.gather [hbm4b:s12+s3], $0x80, v3, vm0, $0xb8;
	[tilespmem:$0x14200] =	vst v63  }
0x14f: {  	v3 =	vld.msk [tilespmem:$0x1A0], $0xff;
	_ =	sdelay $0x4  }
0x150: {  	v63 =	vshll.u32 v3, $0x2  }
0x151: {  	v3 =	vand.u32 $0x7, v3;
	v4 =	vand.u32 $0xFFFFFFE0, v63  }
0x152: {  	v3 =	vor.u32 v3, v4  }
0x153: {  	v3 =	vperm.xlane v3, v0;
	_ =	sdelay $0x1  }
0x154: {  	v3 =	vadd.s32 v1, v3;
	_ =	sdelay $0x4  }
0x155: {  	[tilespmem:s1], [sflag:$0x4] =	stream.indirect_vreg.gather [hbm4b:s5+s3], $0x80, v3, vm0, $0xb8;
	[tilespmem:$0x14200] =	vst v63  }
0x156: {  	_ = 	snop  }
0x157: {  	[tilespmem:s23], [sflag:$0x4] =	stream.indirect_vreg.gather [hbm4b:s12+s3], $0x80, v3, vm0, $0xb8;
	[tilespmem:$0x14200] =	vst v63  }
0x158: {  	_ =	swait.ge [sflag:s7], $0x5000  }
0x159: {  	[sflag:s7] =	ssyncset.done $0x0  }
0x15a: {  	[sflag:s7] =	ssyncadd.s32 $0xFFFFB000  }
0x15b: {  	_ =	swait.ge [sflag:s7], $0x5000  }
0x15c: {  	[sflag:s7] =	ssyncset.done $0x0  }
0x15d: {  	p0 =	seq.s32 s8, $0x4C400;
	s10 =	sadd.s32 s8, s21;
	[sflag:s7] =	ssyncadd.s32 $0xFFFFB000  }
0x15e: {  	[hbm4b:s10+s3] =	stream.linear.scatter [tilespmem:s28], [sflag:$0x5], $0x5000, $0x38;
	[tilespmem:$0x14200] =	vst v63  }
0x15f: {  	s2 =	sadd.s32 s8, s22;
	s14 =	sshrl.u32 @!p0 s19, $0x3  }
0x160: {  	[hbm4b:s2+s3] =	stream.linear.scatter [tilespmem:s13], [sflag:$0x5], $0x5000, $0x38;
	[tilespmem:$0x14200] =	vst v63  }
0x161: {  	s15 =	simm.s32 @!p0 $0x0;
	s30 =	sadd.s32 @!p0 s6, s14  }
0x162: {  	[tilespmem:s15], [sflag:$0x1] =	stream.linear.gather @!p0 [hbm4b:s30+s15], $0x28, $0x38;
	[tilespmem:$0x14200] =	vst v63  }
0x163: {  	s30 =	rddreg [dreg:$0x1]  }
0x164: {  	s14 =	sadd.s32 @!p0 s30, s14;
	s30 =	simm.s32 @!p0 $0x100  }
0x165: {  	[tilespmem:s30], [sflag:$0x1] =	stream.linear.gather @!p0 [hbm4b:s14+s15], $0x28, $0x38;
	[tilespmem:$0x14200] =	vst v63  }
0x166: {  	_ =	swait.ge [sflag:s18], $0x5000  }
0x167: {  	[sflag:s18] =	ssyncset.done $0x0  }
0x168: {  	[sflag:s18] =	ssyncadd.s32 $0xFFFFB000  }
0x169: {  	_ =	swait.ge [sflag:s18], $0x5000  }
.Ltmp2:
0x16a: {  	[sflag:s18] =	ssyncset.done $0x0;
	(pc) =	sbr.rel @p0 .LBB2_4-.Ltmp2, $4  }
0x16b: {  	s10 =	sadd.s32 $0xA00, s10;
	[sflag:s18] =	ssyncadd.s32 $0xFFFFB000  }
0x16c: {  	[hbm4b:s10+s3] =	stream.linear.scatter [tilespmem:s25], [sflag:$0x6], $0x5000, $0x38;
	[tilespmem:$0x14200] =	vst v63  }
0x16d: {  	s2 =	sadd.s32 $0xA00, s2  }
0x16e: {  	[hbm4b:s2+s3] =	stream.linear.scatter [tilespmem:s29], [sflag:$0x6], $0x5000, $0x38;
	[tilespmem:$0x14200] =	vst v63  }
.Ltmp3:
0x16f: {  	s2 =	simm.s32 $0x80;
	(pc) =	sbr.rel .LBB2_2-.Ltmp3, $4  }
0x170: {  	[tilespmem:s2], [sflag:$0x2] =	stream.linear.gather [hbm4b:s9+s3], $0x28, $0x38;
	[tilespmem:$0x14200] =	vst v63  }
0x171: {  	s30 =	simm.s32 $0x180;
	s19 =	sadd.s32 $0x50, s19  }
0x172: {  	[tilespmem:s30], [sflag:$0x2] =	stream.linear.gather [hbm4b:s20+s3], $0x28, $0x38;
	[tilespmem:$0x14200] =	vst v63  }
0x173: {  	s8 =	sadd.s32 $0x1400, s8;
	s9 =	sadd.s32 $0xA, s9;
	s20 =	sadd.s32 $0xA, s20  }
.LBB2_5:
0x174: {  	_ =	sfence.sel $0x180000  }
0x175: {  	[bflag:$0x0] =	sbarrier.arrive $0xFFFF  }
0x176: {  	_ =	strace $0x90000047  }
0x177: {  	s0 =	stileid.u32;
	[bflag:$0x2] =	sbarrier.arrive $0xFFFF  }
0x178: {  	p0 =	sne.s32 s0, $0x0;
	s0 =	rddreg [dreg:$0x2]  }
0x179: {  	s0 =	sadd.s32 @!p0 $0x100000, s0  }
0x17a: {  	[sflag:s0] =	ssyncadd.tile.s32 @!p0 $0x1;
	_ =	shalt  }
.Lfunc_end2:
_tile_overlayer_lowered:
.L_overlay_start_2:
0x17b: {  	(tag) =	ssettag $0x2  }
0x17c: {  	s0 =	rddreg [dreg:$0x0];
	s2 =	stileid.u32  }
0x17d: {  	s1 =	rddreg [dreg:$0x1];
	p0 =	sne.s32 s2, $0x0  }
0x17e: {  	s3 =	rddreg [dreg:$0x2];
	[bflag:$0x3] =	sbarrier.arrive $0xFFFF;
	s2 =	simm.s32 @!p0 $0x1C07  }
0x17f: {  	[timem:s3], [sflag:s2] =	dma.local @!p0 [hbm:s0], s1  }
0x180: {  	s0 =	simm.s32 @!p0 $0x7  }
0x181: {  	_ =	swait.ge @!p0 [sflag:s0], s1  }
0x182: {  	s1 =	ssub.s32 @!p0 $0x0, s1;
	[sflag:s0] =	ssyncset.done @!p0 $0x0  }
0x183: {  	[sflag:s0] =	ssyncadd.s32 @!p0 s1  }
0x184: {  	[bflag:$0x3] =	sbarrier.arrive $0xFFFF  }
0x185: {  	_ =	shalt  }

</sc_bundles>
